<compile_context>
chip_gen: v7x
topology: tpu7x:2x2x1
jax: 0.10.2.dev20260603
libtpu: 0.0.44.dev20260713+nightly
codegen_flags: <defaults>
</compile_context>

<pallas_src>
import functools

import jax
import jax.numpy as jnp
import numpy as np
from jax import lax
from jax.experimental import pallas as pl
from jax.experimental.pallas import tpu as pltpu
from jax.experimental.pallas import tpu_sc as plsc

_VOCAB = 100000
_D = 1024
_B = 4
_L = 4096

_NC = 2
_NS = 16
_NW = _NC * _NS
_LPW = _L // _NW
_C = 16
_NCHUNK = _LPW // _C


def _pe_table() -> np.ndarray:
    pos = np.arange(_L, dtype=np.float32)[:, None]
    dim = np.arange(_D, dtype=np.float32)
    pe = np.zeros((_L, _D), dtype=np.float32)
    pe[:, 0::2] = np.sin(pos / 10000.0 ** (dim[0::2] / _D)).astype(np.float32)
    pe[:, 1::2] = np.cos(pos / 10000.0 ** (dim[1::2] / _D)).astype(np.float32)
    return pe


_PE = _pe_table()


def _body(x_ref, pe_ref, table_ref, out_ref,
          idx_v, pe_v, r0, r1, r2, r3,
          gs0, gs1, gs2, gs3, os0, os1, os2, os3, ps0):
    rows = (r0, r1, r2, r3)
    gsem = (gs0, gs1, gs2, gs3)
    osem = (os0, os1, os2, os3)

    wid = lax.axis_index("s") * _NC + lax.axis_index("c")
    l0 = wid * _LPW

    for b in range(_B):
        pltpu.sync_copy(x_ref.at[pl.ds(b * _L + l0, _LPW)], idx_v.at[b])

    def issue_pe(c):
        pltpu.async_copy(pe_ref.at[pl.ds(l0 + c * _C, _C)], pe_v, ps0)

    def issue_gather(c, b):
        idx = idx_v.at[b, pl.ds(c * _C, _C)]
        pltpu.async_copy(table_ref.at[idx], rows[b], gsem[b])

    def issue_scatter(c, b):
        row0 = b * _L + l0 + c * _C
        pltpu.async_copy(rows[b], out_ref.at[pl.ds(row0, _C)], osem[b])

    def wait_pe():
        pltpu.make_async_copy(pe_ref.at[pl.ds(0, _C)], pe_v, ps0).wait()

    def wait_gather(b):
        pltpu.make_async_copy(table_ref.at[pl.ds(0, _C)], rows[b],
                              gsem[b]).wait()

    def wait_scatter(b):
        pltpu.make_async_copy(table_ref.at[pl.ds(0, _C)], rows[b],
                              osem[b]).wait()

    def add_pe(rv):
        @pl.loop(0, _C)
        def _row(r):
            rr = rv.at[r]
            pr = pe_v.at[r]

            @pl.loop(0, _D // 16, unroll=16)
            def _grp(j):
                sl = pl.ds(j * 16, 16)
                plsc.addupdate(rr.at[sl], pr[sl])

    issue_pe(0)
    for b in range(_B):
        issue_gather(0, b)

    last = _NCHUNK - 1

    @pl.loop(0, _NCHUNK)
    def _chunk(c):
        cn = jnp.minimum(c + 1, last)
        wait_pe()
        for b in range(_B):
            wait_gather(b)
            add_pe(rows[b])
            issue_scatter(c, b)
        issue_pe(cn)
        for b in range(_B):
            wait_scatter(b)
            issue_gather(cn, b)

    wait_pe()
    for b in range(_B):
        wait_gather(b)


@functools.lru_cache(maxsize=1)
def _build():
    return pl.kernel(
        _body,
        out_type=jax.ShapeDtypeStruct((_B * _L, _D), jnp.float32),
        mesh=plsc.VectorSubcoreMesh(core_axis_name="c", subcore_axis_name="s",
                                    num_cores=_NC, num_subcores=_NS),
        scratch_types=(
            [pltpu.VMEM((_B, _LPW), jnp.int32),
             pltpu.VMEM((_C, _D), jnp.float32)]
            + [pltpu.VMEM((_C, _D), jnp.float32)
               for _ in range(_B)]
            + [pltpu.SemaphoreType.DMA for _ in range(2 * _B + 1)]
        ),
    )


def kernel(x, table):
    pe = jnp.asarray(_PE)
    x_flat = x.reshape(_B * _L).astype(jnp.int32)
    out = _build()(x_flat, pe, table)
    return out.reshape(_B, _L, _D)

# --- scband reference (transcript-rebuilt; emitter-appended) ---
"""Pipeline reference for scband-embedding-45853070852217 (READ-ONLY COPY).

The authoritative reference and input builder live on the scoring server;
editing this copy changes nothing except your own understanding.
"""

import jax, jax.numpy as jnp
import numpy as np

VOCAB = 100000
D_MODEL = 1024
BATCH = 4
SEQ_LEN = 4096


def positional_encoding(seq_len):
    pos = jnp.arange(0, seq_len, dtype=jnp.float32)[:, None]
    dim = jnp.arange(0, D_MODEL, dtype=jnp.float32)
    result = jnp.zeros((seq_len, D_MODEL), dtype=jnp.float32)
    result = result.at[:, 0::2].set(jnp.sin(pos / 10000 ** (dim[0::2] / D_MODEL)))
    result = result.at[:, 1::2].set(jnp.cos(pos / 10000 ** (dim[1::2] / D_MODEL)))
    return result


def setup_inputs(seed: int = 0) -> dict:
    key = jax.random.key(seed)
    k1, k2 = jax.random.split(key)
    x = jax.random.randint(k1, (BATCH, SEQ_LEN), 0, VOCAB)
    # learned embedding table (nn.Embedding weight), N(0,1) init like torch default
    table = jax.random.normal(k2, (VOCAB, D_MODEL), dtype=jnp.float32)
    return {"x": x, "table": table}


def reference(x, table):
    # embedding lookup (gather) -> [B, L, D]
    emb = jnp.take(table, x, axis=0)
    # add sinusoidal positional encoding, broadcast over batch
    pe = positional_encoding(x.shape[1])
    return emb + pe[None, :, :]

if __name__ == "__main__":
    import jax
    _d = setup_inputs()
    print(jax.jit(kernel)(*tuple(_d.values())))

</pallas_src>

<mosaic_0001>
#map = affine_map<(d0, d1) -> (0)>
#map1 = affine_map<(d0, d1) -> (0, 0)>
module attributes {stable_mosaic.version = 14 : i64} {
  func.func @_body(%arg0: i32, %arg1: i32, %arg2: memref<16384xi32, #tpu.memory_space<hbm>>, %arg3: memref<4096x1024xf32, #tpu.memory_space<hbm>>, %arg4: memref<100000x1024xf32, #tpu.memory_space<hbm>>, %arg5: memref<16384x1024xf32, #tpu.memory_space<hbm>>, %arg6: memref<4x128xi32, #tpu.memory_space<vmem>>, %arg7: memref<16x1024xf32, #tpu.memory_space<vmem>>, %arg8: memref<16x1024xf32, #tpu.memory_space<vmem>>, %arg9: memref<16x1024xf32, #tpu.memory_space<vmem>>, %arg10: memref<16x1024xf32, #tpu.memory_space<vmem>>, %arg11: memref<16x1024xf32, #tpu.memory_space<vmem>>, %arg12: memref<!tpu.dma_semaphore, #tpu.memory_space<semaphore_mem>>, %arg13: memref<!tpu.dma_semaphore, #tpu.memory_space<semaphore_mem>>, %arg14: memref<!tpu.dma_semaphore, #tpu.memory_space<semaphore_mem>>, %arg15: memref<!tpu.dma_semaphore, #tpu.memory_space<semaphore_mem>>, %arg16: memref<!tpu.dma_semaphore, #tpu.memory_space<semaphore_mem>>, %arg17: memref<!tpu.dma_semaphore, #tpu.memory_space<semaphore_mem>>, %arg18: memref<!tpu.dma_semaphore, #tpu.memory_space<semaphore_mem>>, %arg19: memref<!tpu.dma_semaphore, #tpu.memory_space<semaphore_mem>>, %arg20: memref<!tpu.dma_semaphore, #tpu.memory_space<semaphore_mem>>) attributes {dimension_semantics = [#tpu.dimension_semantics<core_parallel>, #tpu.dimension_semantics<subcore_parallel>], iteration_bounds = array<i64: 2, 16>, scalar_prefetch = 0 : i64, scratch_operands = 15 : i64, tpu.core_type = #tpu.core_type<sc_vector_subcore>, window_params = [{transform_indices = #map}, {transform_indices = #map1}, {transform_indices = #map1}, {transform_indices = #map1}]} {
    %mul3A = arith.constant 2 : i32
    %mul3A_0 = arith.muli %arg1, %mul3A : i32
    %add3A = arith.addi %mul3A_0, %arg0 : i32
    %mul3A_1 = arith.constant 128 : i32
    %mul3A_2 = arith.muli %add3A, %mul3A_1 : i32
    %add3A_3 = arith.constant 0 : i32
    %add3A_4 = arith.addi %add3A_3, %mul3A_2 : i32
    %run_scoped3A = arith.constant 0 : i32
    "tpu.region"() ({
      %run_scoped3A_80 = tpu.sem_alloc : memref<!tpu.dma_semaphore, #tpu.memory_space<semaphore_mem>>
      %dma_start3A_81 = arith.constant 0 : i32
      %dma_start3A_82 = tpu.memref_slice %arg6[%run_scoped3A, %dma_start3A_81] : memref<4x128xi32, #tpu.memory_space<vmem>> -> memref<1x128xi32, #tpu.memory_space<vmem>>
      %dma_start3A_83 = tpu.memref_squeeze %dma_start3A_82 : memref<1x128xi32, #tpu.memory_space<vmem>> -> memref<128xi32, #tpu.memory_space<vmem>>
      %dma_start3A_84 = tpu.memref_slice %arg2[%add3A_4] : memref<16384xi32, #tpu.memory_space<hbm>> -> memref<128xi32, #tpu.memory_space<hbm>>
      %dma_start3A_85 = arith.constant 0 : i32
      %dma_start3A_86 = tpu.memref_slice %arg6[%run_scoped3A, %dma_start3A_85] : memref<4x128xi32, #tpu.memory_space<vmem>> -> memref<1x128xi32, #tpu.memory_space<vmem>>
      %dma_start3A_87 = tpu.memref_squeeze %dma_start3A_86 : memref<1x128xi32, #tpu.memory_space<vmem>> -> memref<128xi32, #tpu.memory_space<vmem>>
      %dma_start3A_88 = tpu.memref_slice %arg2[%add3A_4] : memref<16384xi32, #tpu.memory_space<hbm>> -> memref<128xi32, #tpu.memory_space<hbm>>
      tpu.enqueue_dma source(%dma_start3A_88 : memref<128xi32, #tpu.memory_space<hbm>>) target(%dma_start3A_87 : memref<128xi32, #tpu.memory_space<vmem>>) target_semaphore(%run_scoped3A_80 : memref<!tpu.dma_semaphore, #tpu.memory_space<semaphore_mem>>)
      %dma_wait3A_89 = arith.constant 0 : i32
      %dma_wait3A_90 = tpu.memref_slice %arg6[%run_scoped3A, %dma_wait3A_89] : memref<4x128xi32, #tpu.memory_space<vmem>> -> memref<1x128xi32, #tpu.memory_space<vmem>>
      %dma_wait3A_91 = tpu.memref_squeeze %dma_wait3A_90 : memref<1x128xi32, #tpu.memory_space<vmem>> -> memref<128xi32, #tpu.memory_space<vmem>>
      %dma_wait3A_92 = tpu.memref_slice %arg2[%add3A_4] : memref<16384xi32, #tpu.memory_space<hbm>> -> memref<128xi32, #tpu.memory_space<hbm>>
      %dma_wait3A_93 = arith.constant 0 : i32
      %dma_wait3A_94 = tpu.memref_slice %arg6[%run_scoped3A, %dma_wait3A_93] : memref<4x128xi32, #tpu.memory_space<vmem>> -> memref<1x128xi32, #tpu.memory_space<vmem>>
      %dma_wait3A_95 = tpu.memref_squeeze %dma_wait3A_94 : memref<1x128xi32, #tpu.memory_space<vmem>> -> memref<128xi32, #tpu.memory_space<vmem>>
      %dma_wait3A_96 = tpu.memref_slice %arg2[%add3A_4] : memref<16384xi32, #tpu.memory_space<hbm>> -> memref<128xi32, #tpu.memory_space<hbm>>
      tpu.wait_dma2 semaphore(%run_scoped3A_80 : memref<!tpu.dma_semaphore, #tpu.memory_space<semaphore_mem>>) src(%dma_wait3A_96 : memref<128xi32, #tpu.memory_space<hbm>>) dst(%dma_wait3A_95 : memref<128xi32, #tpu.memory_space<vmem>>)
      tpu.yield
    }) : () -> ()
    %add3A_5 = arith.constant 4096 : i32
    %add3A_6 = arith.addi %add3A_5, %mul3A_2 : i32
    %run_scoped3A_7 = arith.constant 1 : i32
    "tpu.region"() ({
      %run_scoped3A_80 = tpu.sem_alloc : memref<!tpu.dma_semaphore, #tpu.memory_space<semaphore_mem>>
      %dma_start3A_81 = arith.constant 0 : i32
      %dma_start3A_82 = tpu.memref_slice %arg6[%run_scoped3A_7, %dma_start3A_81] : memref<4x128xi32, #tpu.memory_space<vmem>> -> memref<1x128xi32, #tpu.memory_space<vmem>>
      %dma_start3A_83 = tpu.memref_squeeze %dma_start3A_82 : memref<1x128xi32, #tpu.memory_space<vmem>> -> memref<128xi32, #tpu.memory_space<vmem>>
      %dma_start3A_84 = tpu.memref_slice %arg2[%add3A_6] : memref<16384xi32, #tpu.memory_space<hbm>> -> memref<128xi32, #tpu.memory_space<hbm>>
      %dma_start3A_85 = arith.constant 0 : i32
      %dma_start3A_86 = tpu.memref_slice %arg6[%run_scoped3A_7, %dma_start3A_85] : memref<4x128xi32, #tpu.memory_space<vmem>> -> memref<1x128xi32, #tpu.memory_space<vmem>>
      %dma_start3A_87 = tpu.memref_squeeze %dma_start3A_86 : memref<1x128xi32, #tpu.memory_space<vmem>> -> memref<128xi32, #tpu.memory_space<vmem>>
      %dma_start3A_88 = tpu.memref_slice %arg2[%add3A_6] : memref<16384xi32, #tpu.memory_space<hbm>> -> memref<128xi32, #tpu.memory_space<hbm>>
      tpu.enqueue_dma source(%dma_start3A_88 : memref<128xi32, #tpu.memory_space<hbm>>) target(%dma_start3A_87 : memref<128xi32, #tpu.memory_space<vmem>>) target_semaphore(%run_scoped3A_80 : memref<!tpu.dma_semaphore, #tpu.memory_space<semaphore_mem>>)
      %dma_wait3A_89 = arith.constant 0 : i32
      %dma_wait3A_90 = tpu.memref_slice %arg6[%run_scoped3A_7, %dma_wait3A_89] : memref<4x128xi32, #tpu.memory_space<vmem>> -> memref<1x128xi32, #tpu.memory_space<vmem>>
      %dma_wait3A_91 = tpu.memref_squeeze %dma_wait3A_90 : memref<1x128xi32, #tpu.memory_space<vmem>> -> memref<128xi32, #tpu.memory_space<vmem>>
      %dma_wait3A_92 = tpu.memref_slice %arg2[%add3A_6] : memref<16384xi32, #tpu.memory_space<hbm>> -> memref<128xi32, #tpu.memory_space<hbm>>
      %dma_wait3A_93 = arith.constant 0 : i32
      %dma_wait3A_94 = tpu.memref_slice %arg6[%run_scoped3A_7, %dma_wait3A_93] : memref<4x128xi32, #tpu.memory_space<vmem>> -> memref<1x128xi32, #tpu.memory_space<vmem>>
      %dma_wait3A_95 = tpu.memref_squeeze %dma_wait3A_94 : memref<1x128xi32, #tpu.memory_space<vmem>> -> memref<128xi32, #tpu.memory_space<vmem>>
      %dma_wait3A_96 = tpu.memref_slice %arg2[%add3A_6] : memref<16384xi32, #tpu.memory_space<hbm>> -> memref<128xi32, #tpu.memory_space<hbm>>
      tpu.wait_dma2 semaphore(%run_scoped3A_80 : memref<!tpu.dma_semaphore, #tpu.memory_space<semaphore_mem>>) src(%dma_wait3A_96 : memref<128xi32, #tpu.memory_space<hbm>>) dst(%dma_wait3A_95 : memref<128xi32, #tpu.memory_space<vmem>>)
      tpu.yield
    }) : () -> ()
    %add3A_8 = arith.constant 8192 : i32
    %add3A_9 = arith.addi %add3A_8, %mul3A_2 : i32
    %run_scoped3A_10 = arith.constant 2 : i32
    "tpu.region"() ({
      %run_scoped3A_80 = tpu.sem_alloc : memref<!tpu.dma_semaphore, #tpu.memory_space<semaphore_mem>>
      %dma_start3A_81 = arith.constant 0 : i32
      %dma_start3A_82 = tpu.memref_slice %arg6[%run_scoped3A_10, %dma_start3A_81] : memref<4x128xi32, #tpu.memory_space<vmem>> -> memref<1x128xi32, #tpu.memory_space<vmem>>
      %dma_start3A_83 = tpu.memref_squeeze %dma_start3A_82 : memref<1x128xi32, #tpu.memory_space<vmem>> -> memref<128xi32, #tpu.memory_space<vmem>>
      %dma_start3A_84 = tpu.memref_slice %arg2[%add3A_9] : memref<16384xi32, #tpu.memory_space<hbm>> -> memref<128xi32, #tpu.memory_space<hbm>>
      %dma_start3A_85 = arith.constant 0 : i32
      %dma_start3A_86 = tpu.memref_slice %arg6[%run_scoped3A_10, %dma_start3A_85] : memref<4x128xi32, #tpu.memory_space<vmem>> -> memref<1x128xi32, #tpu.memory_space<vmem>>
      %dma_start3A_87 = tpu.memref_squeeze %dma_start3A_86 : memref<1x128xi32, #tpu.memory_space<vmem>> -> memref<128xi32, #tpu.memory_space<vmem>>
      %dma_start3A_88 = tpu.memref_slice %arg2[%add3A_9] : memref<16384xi32, #tpu.memory_space<hbm>> -> memref<128xi32, #tpu.memory_space<hbm>>
      tpu.enqueue_dma source(%dma_start3A_88 : memref<128xi32, #tpu.memory_space<hbm>>) target(%dma_start3A_87 : memref<128xi32, #tpu.memory_space<vmem>>) target_semaphore(%run_scoped3A_80 : memref<!tpu.dma_semaphore, #tpu.memory_space<semaphore_mem>>)
      %dma_wait3A_89 = arith.constant 0 : i32
      %dma_wait3A_90 = tpu.memref_slice %arg6[%run_scoped3A_10, %dma_wait3A_89] : memref<4x128xi32, #tpu.memory_space<vmem>> -> memref<1x128xi32, #tpu.memory_space<vmem>>
      %dma_wait3A_91 = tpu.memref_squeeze %dma_wait3A_90 : memref<1x128xi32, #tpu.memory_space<vmem>> -> memref<128xi32, #tpu.memory_space<vmem>>
      %dma_wait3A_92 = tpu.memref_slice %arg2[%add3A_9] : memref<16384xi32, #tpu.memory_space<hbm>> -> memref<128xi32, #tpu.memory_space<hbm>>
      %dma_wait3A_93 = arith.constant 0 : i32
      %dma_wait3A_94 = tpu.memref_slice %arg6[%run_scoped3A_10, %dma_wait3A_93] : memref<4x128xi32, #tpu.memory_space<vmem>> -> memref<1x128xi32, #tpu.memory_space<vmem>>
      %dma_wait3A_95 = tpu.memref_squeeze %dma_wait3A_94 : memref<1x128xi32, #tpu.memory_space<vmem>> -> memref<128xi32, #tpu.memory_space<vmem>>
      %dma_wait3A_96 = tpu.memref_slice %arg2[%add3A_9] : memref<16384xi32, #tpu.memory_space<hbm>> -> memref<128xi32, #tpu.memory_space<hbm>>
      tpu.wait_dma2 semaphore(%run_scoped3A_80 : memref<!tpu.dma_semaphore, #tpu.memory_space<semaphore_mem>>) src(%dma_wait3A_96 : memref<128xi32, #tpu.memory_space<hbm>>) dst(%dma_wait3A_95 : memref<128xi32, #tpu.memory_space<vmem>>)
      tpu.yield
    }) : () -> ()
    %add3A_11 = arith.constant 12288 : i32
    %add3A_12 = arith.addi %add3A_11, %mul3A_2 : i32
    %run_scoped3A_13 = arith.constant 3 : i32
    "tpu.region"() ({
      %run_scoped3A_80 = tpu.sem_alloc : memref<!tpu.dma_semaphore, #tpu.memory_space<semaphore_mem>>
      %dma_start3A_81 = arith.constant 0 : i32
      %dma_start3A_82 = tpu.memref_slice %arg6[%run_scoped3A_13, %dma_start3A_81] : memref<4x128xi32, #tpu.memory_space<vmem>> -> memref<1x128xi32, #tpu.memory_space<vmem>>
      %dma_start3A_83 = tpu.memref_squeeze %dma_start3A_82 : memref<1x128xi32, #tpu.memory_space<vmem>> -> memref<128xi32, #tpu.memory_space<vmem>>
      %dma_start3A_84 = tpu.memref_slice %arg2[%add3A_12] : memref<16384xi32, #tpu.memory_space<hbm>> -> memref<128xi32, #tpu.memory_space<hbm>>
      %dma_start3A_85 = arith.constant 0 : i32
      %dma_start3A_86 = tpu.memref_slice %arg6[%run_scoped3A_13, %dma_start3A_85] : memref<4x128xi32, #tpu.memory_space<vmem>> -> memref<1x128xi32, #tpu.memory_space<vmem>>
      %dma_start3A_87 = tpu.memref_squeeze %dma_start3A_86 : memref<1x128xi32, #tpu.memory_space<vmem>> -> memref<128xi32, #tpu.memory_space<vmem>>
      %dma_start3A_88 = tpu.memref_slice %arg2[%add3A_12] : memref<16384xi32, #tpu.memory_space<hbm>> -> memref<128xi32, #tpu.memory_space<hbm>>
      tpu.enqueue_dma source(%dma_start3A_88 : memref<128xi32, #tpu.memory_space<hbm>>) target(%dma_start3A_87 : memref<128xi32, #tpu.memory_space<vmem>>) target_semaphore(%run_scoped3A_80 : memref<!tpu.dma_semaphore, #tpu.memory_space<semaphore_mem>>)
      %dma_wait3A_89 = arith.constant 0 : i32
      %dma_wait3A_90 = tpu.memref_slice %arg6[%run_scoped3A_13, %dma_wait3A_89] : memref<4x128xi32, #tpu.memory_space<vmem>> -> memref<1x128xi32, #tpu.memory_space<vmem>>
      %dma_wait3A_91 = tpu.memref_squeeze %dma_wait3A_90 : memref<1x128xi32, #tpu.memory_space<vmem>> -> memref<128xi32, #tpu.memory_space<vmem>>
      %dma_wait3A_92 = tpu.memref_slice %arg2[%add3A_12] : memref<16384xi32, #tpu.memory_space<hbm>> -> memref<128xi32, #tpu.memory_space<hbm>>
      %dma_wait3A_93 = arith.constant 0 : i32
      %dma_wait3A_94 = tpu.memref_slice %arg6[%run_scoped3A_13, %dma_wait3A_93] : memref<4x128xi32, #tpu.memory_space<vmem>> -> memref<1x128xi32, #tpu.memory_space<vmem>>
      %dma_wait3A_95 = tpu.memref_squeeze %dma_wait3A_94 : memref<1x128xi32, #tpu.memory_space<vmem>> -> memref<128xi32, #tpu.memory_space<vmem>>
      %dma_wait3A_96 = tpu.memref_slice %arg2[%add3A_12] : memref<16384xi32, #tpu.memory_space<hbm>> -> memref<128xi32, #tpu.memory_space<hbm>>
      tpu.wait_dma2 semaphore(%run_scoped3A_80 : memref<!tpu.dma_semaphore, #tpu.memory_space<semaphore_mem>>) src(%dma_wait3A_96 : memref<128xi32, #tpu.memory_space<hbm>>) dst(%dma_wait3A_95 : memref<128xi32, #tpu.memory_space<vmem>>)
      tpu.yield
    }) : () -> ()
    %add3A_14 = arith.constant 0 : i32
    %add3A_15 = arith.addi %mul3A_2, %add3A_14 : i32
    %dma_start3A = arith.constant 0 : i32
    %dma_start3A_16 = tpu.memref_slice %arg3[%add3A_15, %dma_start3A] : memref<4096x1024xf32, #tpu.memory_space<hbm>> -> memref<16x1024xf32, #tpu.memory_space<hbm>>
    %dma_start3A_17 = arith.constant 0 : i32
    %dma_start3A_18 = tpu.memref_slice %arg3[%add3A_15, %dma_start3A_17] : memref<4096x1024xf32, #tpu.memory_space<hbm>> -> memref<16x1024xf32, #tpu.memory_space<hbm>>
    tpu.enqueue_dma source(%dma_start3A_18 : memref<16x1024xf32, #tpu.memory_space<hbm>>) target(%arg7 : memref<16x1024xf32, #tpu.memory_space<vmem>>) target_semaphore(%arg20 : memref<!tpu.dma_semaphore, #tpu.memory_space<semaphore_mem>>)
    %dma_start3A_19 = arith.constant 0 : i32
    %dma_start3A_20 = arith.constant 0 : i32
    %dma_start3A_21 = tpu.memref_slice %arg6[%dma_start3A_19, %dma_start3A_20] : memref<4x128xi32, #tpu.memory_space<vmem>> -> memref<1x16xi32, #tpu.memory_space<vmem>>
    %dma_start3A_22 = tpu.memref_squeeze %dma_start3A_21 : memref<1x16xi32, #tpu.memory_space<vmem>> -> memref<16xi32, #tpu.memory_space<vmem>>
    %dma_start3A_23 = arith.constant 0 : i32
    %dma_start3A_24 = arith.constant 0 : i32
    %dma_start3A_25 = tpu.memref_slice %arg4[%dma_start3A_23, %dma_start3A_24] : memref<100000x1024xf32, #tpu.memory_space<hbm>> -> memref<100000x1024xf32, #tpu.memory_space<hbm>>
    tpu.enqueue_indirect_dma source(%dma_start3A_25 : memref<100000x1024xf32, #tpu.memory_space<hbm>>) target(%arg8 : memref<16x1024xf32, #tpu.memory_space<vmem>>) offsets(%dma_start3A_22 : memref<16xi32, #tpu.memory_space<vmem>>) semaphore(%arg12 : memref<!tpu.dma_semaphore, #tpu.memory_space<semaphore_mem>>)
    %dma_start3A_26 = arith.constant 1 : i32
    %dma_start3A_27 = arith.constant 0 : i32
    %dma_start3A_28 = tpu.memref_slice %arg6[%dma_start3A_26, %dma_start3A_27] : memref<4x128xi32, #tpu.memory_space<vmem>> -> memref<1x16xi32, #tpu.memory_space<vmem>>
    %dma_start3A_29 = tpu.memref_squeeze %dma_start3A_28 : memref<1x16xi32, #tpu.memory_space<vmem>> -> memref<16xi32, #tpu.memory_space<vmem>>
    %dma_start3A_30 = arith.constant 0 : i32
    %dma_start3A_31 = arith.constant 0 : i32
    %dma_start3A_32 = tpu.memref_slice %arg4[%dma_start3A_30, %dma_start3A_31] : memref<100000x1024xf32, #tpu.memory_space<hbm>> -> memref<100000x1024xf32, #tpu.memory_space<hbm>>
    tpu.enqueue_indirect_dma source(%dma_start3A_32 : memref<100000x1024xf32, #tpu.memory_space<hbm>>) target(%arg9 : memref<16x1024xf32, #tpu.memory_space<vmem>>) offsets(%dma_start3A_29 : memref<16xi32, #tpu.memory_space<vmem>>) semaphore(%arg13 : memref<!tpu.dma_semaphore, #tpu.memory_space<semaphore_mem>>)
    %dma_start3A_33 = arith.constant 2 : i32
    %dma_start3A_34 = arith.constant 0 : i32
    %dma_start3A_35 = tpu.memref_slice %arg6[%dma_start3A_33, %dma_start3A_34] : memref<4x128xi32, #tpu.memory_space<vmem>> -> memref<1x16xi32, #tpu.memory_space<vmem>>
    %dma_start3A_36 = tpu.memref_squeeze %dma_start3A_35 : memref<1x16xi32, #tpu.memory_space<vmem>> -> memref<16xi32, #tpu.memory_space<vmem>>
    %dma_start3A_37 = arith.constant 0 : i32
    %dma_start3A_38 = arith.constant 0 : i32
    %dma_start3A_39 = tpu.memref_slice %arg4[%dma_start3A_37, %dma_start3A_38] : memref<100000x1024xf32, #tpu.memory_space<hbm>> -> memref<100000x1024xf32, #tpu.memory_space<hbm>>
    tpu.enqueue_indirect_dma source(%dma_start3A_39 : memref<100000x1024xf32, #tpu.memory_space<hbm>>) target(%arg10 : memref<16x1024xf32, #tpu.memory_space<vmem>>) offsets(%dma_start3A_36 : memref<16xi32, #tpu.memory_space<vmem>>) semaphore(%arg14 : memref<!tpu.dma_semaphore, #tpu.memory_space<semaphore_mem>>)
    %dma_start3A_40 = arith.constant 3 : i32
    %dma_start3A_41 = arith.constant 0 : i32
    %dma_start3A_42 = tpu.memref_slice %arg6[%dma_start3A_40, %dma_start3A_41] : memref<4x128xi32, #tpu.memory_space<vmem>> -> memref<1x16xi32, #tpu.memory_space<vmem>>
    %dma_start3A_43 = tpu.memref_squeeze %dma_start3A_42 : memref<1x16xi32, #tpu.memory_space<vmem>> -> memref<16xi32, #tpu.memory_space<vmem>>
    %dma_start3A_44 = arith.constant 0 : i32
    %dma_start3A_45 = arith.constant 0 : i32
    %dma_start3A_46 = tpu.memref_slice %arg4[%dma_start3A_44, %dma_start3A_45] : memref<100000x1024xf32, #tpu.memory_space<hbm>> -> memref<100000x1024xf32, #tpu.memory_space<hbm>>
    tpu.enqueue_indirect_dma source(%dma_start3A_46 : memref<100000x1024xf32, #tpu.memory_space<hbm>>) target(%arg11 : memref<16x1024xf32, #tpu.memory_space<vmem>>) offsets(%dma_start3A_43 : memref<16xi32, #tpu.memory_space<vmem>>) semaphore(%arg15 : memref<!tpu.dma_semaphore, #tpu.memory_space<semaphore_mem>>)
    %scan3A = arith.constant 0 : i32
    %scan3A_47 = arith.constant 8 : i32
    %scan3A_48 = arith.addi %scan3A, %scan3A_47 : i32
    %scan3A_49 = arith.constant 1 : i32
    scf.for %scan3A_80 = %scan3A to %scan3A_48 step %scan3A_49  : i32 {
      %mul3A_81 = arith.constant 1 : i32
      %mul3A_82 = arith.muli %scan3A_80, %mul3A_81 : i32
      %add3A_83 = arith.constant 0 : i32
      %add3A_84 = arith.addi %add3A_83, %mul3A_82 : i32
      %add3A_85 = arith.constant 1 : i32
      %add3A_86 = arith.addi %add3A_84, %add3A_85 : i32
      %min3A = arith.constant 7 : i32
      %min3A_87 = arith.minsi %add3A_86, %min3A : i32
      %dma_wait3A_88 = arith.constant 0 : i32
      %dma_wait3A_89 = arith.constant 0 : i32
      %dma_wait3A_90 = tpu.memref_slice %arg3[%dma_wait3A_88, %dma_wait3A_89] : memref<4096x1024xf32, #tpu.memory_space<hbm>> -> memref<16x1024xf32, #tpu.memory_space<hbm>>
      %dma_wait3A_91 = arith.constant 0 : i32
      %dma_wait3A_92 = arith.constant 0 : i32
      %dma_wait3A_93 = tpu.memref_slice %arg3[%dma_wait3A_91, %dma_wait3A_92] : memref<4096x1024xf32, #tpu.memory_space<hbm>> -> memref<16x1024xf32, #tpu.memory_space<hbm>>
      tpu.wait_dma2 semaphore(%arg20 : memref<!tpu.dma_semaphore, #tpu.memory_space<semaphore_mem>>) src(%dma_wait3A_93 : memref<16x1024xf32, #tpu.memory_space<hbm>>) dst(%arg7 : memref<16x1024xf32, #tpu.memory_space<vmem>>)
      %dma_wait3A_94 = arith.constant 0 : i32
      %dma_wait3A_95 = arith.constant 0 : i32
      %dma_wait3A_96 = tpu.memref_slice %arg4[%dma_wait3A_94, %dma_wait3A_95] : memref<100000x1024xf32, #tpu.memory_space<hbm>> -> memref<16x1024xf32, #tpu.memory_space<hbm>>
      %dma_wait3A_97 = arith.constant 0 : i32
      %dma_wait3A_98 = arith.constant 0 : i32
      %dma_wait3A_99 = tpu.memref_slice %arg4[%dma_wait3A_97, %dma_wait3A_98] : memref<100000x1024xf32, #tpu.memory_space<hbm>> -> memref<16x1024xf32, #tpu.memory_space<hbm>>
      tpu.wait_dma2 semaphore(%arg12 : memref<!tpu.dma_semaphore, #tpu.memory_space<semaphore_mem>>) src(%dma_wait3A_99 : memref<16x1024xf32, #tpu.memory_space<hbm>>) dst(%arg8 : memref<16x1024xf32, #tpu.memory_space<vmem>>)
      %scan3A_100 = arith.constant 0 : i32
      %scan3A_101 = arith.constant 16 : i32
      %scan3A_102 = arith.addi %scan3A_100, %scan3A_101 : i32
      %scan3A_103 = arith.constant 1 : i32
      scf.for %scan3A_237 = %scan3A_100 to %scan3A_102 step %scan3A_103  : i32 {
        %mul3A_238 = arith.constant 1 : i32
        %mul3A_239 = arith.muli %scan3A_237, %mul3A_238 : i32
        %add3A_240 = arith.constant 0 : i32
        %add3A_241 = arith.addi %add3A_240, %mul3A_239 : i32
        %scan3A_242 = arith.constant 0 : i32
        %scan3A_243 = arith.constant 64 : i32
        %scan3A_244 = arith.addi %scan3A_242, %scan3A_243 : i32
        %scan3A_245 = arith.constant 16 : i32
        scf.for %scan3A_247 = %scan3A_242 to %scan3A_244 step %scan3A_245  : i32 {
          %mul3A_248 = arith.constant 1 : i32
          %mul3A_249 = arith.muli %scan3A_247, %mul3A_248 : i32
          %add3A_250 = arith.constant 0 : i32
          %add3A_251 = arith.addi %add3A_250, %mul3A_249 : i32
          %mul3A_252 = arith.constant 16 : i32
          %mul3A_253 = arith.muli %add3A_251, %mul3A_252 : i32
          %get3A = arith.constant 0 : i32
          %get3A_254 = tpu.memref_slice %arg7[%add3A_241, %get3A] : memref<16x1024xf32, #tpu.memory_space<vmem>> -> memref<1x1024xf32, #tpu.memory_space<vmem>>
          %get3A_255 = tpu.memref_squeeze %get3A_254 : memref<1x1024xf32, #tpu.memory_space<vmem>> -> memref<1024xf32, #tpu.memory_space<vmem>>
          %get3A_256 = arith.index_cast %mul3A_253 : i32 to index
          %get3A_257 = tpu.vector_load %get3A_255[%get3A_256] {strides = array<i32>} : memref<1024xf32, #tpu.memory_space<vmem>>, vector<16xf32>,
          %get3A_258 = vector.shape_cast %get3A_257 : vector<16xf32> to vector<16xf32>
          %swap3A = arith.constant 0 : i32
          %swap3A_259 = tpu.memref_slice %arg8[%add3A_241, %swap3A] : memref<16x1024xf32, #tpu.memory_space<vmem>> -> memref<1x1024xf32, #tpu.memory_space<vmem>>
          %swap3A_260 = tpu.memref_squeeze %swap3A_259 : memref<1x1024xf32, #tpu.memory_space<vmem>> -> memref<1024xf32, #tpu.memory_space<vmem>>
          %swap3A_261 = arith.index_cast %mul3A_253 : i32 to index
          %swap3A_262 = tpu.vector_load %swap3A_260[%swap3A_261] {strides = array<i32>} : memref<1024xf32, #tpu.memory_space<vmem>>, vector<16xf32>,
          %swap3A_263 = vector.shape_cast %swap3A_262 : vector<16xf32> to vector<16xf32>
          %swap3A_264 = vector.shape_cast %get3A_258 : vector<16xf32> to vector<16xf32>
          tpu.vector_store %swap3A_260[%swap3A_261], %swap3A_264 {add = true, strides = array<i32>} : memref<1024xf32, #tpu.memory_space<vmem>>, vector<16xf32>,
          %scan3A_265 = arith.constant 1 : i32
          %scan3A_266 = arith.addi %scan3A_247, %scan3A_265 : i32
          %mul3A_267 = arith.constant 1 : i32
          %mul3A_268 = arith.muli %scan3A_266, %mul3A_267 : i32
          %add3A_269 = arith.constant 0 : i32
          %add3A_270 = arith.addi %add3A_269, %mul3A_268 : i32
          %mul3A_271 = arith.constant 16 : i32
          %mul3A_272 = arith.muli %add3A_270, %mul3A_271 : i32
          %get3A_273 = arith.constant 0 : i32
          %get3A_274 = tpu.memref_slice %arg7[%add3A_241, %get3A_273] : memref<16x1024xf32, #tpu.memory_space<vmem>> -> memref<1x1024xf32, #tpu.memory_space<vmem>>
          %get3A_275 = tpu.memref_squeeze %get3A_274 : memref<1x1024xf32, #tpu.memory_space<vmem>> -> memref<1024xf32, #tpu.memory_space<vmem>>
          %get3A_276 = arith.index_cast %mul3A_272 : i32 to index
          %get3A_277 = tpu.vector_load %get3A_275[%get3A_276] {strides = array<i32>} : memref<1024xf32, #tpu.memory_space<vmem>>, vector<16xf32>,
          %get3A_278 = vector.shape_cast %get3A_277 : vector<16xf32> to vector<16xf32>
          %swap3A_279 = arith.constant 0 : i32
          %swap3A_280 = tpu.memref_slice %arg8[%add3A_241, %swap3A_279] : memref<16x1024xf32, #tpu.memory_space<vmem>> -> memref<1x1024xf32, #tpu.memory_space<vmem>>
          %swap3A_281 = tpu.memref_squeeze %swap3A_280 : memref<1x1024xf32, #tpu.memory_space<vmem>> -> memref<1024xf32, #tpu.memory_space<vmem>>
          %swap3A_282 = arith.index_cast %mul3A_272 : i32 to index
          %swap3A_283 = tpu.vector_load %swap3A_281[%swap3A_282] {strides = array<i32>} : memref<1024xf32, #tpu.memory_space<vmem>>, vector<16xf32>,
          %swap3A_284 = vector.shape_cast %swap3A_283 : vector<16xf32> to vector<16xf32>
          %swap3A_285 = vector.shape_cast %get3A_278 : vector<16xf32> to vector<16xf32>
          tpu.vector_store %swap3A_281[%swap3A_282], %swap3A_285 {add = true, strides = array<i32>} : memref<1024xf32, #tpu.memory_space<vmem>>, vector<16xf32>,
          %scan3A_286 = arith.constant 2 : i32
          %scan3A_287 = arith.addi %scan3A_247, %scan3A_286 : i32
          %mul3A_288 = arith.constant 1 : i32
          %mul3A_289 = arith.muli %scan3A_287, %mul3A_288 : i32
          %add3A_290 = arith.constant 0 : i32
          %add3A_291 = arith.addi %add3A_290, %mul3A_289 : i32
          %mul3A_292 = arith.constant 16 : i32
          %mul3A_293 = arith.muli %add3A_291, %mul3A_292 : i32
          %get3A_294 = arith.constant 0 : i32
          %get3A_295 = tpu.memref_slice %arg7[%add3A_241, %get3A_294] : memref<16x1024xf32, #tpu.memory_space<vmem>> -> memref<1x1024xf32, #tpu.memory_space<vmem>>
          %get3A_296 = tpu.memref_squeeze %get3A_295 : memref<1x1024xf32, #tpu.memory_space<vmem>> -> memref<1024xf32, #tpu.memory_space<vmem>>
          %get3A_297 = arith.index_cast %mul3A_293 : i32 to index
          %get3A_298 = tpu.vector_load %get3A_296[%get3A_297] {strides = array<i32>} : memref<1024xf32, #tpu.memory_space<vmem>>, vector<16xf32>,
          %get3A_299 = vector.shape_cast %get3A_298 : vector<16xf32> to vector<16xf32>
          %swap3A_300 = arith.constant 0 : i32
          %swap3A_301 = tpu.memref_slice %arg8[%add3A_241, %swap3A_300] : memref<16x1024xf32, #tpu.memory_space<vmem>> -> memref<1x1024xf32, #tpu.memory_space<vmem>>
          %swap3A_302 = tpu.memref_squeeze %swap3A_301 : memref<1x1024xf32, #tpu.memory_space<vmem>> -> memref<1024xf32, #tpu.memory_space<vmem>>
          %swap3A_303 = arith.index_cast %mul3A_293 : i32 to index
          %swap3A_304 = tpu.vector_load %swap3A_302[%swap3A_303] {strides = array<i32>} : memref<1024xf32, #tpu.memory_space<vmem>>, vector<16xf32>,
          %swap3A_305 = vector.shape_cast %swap3A_304 : vector<16xf32> to vector<16xf32>
          %swap3A_306 = vector.shape_cast %get3A_299 : vector<16xf32> to vector<16xf32>
          tpu.vector_store %swap3A_302[%swap3A_303], %swap3A_306 {add = true, strides = array<i32>} : memref<1024xf32, #tpu.memory_space<vmem>>, vector<16xf32>,
          %scan3A_307 = arith.constant 3 : i32
          %scan3A_308 = arith.addi %scan3A_247, %scan3A_307 : i32
          %mul3A_309 = arith.constant 1 : i32
          %mul3A_310 = arith.muli %scan3A_308, %mul3A_309 : i32
          %add3A_311 = arith.constant 0 : i32
          %add3A_312 = arith.addi %add3A_311, %mul3A_310 : i32
          %mul3A_313 = arith.constant 16 : i32
          %mul3A_314 = arith.muli %add3A_312, %mul3A_313 : i32
          %get3A_315 = arith.constant 0 : i32
          %get3A_316 = tpu.memref_slice %arg7[%add3A_241, %get3A_315] : memref<16x1024xf32, #tpu.memory_space<vmem>> -> memref<1x1024xf32, #tpu.memory_space<vmem>>
          %get3A_317 = tpu.memref_squeeze %get3A_316 : memref<1x1024xf32, #tpu.memory_space<vmem>> -> memref<1024xf32, #tpu.memory_space<vmem>>
          %get3A_318 = arith.index_cast %mul3A_314 : i32 to index
          %get3A_319 = tpu.vector_load %get3A_317[%get3A_318] {strides = array<i32>} : memref<1024xf32, #tpu.memory_space<vmem>>, vector<16xf32>,
          %get3A_320 = vector.shape_cast %get3A_319 : vector<16xf32> to vector<16xf32>
          %swap3A_321 = arith.constant 0 : i32
          %swap3A_322 = tpu.memref_slice %arg8[%add3A_241, %swap3A_321] : memref<16x1024xf32, #tpu.memory_space<vmem>> -> memref<1x1024xf32, #tpu.memory_space<vmem>>
          %swap3A_323 = tpu.memref_squeeze %swap3A_322 : memref<1x1024xf32, #tpu.memory_space<vmem>> -> memref<1024xf32, #tpu.memory_space<vmem>>
          %swap3A_324 = arith.index_cast %mul3A_314 : i32 to index
          %swap3A_325 = tpu.vector_load %swap3A_323[%swap3A_324] {strides = array<i32>} : memref<1024xf32, #tpu.memory_space<vmem>>, vector<16xf32>,
          %swap3A_326 = vector.shape_cast %swap3A_325 : vector<16xf32> to vector<16xf32>
          %swap3A_327 = vector.shape_cast %get3A_320 : vector<16xf32> to vector<16xf32>
          tpu.vector_store %swap3A_323[%swap3A_324], %swap3A_327 {add = true, strides = array<i32>} : memref<1024xf32, #tpu.memory_space<vmem>>, vector<16xf32>,
          %scan3A_328 = arith.constant 4 : i32
          %scan3A_329 = arith.addi %scan3A_247, %scan3A_328 : i32
          %mul3A_330 = arith.constant 1 : i32
          %mul3A_331 = arith.muli %scan3A_329, %mul3A_330 : i32
          %add3A_332 = arith.constant 0 : i32
          %add3A_333 = arith.addi %add3A_332, %mul3A_331 : i32
          %mul3A_334 = arith.constant 16 : i32
          %mul3A_335 = arith.muli %add3A_333, %mul3A_334 : i32
          %get3A_336 = arith.constant 0 : i32
          %get3A_337 = tpu.memref_slice %arg7[%add3A_241, %get3A_336] : memref<16x1024xf32, #tpu.memory_space<vmem>> -> memref<1x1024xf32, #tpu.memory_space<vmem>>
          %get3A_338 = tpu.memref_squeeze %get3A_337 : memref<1x1024xf32, #tpu.memory_space<vmem>> -> memref<1024xf32, #tpu.memory_space<vmem>>
          %get3A_339 = arith.index_cast %mul3A_335 : i32 to index
          %get3A_340 = tpu.vector_load %get3A_338[%get3A_339] {strides = array<i32>} : memref<1024xf32, #tpu.memory_space<vmem>>, vector<16xf32>,
          %get3A_341 = vector.shape_cast %get3A_340 : vector<16xf32> to vector<16xf32>
          %swap3A_342 = arith.constant 0 : i32
          %swap3A_343 = tpu.memref_slice %arg8[%add3A_241, %swap3A_342] : memref<16x1024xf32, #tpu.memory_space<vmem>> -> memref<1x1024xf32, #tpu.memory_space<vmem>>
          %swap3A_344 = tpu.memref_squeeze %swap3A_343 : memref<1x1024xf32, #tpu.memory_space<vmem>> -> memref<1024xf32, #tpu.memory_space<vmem>>
          %swap3A_345 = arith.index_cast %mul3A_335 : i32 to index
          %swap3A_346 = tpu.vector_load %swap3A_344[%swap3A_345] {strides = array<i32>} : memref<1024xf32, #tpu.memory_space<vmem>>, vector<16xf32>,
          %swap3A_347 = vector.shape_cast %swap3A_346 : vector<16xf32> to vector<16xf32>
          %swap3A_348 = vector.shape_cast %get3A_341 : vector<16xf32> to vector<16xf32>
          tpu.vector_store %swap3A_344[%swap3A_345], %swap3A_348 {add = true, strides = array<i32>} : memref<1024xf32, #tpu.memory_space<vmem>>, vector<16xf32>,
          %scan3A_349 = arith.constant 5 : i32
          %scan3A_350 = arith.addi %scan3A_247, %scan3A_349 : i32
          %mul3A_351 = arith.constant 1 : i32
          %mul3A_352 = arith.muli %scan3A_350, %mul3A_351 : i32
          %add3A_353 = arith.constant 0 : i32
          %add3A_354 = arith.addi %add3A_353, %mul3A_352 : i32
          %mul3A_355 = arith.constant 16 : i32
          %mul3A_356 = arith.muli %add3A_354, %mul3A_355 : i32
          %get3A_357 = arith.constant 0 : i32
          %get3A_358 = tpu.memref_slice %arg7[%add3A_241, %get3A_357] : memref<16x1024xf32, #tpu.memory_space<vmem>> -> memref<1x1024xf32, #tpu.memory_space<vmem>>
          %get3A_359 = tpu.memref_squeeze %get3A_358 : memref<1x1024xf32, #tpu.memory_space<vmem>> -> memref<1024xf32, #tpu.memory_space<vmem>>
          %get3A_360 = arith.index_cast %mul3A_356 : i32 to index
          %get3A_361 = tpu.vector_load %get3A_359[%get3A_360] {strides = array<i32>} : memref<1024xf32, #tpu.memory_space<vmem>>, vector<16xf32>,
          %get3A_362 = vector.shape_cast %get3A_361 : vector<16xf32> to vector<16xf32>
          %swap3A_363 = arith.constant 0 : i32
          %swap3A_364 = tpu.memref_slice %arg8[%add3A_241, %swap3A_363] : memref<16x1024xf32, #tpu.memory_space<vmem>> -> memref<1x1024xf32, #tpu.memory_space<vmem>>
          %swap3A_365 = tpu.memref_squeeze %swap3A_364 : memref<1x1024xf32, #tpu.memory_space<vmem>> -> memref<1024xf32, #tpu.memory_space<vmem>>
          %swap3A_366 = arith.index_cast %mul3A_356 : i32 to index
          %swap3A_367 = tpu.vector_load %swap3A_365[%swap3A_366] {strides = array<i32>} : memref<1024xf32, #tpu.memory_space<vmem>>, vector<16xf32>,
          %swap3A_368 = vector.shape_cast %swap3A_367 : vector<16xf32> to vector<16xf32>
          %swap3A_369 = vector.shape_cast %get3A_362 : vector<16xf32> to vector<16xf32>
          tpu.vector_store %swap3A_365[%swap3A_366], %swap3A_369 {add = true, strides = array<i32>} : memref<1024xf32, #tpu.memory_space<vmem>>, vector<16xf32>,
          %scan3A_370 = arith.constant 6 : i32
          %scan3A_371 = arith.addi %scan3A_247, %scan3A_370 : i32
          %mul3A_372 = arith.constant 1 : i32
          %mul3A_373 = arith.muli %scan3A_371, %mul3A_372 : i32
          %add3A_374 = arith.constant 0 : i32
          %add3A_375 = arith.addi %add3A_374, %mul3A_373 : i32
          %mul3A_376 = arith.constant 16 : i32
          %mul3A_377 = arith.muli %add3A_375, %mul3A_376 : i32
          %get3A_378 = arith.constant 0 : i32
          %get3A_379 = tpu.memref_slice %arg7[%add3A_241, %get3A_378] : memref<16x1024xf32, #tpu.memory_space<vmem>> -> memref<1x1024xf32, #tpu.memory_space<vmem>>
          %get3A_380 = tpu.memref_squeeze %get3A_379 : memref<1x1024xf32, #tpu.memory_space<vmem>> -> memref<1024xf32, #tpu.memory_space<vmem>>
          %get3A_381 = arith.index_cast %mul3A_377 : i32 to index
          %get3A_382 = tpu.vector_load %get3A_380[%get3A_381] {strides = array<i32>} : memref<1024xf32, #tpu.memory_space<vmem>>, vector<16xf32>,
          %get3A_383 = vector.shape_cast %get3A_382 : vector<16xf32> to vector<16xf32>
          %swap3A_384 = arith.constant 0 : i32
          %swap3A_385 = tpu.memref_slice %arg8[%add3A_241, %swap3A_384] : memref<16x1024xf32, #tpu.memory_space<vmem>> -> memref<1x1024xf32, #tpu.memory_space<vmem>>
          %swap3A_386 = tpu.memref_squeeze %swap3A_385 : memref<1x1024xf32, #tpu.memory_space<vmem>> -> memref<1024xf32, #tpu.memory_space<vmem>>
          %swap3A_387 = arith.index_cast %mul3A_377 : i32 to index
          %swap3A_388 = tpu.vector_load %swap3A_386[%swap3A_387] {strides = array<i32>} : memref<1024xf32, #tpu.memory_space<vmem>>, vector<16xf32>,
          %swap3A_389 = vector.shape_cast %swap3A_388 : vector<16xf32> to vector<16xf32>
          %swap3A_390 = vector.shape_cast %get3A_383 : vector<16xf32> to vector<16xf32>
          tpu.vector_store %swap3A_386[%swap3A_387], %swap3A_390 {add = true, strides = array<i32>} : memref<1024xf32, #tpu.memory_space<vmem>>, vector<16xf32>,
          %scan3A_391 = arith.constant 7 : i32
          %scan3A_392 = arith.addi %scan3A_247, %scan3A_391 : i32
          %mul3A_393 = arith.constant 1 : i32
          %mul3A_394 = arith.muli %scan3A_392, %mul3A_393 : i32
          %add3A_395 = arith.constant 0 : i32
          %add3A_396 = arith.addi %add3A_395, %mul3A_394 : i32
          %mul3A_397 = arith.constant 16 : i32
          %mul3A_398 = arith.muli %add3A_396, %mul3A_397 : i32
          %get3A_399 = arith.constant 0 : i32
          %get3A_400 = tpu.memref_slice %arg7[%add3A_241, %get3A_399] : memref<16x1024xf32, #tpu.memory_space<vmem>> -> memref<1x1024xf32, #tpu.memory_space<vmem>>
          %get3A_401 = tpu.memref_squeeze %get3A_400 : memref<1x1024xf32, #tpu.memory_space<vmem>> -> memref<1024xf32, #tpu.memory_space<vmem>>
          %get3A_402 = arith.index_cast %mul3A_398 : i32 to index
          %get3A_403 = tpu.vector_load %get3A_401[%get3A_402] {strides = array<i32>} : memref<1024xf32, #tpu.memory_space<vmem>>, vector<16xf32>,
          %get3A_404 = vector.shape_cast %get3A_403 : vector<16xf32> to vector<16xf32>
          %swap3A_405 = arith.constant 0 : i32
          %swap3A_406 = tpu.memref_slice %arg8[%add3A_241, %swap3A_405] : memref<16x1024xf32, #tpu.memory_space<vmem>> -> memref<1x1024xf32, #tpu.memory_space<vmem>>
          %swap3A_407 = tpu.memref_squeeze %swap3A_406 : memref<1x1024xf32, #tpu.memory_space<vmem>> -> memref<1024xf32, #tpu.memory_space<vmem>>
          %swap3A_408 = arith.index_cast %mul3A_398 : i32 to index
          %swap3A_409 = tpu.vector_load %swap3A_407[%swap3A_408] {strides = array<i32>} : memref<1024xf32, #tpu.memory_space<vmem>>, vector<16xf32>,
          %swap3A_410 = vector.shape_cast %swap3A_409 : vector<16xf32> to vector<16xf32>
          %swap3A_411 = vector.shape_cast %get3A_404 : vector<16xf32> to vector<16xf32>
          tpu.vector_store %swap3A_407[%swap3A_408], %swap3A_411 {add = true, strides = array<i32>} : memref<1024xf32, #tpu.memory_space<vmem>>, vector<16xf32>,
          %scan3A_412 = arith.constant 8 : i32
          %scan3A_413 = arith.addi %scan3A_247, %scan3A_412 : i32
          %mul3A_414 = arith.constant 1 : i32
          %mul3A_415 = arith.muli %scan3A_413, %mul3A_414 : i32
          %add3A_416 = arith.constant 0 : i32
          %add3A_417 = arith.addi %add3A_416, %mul3A_415 : i32
          %mul3A_418 = arith.constant 16 : i32
          %mul3A_419 = arith.muli %add3A_417, %mul3A_418 : i32
          %get3A_420 = arith.constant 0 : i32
          %get3A_421 = tpu.memref_slice %arg7[%add3A_241, %get3A_420] : memref<16x1024xf32, #tpu.memory_space<vmem>> -> memref<1x1024xf32, #tpu.memory_space<vmem>>
          %get3A_422 = tpu.memref_squeeze %get3A_421 : memref<1x1024xf32, #tpu.memory_space<vmem>> -> memref<1024xf32, #tpu.memory_space<vmem>>
          %get3A_423 = arith.index_cast %mul3A_419 : i32 to index
          %get3A_424 = tpu.vector_load %get3A_422[%get3A_423] {strides = array<i32>} : memref<1024xf32, #tpu.memory_space<vmem>>, vector<16xf32>,
          %get3A_425 = vector.shape_cast %get3A_424 : vector<16xf32> to vector<16xf32>
          %swap3A_426 = arith.constant 0 : i32
          %swap3A_427 = tpu.memref_slice %arg8[%add3A_241, %swap3A_426] : memref<16x1024xf32, #tpu.memory_space<vmem>> -> memref<1x1024xf32, #tpu.memory_space<vmem>>
          %swap3A_428 = tpu.memref_squeeze %swap3A_427 : memref<1x1024xf32, #tpu.memory_space<vmem>> -> memref<1024xf32, #tpu.memory_space<vmem>>
          %swap3A_429 = arith.index_cast %mul3A_419 : i32 to index
          %swap3A_430 = tpu.vector_load %swap3A_428[%swap3A_429] {strides = array<i32>} : memref<1024xf32, #tpu.memory_space<vmem>>, vector<16xf32>,
          %swap3A_431 = vector.shape_cast %swap3A_430 : vector<16xf32> to vector<16xf32>
          %swap3A_432 = vector.shape_cast %get3A_425 : vector<16xf32> to vector<16xf32>
          tpu.vector_store %swap3A_428[%swap3A_429], %swap3A_432 {add = true, strides = array<i32>} : memref<1024xf32, #tpu.memory_space<vmem>>, vector<16xf32>,
          %scan3A_433 = arith.constant 9 : i32
          %scan3A_434 = arith.addi %scan3A_247, %scan3A_433 : i32
          %mul3A_435 = arith.constant 1 : i32
          %mul3A_436 = arith.muli %scan3A_434, %mul3A_435 : i32
          %add3A_437 = arith.constant 0 : i32
          %add3A_438 = arith.addi %add3A_437, %mul3A_436 : i32
          %mul3A_439 = arith.constant 16 : i32
          %mul3A_440 = arith.muli %add3A_438, %mul3A_439 : i32
          %get3A_441 = arith.constant 0 : i32
          %get3A_442 = tpu.memref_slice %arg7[%add3A_241, %get3A_441] : memref<16x1024xf32, #tpu.memory_space<vmem>> -> memref<1x1024xf32, #tpu.memory_space<vmem>>
          %get3A_443 = tpu.memref_squeeze %get3A_442 : memref<1x1024xf32, #tpu.memory_space<vmem>> -> memref<1024xf32, #tpu.memory_space<vmem>>
          %get3A_444 = arith.index_cast %mul3A_440 : i32 to index
          %get3A_445 = tpu.vector_load %get3A_443[%get3A_444] {strides = array<i32>} : memref<1024xf32, #tpu.memory_space<vmem>>, vector<16xf32>,
          %get3A_446 = vector.shape_cast %get3A_445 : vector<16xf32> to vector<16xf32>
          %swap3A_447 = arith.constant 0 : i32
          %swap3A_448 = tpu.memref_slice %arg8[%add3A_241, %swap3A_447] : memref<16x1024xf32, #tpu.memory_space<vmem>> -> memref<1x1024xf32, #tpu.memory_space<vmem>>
          %swap3A_449 = tpu.memref_squeeze %swap3A_448 : memref<1x1024xf32, #tpu.memory_space<vmem>> -> memref<1024xf32, #tpu.memory_space<vmem>>
          %swap3A_450 = arith.index_cast %mul3A_440 : i32 to index
          %swap3A_451 = tpu.vector_load %swap3A_449[%swap3A_450] {strides = array<i32>} : memref<1024xf32, #tpu.memory_space<vmem>>, vector<16xf32>,
          %swap3A_452 = vector.shape_cast %swap3A_451 : vector<16xf32> to vector<16xf32>
          %swap3A_453 = vector.shape_cast %get3A_446 : vector<16xf32> to vector<16xf32>
          tpu.vector_store %swap3A_449[%swap3A_450], %swap3A_453 {add = true, strides = array<i32>} : memref<1024xf32, #tpu.memory_space<vmem>>, vector<16xf32>,
          %scan3A_454 = arith.constant 10 : i32
          %scan3A_455 = arith.addi %scan3A_247, %scan3A_454 : i32
          %mul3A_456 = arith.constant 1 : i32
          %mul3A_457 = arith.muli %scan3A_455, %mul3A_456 : i32
          %add3A_458 = arith.constant 0 : i32
          %add3A_459 = arith.addi %add3A_458, %mul3A_457 : i32
          %mul3A_460 = arith.constant 16 : i32
          %mul3A_461 = arith.muli %add3A_459, %mul3A_460 : i32
          %get3A_462 = arith.constant 0 : i32
          %get3A_463 = tpu.memref_slice %arg7[%add3A_241, %get3A_462] : memref<16x1024xf32, #tpu.memory_space<vmem>> -> memref<1x1024xf32, #tpu.memory_space<vmem>>
          %get3A_464 = tpu.memref_squeeze %get3A_463 : memref<1x1024xf32, #tpu.memory_space<vmem>> -> memref<1024xf32, #tpu.memory_space<vmem>>
          %get3A_465 = arith.index_cast %mul3A_461 : i32 to index
          %get3A_466 = tpu.vector_load %get3A_464[%get3A_465] {strides = array<i32>} : memref<1024xf32, #tpu.memory_space<vmem>>, vector<16xf32>,
          %get3A_467 = vector.shape_cast %get3A_466 : vector<16xf32> to vector<16xf32>
          %swap3A_468 = arith.constant 0 : i32
          %swap3A_469 = tpu.memref_slice %arg8[%add3A_241, %swap3A_468] : memref<16x1024xf32, #tpu.memory_space<vmem>> -> memref<1x1024xf32, #tpu.memory_space<vmem>>
          %swap3A_470 = tpu.memref_squeeze %swap3A_469 : memref<1x1024xf32, #tpu.memory_space<vmem>> -> memref<1024xf32, #tpu.memory_space<vmem>>
          %swap3A_471 = arith.index_cast %mul3A_461 : i32 to index
          %swap3A_472 = tpu.vector_load %swap3A_470[%swap3A_471] {strides = array<i32>} : memref<1024xf32, #tpu.memory_space<vmem>>, vector<16xf32>,
          %swap3A_473 = vector.shape_cast %swap3A_472 : vector<16xf32> to vector<16xf32>
          %swap3A_474 = vector.shape_cast %get3A_467 : vector<16xf32> to vector<16xf32>
          tpu.vector_store %swap3A_470[%swap3A_471], %swap3A_474 {add = true, strides = array<i32>} : memref<1024xf32, #tpu.memory_space<vmem>>, vector<16xf32>,
          %scan3A_475 = arith.constant 11 : i32
          %scan3A_476 = arith.addi %scan3A_247, %scan3A_475 : i32
          %mul3A_477 = arith.constant 1 : i32
          %mul3A_478 = arith.muli %scan3A_476, %mul3A_477 : i32
          %add3A_479 = arith.constant 0 : i32
          %add3A_480 = arith.addi %add3A_479, %mul3A_478 : i32
          %mul3A_481 = arith.constant 16 : i32
          %mul3A_482 = arith.muli %add3A_480, %mul3A_481 : i32
          %get3A_483 = arith.constant 0 : i32
          %get3A_484 = tpu.memref_slice %arg7[%add3A_241, %get3A_483] : memref<16x1024xf32, #tpu.memory_space<vmem>> -> memref<1x1024xf32, #tpu.memory_space<vmem>>
          %get3A_485 = tpu.memref_squeeze %get3A_484 : memref<1x1024xf32, #tpu.memory_space<vmem>> -> memref<1024xf32, #tpu.memory_space<vmem>>
          %get3A_486 = arith.index_cast %mul3A_482 : i32 to index
          %get3A_487 = tpu.vector_load %get3A_485[%get3A_486] {strides = array<i32>} : memref<1024xf32, #tpu.memory_space<vmem>>, vector<16xf32>,
          %get3A_488 = vector.shape_cast %get3A_487 : vector<16xf32> to vector<16xf32>
          %swap3A_489 = arith.constant 0 : i32
          %swap3A_490 = tpu.memref_slice %arg8[%add3A_241, %swap3A_489] : memref<16x1024xf32, #tpu.memory_space<vmem>> -> memref<1x1024xf32, #tpu.memory_space<vmem>>
          %swap3A_491 = tpu.memref_squeeze %swap3A_490 : memref<1x1024xf32, #tpu.memory_space<vmem>> -> memref<1024xf32, #tpu.memory_space<vmem>>
          %swap3A_492 = arith.index_cast %mul3A_482 : i32 to index
          %swap3A_493 = tpu.vector_load %swap3A_491[%swap3A_492] {strides = array<i32>} : memref<1024xf32, #tpu.memory_space<vmem>>, vector<16xf32>,
          %swap3A_494 = vector.shape_cast %swap3A_493 : vector<16xf32> to vector<16xf32>
          %swap3A_495 = vector.shape_cast %get3A_488 : vector<16xf32> to vector<16xf32>
          tpu.vector_store %swap3A_491[%swap3A_492], %swap3A_495 {add = true, strides = array<i32>} : memref<1024xf32, #tpu.memory_space<vmem>>, vector<16xf32>,
          %scan3A_496 = arith.constant 12 : i32
          %scan3A_497 = arith.addi %scan3A_247, %scan3A_496 : i32
          %mul3A_498 = arith.constant 1 : i32
          %mul3A_499 = arith.muli %scan3A_497, %mul3A_498 : i32
          %add3A_500 = arith.constant 0 : i32
          %add3A_501 = arith.addi %add3A_500, %mul3A_499 : i32
          %mul3A_502 = arith.constant 16 : i32
          %mul3A_503 = arith.muli %add3A_501, %mul3A_502 : i32
          %get3A_504 = arith.constant 0 : i32
          %get3A_505 = tpu.memref_slice %arg7[%add3A_241, %get3A_504] : memref<16x1024xf32, #tpu.memory_space<vmem>> -> memref<1x1024xf32, #tpu.memory_space<vmem>>
          %get3A_506 = tpu.memref_squeeze %get3A_505 : memref<1x1024xf32, #tpu.memory_space<vmem>> -> memref<1024xf32, #tpu.memory_space<vmem>>
          %get3A_507 = arith.index_cast %mul3A_503 : i32 to index
          %get3A_508 = tpu.vector_load %get3A_506[%get3A_507] {strides = array<i32>} : memref<1024xf32, #tpu.memory_space<vmem>>, vector<16xf32>,
          %get3A_509 = vector.shape_cast %get3A_508 : vector<16xf32> to vector<16xf32>
          %swap3A_510 = arith.constant 0 : i32
          %swap3A_511 = tpu.memref_slice %arg8[%add3A_241, %swap3A_510] : memref<16x1024xf32, #tpu.memory_space<vmem>> -> memref<1x1024xf32, #tpu.memory_space<vmem>>
          %swap3A_512 = tpu.memref_squeeze %swap3A_511 : memref<1x1024xf32, #tpu.memory_space<vmem>> -> memref<1024xf32, #tpu.memory_space<vmem>>
          %swap3A_513 = arith.index_cast %mul3A_503 : i32 to index
          %swap3A_514 = tpu.vector_load %swap3A_512[%swap3A_513] {strides = array<i32>} : memref<1024xf32, #tpu.memory_space<vmem>>, vector<16xf32>,
          %swap3A_515 = vector.shape_cast %swap3A_514 : vector<16xf32> to vector<16xf32>
          %swap3A_516 = vector.shape_cast %get3A_509 : vector<16xf32> to vector<16xf32>
          tpu.vector_store %swap3A_512[%swap3A_513], %swap3A_516 {add = true, strides = array<i32>} : memref<1024xf32, #tpu.memory_space<vmem>>, vector<16xf32>,
          %scan3A_517 = arith.constant 13 : i32
          %scan3A_518 = arith.addi %scan3A_247, %scan3A_517 : i32
          %mul3A_519 = arith.constant 1 : i32
          %mul3A_520 = arith.muli %scan3A_518, %mul3A_519 : i32
          %add3A_521 = arith.constant 0 : i32
          %add3A_522 = arith.addi %add3A_521, %mul3A_520 : i32
          %mul3A_523 = arith.constant 16 : i32
          %mul3A_524 = arith.muli %add3A_522, %mul3A_523 : i32
          %get3A_525 = arith.constant 0 : i32
          %get3A_526 = tpu.memref_slice %arg7[%add3A_241, %get3A_525] : memref<16x1024xf32, #tpu.memory_space<vmem>> -> memref<1x1024xf32, #tpu.memory_space<vmem>>
          %get3A_527 = tpu.memref_squeeze %get3A_526 : memref<1x1024xf32, #tpu.memory_space<vmem>> -> memref<1024xf32, #tpu.memory_space<vmem>>
          %get3A_528 = arith.index_cast %mul3A_524 : i32 to index
          %get3A_529 = tpu.vector_load %get3A_527[%get3A_528] {strides = array<i32>} : memref<1024xf32, #tpu.memory_space<vmem>>, vector<16xf32>,
          %get3A_530 = vector.shape_cast %get3A_529 : vector<16xf32> to vector<16xf32>
          %swap3A_531 = arith.constant 0 : i32
          %swap3A_532 = tpu.memref_slice %arg8[%add3A_241, %swap3A_531] : memref<16x1024xf32, #tpu.memory_space<vmem>> -> memref<1x1024xf32, #tpu.memory_space<vmem>>
          %swap3A_533 = tpu.memref_squeeze %swap3A_532 : memref<1x1024xf32, #tpu.memory_space<vmem>> -> memref<1024xf32, #tpu.memory_space<vmem>>
          %swap3A_534 = arith.index_cast %mul3A_524 : i32 to index
          %swap3A_535 = tpu.vector_load %swap3A_533[%swap3A_534] {strides = array<i32>} : memref<1024xf32, #tpu.memory_space<vmem>>, vector<16xf32>,
          %swap3A_536 = vector.shape_cast %swap3A_535 : vector<16xf32> to vector<16xf32>
          %swap3A_537 = vector.shape_cast %get3A_530 : vector<16xf32> to vector<16xf32>
          tpu.vector_store %swap3A_533[%swap3A_534], %swap3A_537 {add = true, strides = array<i32>} : memref<1024xf32, #tpu.memory_space<vmem>>, vector<16xf32>,
          %scan3A_538 = arith.constant 14 : i32
          %scan3A_539 = arith.addi %scan3A_247, %scan3A_538 : i32
          %mul3A_540 = arith.constant 1 : i32
          %mul3A_541 = arith.muli %scan3A_539, %mul3A_540 : i32
          %add3A_542 = arith.constant 0 : i32
          %add3A_543 = arith.addi %add3A_542, %mul3A_541 : i32
          %mul3A_544 = arith.constant 16 : i32
          %mul3A_545 = arith.muli %add3A_543, %mul3A_544 : i32
          %get3A_546 = arith.constant 0 : i32
          %get3A_547 = tpu.memref_slice %arg7[%add3A_241, %get3A_546] : memref<16x1024xf32, #tpu.memory_space<vmem>> -> memref<1x1024xf32, #tpu.memory_space<vmem>>
          %get3A_548 = tpu.memref_squeeze %get3A_547 : memref<1x1024xf32, #tpu.memory_space<vmem>> -> memref<1024xf32, #tpu.memory_space<vmem>>
          %get3A_549 = arith.index_cast %mul3A_545 : i32 to index
          %get3A_550 = tpu.vector_load %get3A_548[%get3A_549] {strides = array<i32>} : memref<1024xf32, #tpu.memory_space<vmem>>, vector<16xf32>,
          %get3A_551 = vector.shape_cast %get3A_550 : vector<16xf32> to vector<16xf32>
          %swap3A_552 = arith.constant 0 : i32
          %swap3A_553 = tpu.memref_slice %arg8[%add3A_241, %swap3A_552] : memref<16x1024xf32, #tpu.memory_space<vmem>> -> memref<1x1024xf32, #tpu.memory_space<vmem>>
          %swap3A_554 = tpu.memref_squeeze %swap3A_553 : memref<1x1024xf32, #tpu.memory_space<vmem>> -> memref<1024xf32, #tpu.memory_space<vmem>>
          %swap3A_555 = arith.index_cast %mul3A_545 : i32 to index
          %swap3A_556 = tpu.vector_load %swap3A_554[%swap3A_555] {strides = array<i32>} : memref<1024xf32, #tpu.memory_space<vmem>>, vector<16xf32>,
          %swap3A_557 = vector.shape_cast %swap3A_556 : vector<16xf32> to vector<16xf32>
          %swap3A_558 = vector.shape_cast %get3A_551 : vector<16xf32> to vector<16xf32>
          tpu.vector_store %swap3A_554[%swap3A_555], %swap3A_558 {add = true, strides = array<i32>} : memref<1024xf32, #tpu.memory_space<vmem>>, vector<16xf32>,
          %scan3A_559 = arith.constant 15 : i32
          %scan3A_560 = arith.addi %scan3A_247, %scan3A_559 : i32
          %mul3A_561 = arith.constant 1 : i32
          %mul3A_562 = arith.muli %scan3A_560, %mul3A_561 : i32
          %add3A_563 = arith.constant 0 : i32
          %add3A_564 = arith.addi %add3A_563, %mul3A_562 : i32
          %mul3A_565 = arith.constant 16 : i32
          %mul3A_566 = arith.muli %add3A_564, %mul3A_565 : i32
          %get3A_567 = arith.constant 0 : i32
          %get3A_568 = tpu.memref_slice %arg7[%add3A_241, %get3A_567] : memref<16x1024xf32, #tpu.memory_space<vmem>> -> memref<1x1024xf32, #tpu.memory_space<vmem>>
          %get3A_569 = tpu.memref_squeeze %get3A_568 : memref<1x1024xf32, #tpu.memory_space<vmem>> -> memref<1024xf32, #tpu.memory_space<vmem>>
          %get3A_570 = arith.index_cast %mul3A_566 : i32 to index
          %get3A_571 = tpu.vector_load %get3A_569[%get3A_570] {strides = array<i32>} : memref<1024xf32, #tpu.memory_space<vmem>>, vector<16xf32>,
          %get3A_572 = vector.shape_cast %get3A_571 : vector<16xf32> to vector<16xf32>
          %swap3A_573 = arith.constant 0 : i32
          %swap3A_574 = tpu.memref_slice %arg8[%add3A_241, %swap3A_573] : memref<16x1024xf32, #tpu.memory_space<vmem>> -> memref<1x1024xf32, #tpu.memory_space<vmem>>
          %swap3A_575 = tpu.memref_squeeze %swap3A_574 : memref<1x1024xf32, #tpu.memory_space<vmem>> -> memref<1024xf32, #tpu.memory_space<vmem>>
          %swap3A_576 = arith.index_cast %mul3A_566 : i32 to index
          %swap3A_577 = tpu.vector_load %swap3A_575[%swap3A_576] {strides = array<i32>} : memref<1024xf32, #tpu.memory_space<vmem>>, vector<16xf32>,
          %swap3A_578 = vector.shape_cast %swap3A_577 : vector<16xf32> to vector<16xf32>
          %swap3A_579 = vector.shape_cast %get3A_572 : vector<16xf32> to vector<16xf32>
          tpu.vector_store %swap3A_575[%swap3A_576], %swap3A_579 {add = true, strides = array<i32>} : memref<1024xf32, #tpu.memory_space<vmem>>, vector<16xf32>,
        }
        %scan3A_246 = arith.constant 64 : i32
      }
      %scan3A_104 = arith.constant 16 : i32
      %add3A_105 = arith.constant 0 : i32
      %add3A_106 = arith.addi %add3A_105, %mul3A_2 : i32
      %mul3A_107 = arith.constant 16 : i32
      %mul3A_108 = arith.muli %add3A_84, %mul3A_107 : i32
      %add3A_109 = arith.addi %add3A_106, %mul3A_108 : i32
      %dma_start3A_110 = arith.constant 0 : i32
      %dma_start3A_111 = tpu.memref_slice %arg5[%add3A_109, %dma_start3A_110] : memref<16384x1024xf32, #tpu.memory_space<hbm>> -> memref<16x1024xf32, #tpu.memory_space<hbm>>
      %dma_start3A_112 = arith.constant 0 : i32
      %dma_start3A_113 = tpu.memref_slice %arg5[%add3A_109, %dma_start3A_112] : memref<16384x1024xf32, #tpu.memory_space<hbm>> -> memref<16x1024xf32, #tpu.memory_space<hbm>>
      tpu.enqueue_dma source(%arg8 : memref<16x1024xf32, #tpu.memory_space<vmem>>) target(%dma_start3A_113 : memref<16x1024xf32, #tpu.memory_space<hbm>>) target_semaphore(%arg16 : memref<!tpu.dma_semaphore, #tpu.memory_space<semaphore_mem>>)
      %dma_wait3A_114 = arith.constant 0 : i32
      %dma_wait3A_115 = arith.constant 0 : i32
      %dma_wait3A_116 = tpu.memref_slice %arg4[%dma_wait3A_114, %dma_wait3A_115] : memref<100000x1024xf32, #tpu.memory_space<hbm>> -> memref<16x1024xf32, #tpu.memory_space<hbm>>
      %dma_wait3A_117 = arith.constant 0 : i32
      %dma_wait3A_118 = arith.constant 0 : i32
      %dma_wait3A_119 = tpu.memref_slice %arg4[%dma_wait3A_117, %dma_wait3A_118] : memref<100000x1024xf32, #tpu.memory_space<hbm>> -> memref<16x1024xf32, #tpu.memory_space<hbm>>
      tpu.wait_dma2 semaphore(%arg13 : memref<!tpu.dma_semaphore, #tpu.memory_space<semaphore_mem>>) src(%dma_wait3A_119 : memref<16x1024xf32, #tpu.memory_space<hbm>>) dst(%arg9 : memref<16x1024xf32, #tpu.memory_space<vmem>>)
      %scan3A_120 = arith.constant 0 : i32
      %scan3A_121 = arith.constant 16 : i32
      %scan3A_122 = arith.addi %scan3A_120, %scan3A_121 : i32
      %scan3A_123 = arith.constant 1 : i32
      scf.for %scan3A_237 = %scan3A_120 to %scan3A_122 step %scan3A_123  : i32 {
        %mul3A_238 = arith.constant 1 : i32
        %mul3A_239 = arith.muli %scan3A_237, %mul3A_238 : i32
        %add3A_240 = arith.constant 0 : i32
        %add3A_241 = arith.addi %add3A_240, %mul3A_239 : i32
        %scan3A_242 = arith.constant 0 : i32
        %scan3A_243 = arith.constant 64 : i32
        %scan3A_244 = arith.addi %scan3A_242, %scan3A_243 : i32
        %scan3A_245 = arith.constant 16 : i32
        scf.for %scan3A_247 = %scan3A_242 to %scan3A_244 step %scan3A_245  : i32 {
          %mul3A_248 = arith.constant 1 : i32
          %mul3A_249 = arith.muli %scan3A_247, %mul3A_248 : i32
          %add3A_250 = arith.constant 0 : i32
          %add3A_251 = arith.addi %add3A_250, %mul3A_249 : i32
          %mul3A_252 = arith.constant 16 : i32
          %mul3A_253 = arith.muli %add3A_251, %mul3A_252 : i32
          %get3A = arith.constant 0 : i32
          %get3A_254 = tpu.memref_slice %arg7[%add3A_241, %get3A] : memref<16x1024xf32, #tpu.memory_space<vmem>> -> memref<1x1024xf32, #tpu.memory_space<vmem>>
          %get3A_255 = tpu.memref_squeeze %get3A_254 : memref<1x1024xf32, #tpu.memory_space<vmem>> -> memref<1024xf32, #tpu.memory_space<vmem>>
          %get3A_256 = arith.index_cast %mul3A_253 : i32 to index
          %get3A_257 = tpu.vector_load %get3A_255[%get3A_256] {strides = array<i32>} : memref<1024xf32, #tpu.memory_space<vmem>>, vector<16xf32>,
          %get3A_258 = vector.shape_cast %get3A_257 : vector<16xf32> to vector<16xf32>
          %swap3A = arith.constant 0 : i32
          %swap3A_259 = tpu.memref_slice %arg9[%add3A_241, %swap3A] : memref<16x1024xf32, #tpu.memory_space<vmem>> -> memref<1x1024xf32, #tpu.memory_space<vmem>>
          %swap3A_260 = tpu.memref_squeeze %swap3A_259 : memref<1x1024xf32, #tpu.memory_space<vmem>> -> memref<1024xf32, #tpu.memory_space<vmem>>
          %swap3A_261 = arith.index_cast %mul3A_253 : i32 to index
          %swap3A_262 = tpu.vector_load %swap3A_260[%swap3A_261] {strides = array<i32>} : memref<1024xf32, #tpu.memory_space<vmem>>, vector<16xf32>,
          %swap3A_263 = vector.shape_cast %swap3A_262 : vector<16xf32> to vector<16xf32>
          %swap3A_264 = vector.shape_cast %get3A_258 : vector<16xf32> to vector<16xf32>
          tpu.vector_store %swap3A_260[%swap3A_261], %swap3A_264 {add = true, strides = array<i32>} : memref<1024xf32, #tpu.memory_space<vmem>>, vector<16xf32>,
          %scan3A_265 = arith.constant 1 : i32
          %scan3A_266 = arith.addi %scan3A_247, %scan3A_265 : i32
          %mul3A_267 = arith.constant 1 : i32
          %mul3A_268 = arith.muli %scan3A_266, %mul3A_267 : i32
          %add3A_269 = arith.constant 0 : i32
          %add3A_270 = arith.addi %add3A_269, %mul3A_268 : i32
          %mul3A_271 = arith.constant 16 : i32
          %mul3A_272 = arith.muli %add3A_270, %mul3A_271 : i32
          %get3A_273 = arith.constant 0 : i32
          %get3A_274 = tpu.memref_slice %arg7[%add3A_241, %get3A_273] : memref<16x1024xf32, #tpu.memory_space<vmem>> -> memref<1x1024xf32, #tpu.memory_space<vmem>>
          %get3A_275 = tpu.memref_squeeze %get3A_274 : memref<1x1024xf32, #tpu.memory_space<vmem>> -> memref<1024xf32, #tpu.memory_space<vmem>>
          %get3A_276 = arith.index_cast %mul3A_272 : i32 to index
          %get3A_277 = tpu.vector_load %get3A_275[%get3A_276] {strides = array<i32>} : memref<1024xf32, #tpu.memory_space<vmem>>, vector<16xf32>,
          %get3A_278 = vector.shape_cast %get3A_277 : vector<16xf32> to vector<16xf32>
          %swap3A_279 = arith.constant 0 : i32
          %swap3A_280 = tpu.memref_slice %arg9[%add3A_241, %swap3A_279] : memref<16x1024xf32, #tpu.memory_space<vmem>> -> memref<1x1024xf32, #tpu.memory_space<vmem>>
          %swap3A_281 = tpu.memref_squeeze %swap3A_280 : memref<1x1024xf32, #tpu.memory_space<vmem>> -> memref<1024xf32, #tpu.memory_space<vmem>>
          %swap3A_282 = arith.index_cast %mul3A_272 : i32 to index
          %swap3A_283 = tpu.vector_load %swap3A_281[%swap3A_282] {strides = array<i32>} : memref<1024xf32, #tpu.memory_space<vmem>>, vector<16xf32>,
          %swap3A_284 = vector.shape_cast %swap3A_283 : vector<16xf32> to vector<16xf32>
          %swap3A_285 = vector.shape_cast %get3A_278 : vector<16xf32> to vector<16xf32>
          tpu.vector_store %swap3A_281[%swap3A_282], %swap3A_285 {add = true, strides = array<i32>} : memref<1024xf32, #tpu.memory_space<vmem>>, vector<16xf32>,
          %scan3A_286 = arith.constant 2 : i32
          %scan3A_287 = arith.addi %scan3A_247, %scan3A_286 : i32
          %mul3A_288 = arith.constant 1 : i32
          %mul3A_289 = arith.muli %scan3A_287, %mul3A_288 : i32
          %add3A_290 = arith.constant 0 : i32
          %add3A_291 = arith.addi %add3A_290, %mul3A_289 : i32
          %mul3A_292 = arith.constant 16 : i32
          %mul3A_293 = arith.muli %add3A_291, %mul3A_292 : i32
          %get3A_294 = arith.constant 0 : i32
          %get3A_295 = tpu.memref_slice %arg7[%add3A_241, %get3A_294] : memref<16x1024xf32, #tpu.memory_space<vmem>> -> memref<1x1024xf32, #tpu.memory_space<vmem>>
          %get3A_296 = tpu.memref_squeeze %get3A_295 : memref<1x1024xf32, #tpu.memory_space<vmem>> -> memref<1024xf32, #tpu.memory_space<vmem>>
          %get3A_297 = arith.index_cast %mul3A_293 : i32 to index
          %get3A_298 = tpu.vector_load %get3A_296[%get3A_297] {strides = array<i32>} : memref<1024xf32, #tpu.memory_space<vmem>>, vector<16xf32>,
          %get3A_299 = vector.shape_cast %get3A_298 : vector<16xf32> to vector<16xf32>
          %swap3A_300 = arith.constant 0 : i32
          %swap3A_301 = tpu.memref_slice %arg9[%add3A_241, %swap3A_300] : memref<16x1024xf32, #tpu.memory_space<vmem>> -> memref<1x1024xf32, #tpu.memory_space<vmem>>
          %swap3A_302 = tpu.memref_squeeze %swap3A_301 : memref<1x1024xf32, #tpu.memory_space<vmem>> -> memref<1024xf32, #tpu.memory_space<vmem>>
          %swap3A_303 = arith.index_cast %mul3A_293 : i32 to index
          %swap3A_304 = tpu.vector_load %swap3A_302[%swap3A_303] {strides = array<i32>} : memref<1024xf32, #tpu.memory_space<vmem>>, vector<16xf32>,
          %swap3A_305 = vector.shape_cast %swap3A_304 : vector<16xf32> to vector<16xf32>
          %swap3A_306 = vector.shape_cast %get3A_299 : vector<16xf32> to vector<16xf32>
          tpu.vector_store %swap3A_302[%swap3A_303], %swap3A_306 {add = true, strides = array<i32>} : memref<1024xf32, #tpu.memory_space<vmem>>, vector<16xf32>,
          %scan3A_307 = arith.constant 3 : i32
          %scan3A_308 = arith.addi %scan3A_247, %scan3A_307 : i32
          %mul3A_309 = arith.constant 1 : i32
          %mul3A_310 = arith.muli %scan3A_308, %mul3A_309 : i32
          %add3A_311 = arith.constant 0 : i32
          %add3A_312 = arith.addi %add3A_311, %mul3A_310 : i32
          %mul3A_313 = arith.constant 16 : i32
          %mul3A_314 = arith.muli %add3A_312, %mul3A_313 : i32
          %get3A_315 = arith.constant 0 : i32
          %get3A_316 = tpu.memref_slice %arg7[%add3A_241, %get3A_315] : memref<16x1024xf32, #tpu.memory_space<vmem>> -> memref<1x1024xf32, #tpu.memory_space<vmem>>
          %get3A_317 = tpu.memref_squeeze %get3A_316 : memref<1x1024xf32, #tpu.memory_space<vmem>> -> memref<1024xf32, #tpu.memory_space<vmem>>
          %get3A_318 = arith.index_cast %mul3A_314 : i32 to index
          %get3A_319 = tpu.vector_load %get3A_317[%get3A_318] {strides = array<i32>} : memref<1024xf32, #tpu.memory_space<vmem>>, vector<16xf32>,
          %get3A_320 = vector.shape_cast %get3A_319 : vector<16xf32> to vector<16xf32>
          %swap3A_321 = arith.constant 0 : i32
          %swap3A_322 = tpu.memref_slice %arg9[%add3A_241, %swap3A_321] : memref<16x1024xf32, #tpu.memory_space<vmem>> -> memref<1x1024xf32, #tpu.memory_space<vmem>>
          %swap3A_323 = tpu.memref_squeeze %swap3A_322 : memref<1x1024xf32, #tpu.memory_space<vmem>> -> memref<1024xf32, #tpu.memory_space<vmem>>
          %swap3A_324 = arith.index_cast %mul3A_314 : i32 to index
          %swap3A_325 = tpu.vector_load %swap3A_323[%swap3A_324] {strides = array<i32>} : memref<1024xf32, #tpu.memory_space<vmem>>, vector<16xf32>,
          %swap3A_326 = vector.shape_cast %swap3A_325 : vector<16xf32> to vector<16xf32>
          %swap3A_327 = vector.shape_cast %get3A_320 : vector<16xf32> to vector<16xf32>
          tpu.vector_store %swap3A_323[%swap3A_324], %swap3A_327 {add = true, strides = array<i32>} : memref<1024xf32, #tpu.memory_space<vmem>>, vector<16xf32>,
          %scan3A_328 = arith.constant 4 : i32
          %scan3A_329 = arith.addi %scan3A_247, %scan3A_328 : i32
          %mul3A_330 = arith.constant 1 : i32
          %mul3A_331 = arith.muli %scan3A_329, %mul3A_330 : i32
          %add3A_332 = arith.constant 0 : i32
          %add3A_333 = arith.addi %add3A_332, %mul3A_331 : i32
          %mul3A_334 = arith.constant 16 : i32
          %mul3A_335 = arith.muli %add3A_333, %mul3A_334 : i32
          %get3A_336 = arith.constant 0 : i32
          %get3A_337 = tpu.memref_slice %arg7[%add3A_241, %get3A_336] : memref<16x1024xf32, #tpu.memory_space<vmem>> -> memref<1x1024xf32, #tpu.memory_space<vmem>>
          %get3A_338 = tpu.memref_squeeze %get3A_337 : memref<1x1024xf32, #tpu.memory_space<vmem>> -> memref<1024xf32, #tpu.memory_space<vmem>>
          %get3A_339 = arith.index_cast %mul3A_335 : i32 to index
          %get3A_340 = tpu.vector_load %get3A_338[%get3A_339] {strides = array<i32>} : memref<1024xf32, #tpu.memory_space<vmem>>, vector<16xf32>,
          %get3A_341 = vector.shape_cast %get3A_340 : vector<16xf32> to vector<16xf32>
          %swap3A_342 = arith.constant 0 : i32
          %swap3A_343 = tpu.memref_slice %arg9[%add3A_241, %swap3A_342] : memref<16x1024xf32, #tpu.memory_space<vmem>> -> memref<1x1024xf32, #tpu.memory_space<vmem>>
          %swap3A_344 = tpu.memref_squeeze %swap3A_343 : memref<1x1024xf32, #tpu.memory_space<vmem>> -> memref<1024xf32, #tpu.memory_space<vmem>>
          %swap3A_345 = arith.index_cast %mul3A_335 : i32 to index
          %swap3A_346 = tpu.vector_load %swap3A_344[%swap3A_345] {strides = array<i32>} : memref<1024xf32, #tpu.memory_space<vmem>>, vector<16xf32>,
          %swap3A_347 = vector.shape_cast %swap3A_346 : vector<16xf32> to vector<16xf32>
          %swap3A_348 = vector.shape_cast %get3A_341 : vector<16xf32> to vector<16xf32>
          tpu.vector_store %swap3A_344[%swap3A_345], %swap3A_348 {add = true, strides = array<i32>} : memref<1024xf32, #tpu.memory_space<vmem>>, vector<16xf32>,
          %scan3A_349 = arith.constant 5 : i32
          %scan3A_350 = arith.addi %scan3A_247, %scan3A_349 : i32
          %mul3A_351 = arith.constant 1 : i32
          %mul3A_352 = arith.muli %scan3A_350, %mul3A_351 : i32
          %add3A_353 = arith.constant 0 : i32
          %add3A_354 = arith.addi %add3A_353, %mul3A_352 : i32
          %mul3A_355 = arith.constant 16 : i32
          %mul3A_356 = arith.muli %add3A_354, %mul3A_355 : i32
          %get3A_357 = arith.constant 0 : i32
          %get3A_358 = tpu.memref_slice %arg7[%add3A_241, %get3A_357] : memref<16x1024xf32, #tpu.memory_space<vmem>> -> memref<1x1024xf32, #tpu.memory_space<vmem>>
          %get3A_359 = tpu.memref_squeeze %get3A_358 : memref<1x1024xf32, #tpu.memory_space<vmem>> -> memref<1024xf32, #tpu.memory_space<vmem>>
          %get3A_360 = arith.index_cast %mul3A_356 : i32 to index
          %get3A_361 = tpu.vector_load %get3A_359[%get3A_360] {strides = array<i32>} : memref<1024xf32, #tpu.memory_space<vmem>>, vector<16xf32>,
          %get3A_362 = vector.shape_cast %get3A_361 : vector<16xf32> to vector<16xf32>
          %swap3A_363 = arith.constant 0 : i32
          %swap3A_364 = tpu.memref_slice %arg9[%add3A_241, %swap3A_363] : memref<16x1024xf32, #tpu.memory_space<vmem>> -> memref<1x1024xf32, #tpu.memory_space<vmem>>
          %swap3A_365 = tpu.memref_squeeze %swap3A_364 : memref<1x1024xf32, #tpu.memory_space<vmem>> -> memref<1024xf32, #tpu.memory_space<vmem>>
          %swap3A_366 = arith.index_cast %mul3A_356 : i32 to index
          %swap3A_367 = tpu.vector_load %swap3A_365[%swap3A_366] {strides = array<i32>} : memref<1024xf32, #tpu.memory_space<vmem>>, vector<16xf32>,
          %swap3A_368 = vector.shape_cast %swap3A_367 : vector<16xf32> to vector<16xf32>
          %swap3A_369 = vector.shape_cast %get3A_362 : vector<16xf32> to vector<16xf32>
          tpu.vector_store %swap3A_365[%swap3A_366], %swap3A_369 {add = true, strides = array<i32>} : memref<1024xf32, #tpu.memory_space<vmem>>, vector<16xf32>,
          %scan3A_370 = arith.constant 6 : i32
          %scan3A_371 = arith.addi %scan3A_247, %scan3A_370 : i32
          %mul3A_372 = arith.constant 1 : i32
          %mul3A_373 = arith.muli %scan3A_371, %mul3A_372 : i32
          %add3A_374 = arith.constant 0 : i32
          %add3A_375 = arith.addi %add3A_374, %mul3A_373 : i32
          %mul3A_376 = arith.constant 16 : i32
          %mul3A_377 = arith.muli %add3A_375, %mul3A_376 : i32
          %get3A_378 = arith.constant 0 : i32
          %get3A_379 = tpu.memref_slice %arg7[%add3A_241, %get3A_378] : memref<16x1024xf32, #tpu.memory_space<vmem>> -> memref<1x1024xf32, #tpu.memory_space<vmem>>
          %get3A_380 = tpu.memref_squeeze %get3A_379 : memref<1x1024xf32, #tpu.memory_space<vmem>> -> memref<1024xf32, #tpu.memory_space<vmem>>
          %get3A_381 = arith.index_cast %mul3A_377 : i32 to index
          %get3A_382 = tpu.vector_load %get3A_380[%get3A_381] {strides = array<i32>} : memref<1024xf32, #tpu.memory_space<vmem>>, vector<16xf32>,
          %get3A_383 = vector.shape_cast %get3A_382 : vector<16xf32> to vector<16xf32>
          %swap3A_384 = arith.constant 0 : i32
          %swap3A_385 = tpu.memref_slice %arg9[%add3A_241, %swap3A_384] : memref<16x1024xf32, #tpu.memory_space<vmem>> -> memref<1x1024xf32, #tpu.memory_space<vmem>>
          %swap3A_386 = tpu.memref_squeeze %swap3A_385 : memref<1x1024xf32, #tpu.memory_space<vmem>> -> memref<1024xf32, #tpu.memory_space<vmem>>
          %swap3A_387 = arith.index_cast %mul3A_377 : i32 to index
          %swap3A_388 = tpu.vector_load %swap3A_386[%swap3A_387] {strides = array<i32>} : memref<1024xf32, #tpu.memory_space<vmem>>, vector<16xf32>,
          %swap3A_389 = vector.shape_cast %swap3A_388 : vector<16xf32> to vector<16xf32>
          %swap3A_390 = vector.shape_cast %get3A_383 : vector<16xf32> to vector<16xf32>
          tpu.vector_store %swap3A_386[%swap3A_387], %swap3A_390 {add = true, strides = array<i32>} : memref<1024xf32, #tpu.memory_space<vmem>>, vector<16xf32>,
          %scan3A_391 = arith.constant 7 : i32
          %scan3A_392 = arith.addi %scan3A_247, %scan3A_391 : i32
          %mul3A_393 = arith.constant 1 : i32
          %mul3A_394 = arith.muli %scan3A_392, %mul3A_393 : i32
          %add3A_395 = arith.constant 0 : i32
          %add3A_396 = arith.addi %add3A_395, %mul3A_394 : i32
          %mul3A_397 = arith.constant 16 : i32
          %mul3A_398 = arith.muli %add3A_396, %mul3A_397 : i32
          %get3A_399 = arith.constant 0 : i32
          %get3A_400 = tpu.memref_slice %arg7[%add3A_241, %get3A_399] : memref<16x1024xf32, #tpu.memory_space<vmem>> -> memref<1x1024xf32, #tpu.memory_space<vmem>>
          %get3A_401 = tpu.memref_squeeze %get3A_400 : memref<1x1024xf32, #tpu.memory_space<vmem>> -> memref<1024xf32, #tpu.memory_space<vmem>>
          %get3A_402 = arith.index_cast %mul3A_398 : i32 to index
          %get3A_403 = tpu.vector_load %get3A_401[%get3A_402] {strides = array<i32>} : memref<1024xf32, #tpu.memory_space<vmem>>, vector<16xf32>,
          %get3A_404 = vector.shape_cast %get3A_403 : vector<16xf32> to vector<16xf32>
          %swap3A_405 = arith.constant 0 : i32
          %swap3A_406 = tpu.memref_slice %arg9[%add3A_241, %swap3A_405] : memref<16x1024xf32, #tpu.memory_space<vmem>> -> memref<1x1024xf32, #tpu.memory_space<vmem>>
          %swap3A_407 = tpu.memref_squeeze %swap3A_406 : memref<1x1024xf32, #tpu.memory_space<vmem>> -> memref<1024xf32, #tpu.memory_space<vmem>>
          %swap3A_408 = arith.index_cast %mul3A_398 : i32 to index
          %swap3A_409 = tpu.vector_load %swap3A_407[%swap3A_408] {strides = array<i32>} : memref<1024xf32, #tpu.memory_space<vmem>>, vector<16xf32>,
          %swap3A_410 = vector.shape_cast %swap3A_409 : vector<16xf32> to vector<16xf32>
          %swap3A_411 = vector.shape_cast %get3A_404 : vector<16xf32> to vector<16xf32>
          tpu.vector_store %swap3A_407[%swap3A_408], %swap3A_411 {add = true, strides = array<i32>} : memref<1024xf32, #tpu.memory_space<vmem>>, vector<16xf32>,
          %scan3A_412 = arith.constant 8 : i32
          %scan3A_413 = arith.addi %scan3A_247, %scan3A_412 : i32
          %mul3A_414 = arith.constant 1 : i32
          %mul3A_415 = arith.muli %scan3A_413, %mul3A_414 : i32
          %add3A_416 = arith.constant 0 : i32
          %add3A_417 = arith.addi %add3A_416, %mul3A_415 : i32
          %mul3A_418 = arith.constant 16 : i32
          %mul3A_419 = arith.muli %add3A_417, %mul3A_418 : i32
          %get3A_420 = arith.constant 0 : i32
          %get3A_421 = tpu.memref_slice %arg7[%add3A_241, %get3A_420] : memref<16x1024xf32, #tpu.memory_space<vmem>> -> memref<1x1024xf32, #tpu.memory_space<vmem>>
          %get3A_422 = tpu.memref_squeeze %get3A_421 : memref<1x1024xf32, #tpu.memory_space<vmem>> -> memref<1024xf32, #tpu.memory_space<vmem>>
          %get3A_423 = arith.index_cast %mul3A_419 : i32 to index
          %get3A_424 = tpu.vector_load %get3A_422[%get3A_423] {strides = array<i32>} : memref<1024xf32, #tpu.memory_space<vmem>>, vector<16xf32>,
          %get3A_425 = vector.shape_cast %get3A_424 : vector<16xf32> to vector<16xf32>
          %swap3A_426 = arith.constant 0 : i32
          %swap3A_427 = tpu.memref_slice %arg9[%add3A_241, %swap3A_426] : memref<16x1024xf32, #tpu.memory_space<vmem>> -> memref<1x1024xf32, #tpu.memory_space<vmem>>
          %swap3A_428 = tpu.memref_squeeze %swap3A_427 : memref<1x1024xf32, #tpu.memory_space<vmem>> -> memref<1024xf32, #tpu.memory_space<vmem>>
          %swap3A_429 = arith.index_cast %mul3A_419 : i32 to index
          %swap3A_430 = tpu.vector_load %swap3A_428[%swap3A_429] {strides = array<i32>} : memref<1024xf32, #tpu.memory_space<vmem>>, vector<16xf32>,
          %swap3A_431 = vector.shape_cast %swap3A_430 : vector<16xf32> to vector<16xf32>
          %swap3A_432 = vector.shape_cast %get3A_425 : vector<16xf32> to vector<16xf32>
          tpu.vector_store %swap3A_428[%swap3A_429], %swap3A_432 {add = true, strides = array<i32>} : memref<1024xf32, #tpu.memory_space<vmem>>, vector<16xf32>,
          %scan3A_433 = arith.constant 9 : i32
          %scan3A_434 = arith.addi %scan3A_247, %scan3A_433 : i32
          %mul3A_435 = arith.constant 1 : i32
          %mul3A_436 = arith.muli %scan3A_434, %mul3A_435 : i32
          %add3A_437 = arith.constant 0 : i32
          %add3A_438 = arith.addi %add3A_437, %mul3A_436 : i32
          %mul3A_439 = arith.constant 16 : i32
          %mul3A_440 = arith.muli %add3A_438, %mul3A_439 : i32
          %get3A_441 = arith.constant 0 : i32
          %get3A_442 = tpu.memref_slice %arg7[%add3A_241, %get3A_441] : memref<16x1024xf32, #tpu.memory_space<vmem>> -> memref<1x1024xf32, #tpu.memory_space<vmem>>
          %get3A_443 = tpu.memref_squeeze %get3A_442 : memref<1x1024xf32, #tpu.memory_space<vmem>> -> memref<1024xf32, #tpu.memory_space<vmem>>
          %get3A_444 = arith.index_cast %mul3A_440 : i32 to index
          %get3A_445 = tpu.vector_load %get3A_443[%get3A_444] {strides = array<i32>} : memref<1024xf32, #tpu.memory_space<vmem>>, vector<16xf32>,
          %get3A_446 = vector.shape_cast %get3A_445 : vector<16xf32> to vector<16xf32>
          %swap3A_447 = arith.constant 0 : i32
          %swap3A_448 = tpu.memref_slice %arg9[%add3A_241, %swap3A_447] : memref<16x1024xf32, #tpu.memory_space<vmem>> -> memref<1x1024xf32, #tpu.memory_space<vmem>>
          %swap3A_449 = tpu.memref_squeeze %swap3A_448 : memref<1x1024xf32, #tpu.memory_space<vmem>> -> memref<1024xf32, #tpu.memory_space<vmem>>
          %swap3A_450 = arith.index_cast %mul3A_440 : i32 to index
          %swap3A_451 = tpu.vector_load %swap3A_449[%swap3A_450] {strides = array<i32>} : memref<1024xf32, #tpu.memory_space<vmem>>, vector<16xf32>,
          %swap3A_452 = vector.shape_cast %swap3A_451 : vector<16xf32> to vector<16xf32>
          %swap3A_453 = vector.shape_cast %get3A_446 : vector<16xf32> to vector<16xf32>
          tpu.vector_store %swap3A_449[%swap3A_450], %swap3A_453 {add = true, strides = array<i32>} : memref<1024xf32, #tpu.memory_space<vmem>>, vector<16xf32>,
          %scan3A_454 = arith.constant 10 : i32
          %scan3A_455 = arith.addi %scan3A_247, %scan3A_454 : i32
          %mul3A_456 = arith.constant 1 : i32
          %mul3A_457 = arith.muli %scan3A_455, %mul3A_456 : i32
          %add3A_458 = arith.constant 0 : i32
          %add3A_459 = arith.addi %add3A_458, %mul3A_457 : i32
          %mul3A_460 = arith.constant 16 : i32
          %mul3A_461 = arith.muli %add3A_459, %mul3A_460 : i32
          %get3A_462 = arith.constant 0 : i32
          %get3A_463 = tpu.memref_slice %arg7[%add3A_241, %get3A_462] : memref<16x1024xf32, #tpu.memory_space<vmem>> -> memref<1x1024xf32, #tpu.memory_space<vmem>>
          %get3A_464 = tpu.memref_squeeze %get3A_463 : memref<1x1024xf32, #tpu.memory_space<vmem>> -> memref<1024xf32, #tpu.memory_space<vmem>>
          %get3A_465 = arith.index_cast %mul3A_461 : i32 to index
          %get3A_466 = tpu.vector_load %get3A_464[%get3A_465] {strides = array<i32>} : memref<1024xf32, #tpu.memory_space<vmem>>, vector<16xf32>,
          %get3A_467 = vector.shape_cast %get3A_466 : vector<16xf32> to vector<16xf32>
          %swap3A_468 = arith.constant 0 : i32
          %swap3A_469 = tpu.memref_slice %arg9[%add3A_241, %swap3A_468] : memref<16x1024xf32, #tpu.memory_space<vmem>> -> memref<1x1024xf32, #tpu.memory_space<vmem>>
          %swap3A_470 = tpu.memref_squeeze %swap3A_469 : memref<1x1024xf32, #tpu.memory_space<vmem>> -> memref<1024xf32, #tpu.memory_space<vmem>>
          %swap3A_471 = arith.index_cast %mul3A_461 : i32 to index
          %swap3A_472 = tpu.vector_load %swap3A_470[%swap3A_471] {strides = array<i32>} : memref<1024xf32, #tpu.memory_space<vmem>>, vector<16xf32>,
          %swap3A_473 = vector.shape_cast %swap3A_472 : vector<16xf32> to vector<16xf32>
          %swap3A_474 = vector.shape_cast %get3A_467 : vector<16xf32> to vector<16xf32>
          tpu.vector_store %swap3A_470[%swap3A_471], %swap3A_474 {add = true, strides = array<i32>} : memref<1024xf32, #tpu.memory_space<vmem>>, vector<16xf32>,
          %scan3A_475 = arith.constant 11 : i32
          %scan3A_476 = arith.addi %scan3A_247, %scan3A_475 : i32
          %mul3A_477 = arith.constant 1 : i32
          %mul3A_478 = arith.muli %scan3A_476, %mul3A_477 : i32
          %add3A_479 = arith.constant 0 : i32
          %add3A_480 = arith.addi %add3A_479, %mul3A_478 : i32
          %mul3A_481 = arith.constant 16 : i32
          %mul3A_482 = arith.muli %add3A_480, %mul3A_481 : i32
          %get3A_483 = arith.constant 0 : i32
          %get3A_484 = tpu.memref_slice %arg7[%add3A_241, %get3A_483] : memref<16x1024xf32, #tpu.memory_space<vmem>> -> memref<1x1024xf32, #tpu.memory_space<vmem>>
          %get3A_485 = tpu.memref_squeeze %get3A_484 : memref<1x1024xf32, #tpu.memory_space<vmem>> -> memref<1024xf32, #tpu.memory_space<vmem>>
          %get3A_486 = arith.index_cast %mul3A_482 : i32 to index
          %get3A_487 = tpu.vector_load %get3A_485[%get3A_486] {strides = array<i32>} : memref<1024xf32, #tpu.memory_space<vmem>>, vector<16xf32>,
          %get3A_488 = vector.shape_cast %get3A_487 : vector<16xf32> to vector<16xf32>
          %swap3A_489 = arith.constant 0 : i32
          %swap3A_490 = tpu.memref_slice %arg9[%add3A_241, %swap3A_489] : memref<16x1024xf32, #tpu.memory_space<vmem>> -> memref<1x1024xf32, #tpu.memory_space<vmem>>
          %swap3A_491 = tpu.memref_squeeze %swap3A_490 : memref<1x1024xf32, #tpu.memory_space<vmem>> -> memref<1024xf32, #tpu.memory_space<vmem>>
          %swap3A_492 = arith.index_cast %mul3A_482 : i32 to index
          %swap3A_493 = tpu.vector_load %swap3A_491[%swap3A_492] {strides = array<i32>} : memref<1024xf32, #tpu.memory_space<vmem>>, vector<16xf32>,
          %swap3A_494 = vector.shape_cast %swap3A_493 : vector<16xf32> to vector<16xf32>
          %swap3A_495 = vector.shape_cast %get3A_488 : vector<16xf32> to vector<16xf32>
          tpu.vector_store %swap3A_491[%swap3A_492], %swap3A_495 {add = true, strides = array<i32>} : memref<1024xf32, #tpu.memory_space<vmem>>, vector<16xf32>,
          %scan3A_496 = arith.constant 12 : i32
          %scan3A_497 = arith.addi %scan3A_247, %scan3A_496 : i32
          %mul3A_498 = arith.constant 1 : i32
          %mul3A_499 = arith.muli %scan3A_497, %mul3A_498 : i32
          %add3A_500 = arith.constant 0 : i32
          %add3A_501 = arith.addi %add3A_500, %mul3A_499 : i32
          %mul3A_502 = arith.constant 16 : i32
          %mul3A_503 = arith.muli %add3A_501, %mul3A_502 : i32
          %get3A_504 = arith.constant 0 : i32
          %get3A_505 = tpu.memref_slice %arg7[%add3A_241, %get3A_504] : memref<16x1024xf32, #tpu.memory_space<vmem>> -> memref<1x1024xf32, #tpu.memory_space<vmem>>
          %get3A_506 = tpu.memref_squeeze %get3A_505 : memref<1x1024xf32, #tpu.memory_space<vmem>> -> memref<1024xf32, #tpu.memory_space<vmem>>
          %get3A_507 = arith.index_cast %mul3A_503 : i32 to index
          %get3A_508 = tpu.vector_load %get3A_506[%get3A_507] {strides = array<i32>} : memref<1024xf32, #tpu.memory_space<vmem>>, vector<16xf32>,
          %get3A_509 = vector.shape_cast %get3A_508 : vector<16xf32> to vector<16xf32>
          %swap3A_510 = arith.constant 0 : i32
          %swap3A_511 = tpu.memref_slice %arg9[%add3A_241, %swap3A_510] : memref<16x1024xf32, #tpu.memory_space<vmem>> -> memref<1x1024xf32, #tpu.memory_space<vmem>>
          %swap3A_512 = tpu.memref_squeeze %swap3A_511 : memref<1x1024xf32, #tpu.memory_space<vmem>> -> memref<1024xf32, #tpu.memory_space<vmem>>
          %swap3A_513 = arith.index_cast %mul3A_503 : i32 to index
          %swap3A_514 = tpu.vector_load %swap3A_512[%swap3A_513] {strides = array<i32>} : memref<1024xf32, #tpu.memory_space<vmem>>, vector<16xf32>,
          %swap3A_515 = vector.shape_cast %swap3A_514 : vector<16xf32> to vector<16xf32>
          %swap3A_516 = vector.shape_cast %get3A_509 : vector<16xf32> to vector<16xf32>
          tpu.vector_store %swap3A_512[%swap3A_513], %swap3A_516 {add = true, strides = array<i32>} : memref<1024xf32, #tpu.memory_space<vmem>>, vector<16xf32>,
          %scan3A_517 = arith.constant 13 : i32
          %scan3A_518 = arith.addi %scan3A_247, %scan3A_517 : i32
          %mul3A_519 = arith.constant 1 : i32
          %mul3A_520 = arith.muli %scan3A_518, %mul3A_519 : i32
          %add3A_521 = arith.constant 0 : i32
          %add3A_522 = arith.addi %add3A_521, %mul3A_520 : i32
          %mul3A_523 = arith.constant 16 : i32
          %mul3A_524 = arith.muli %add3A_522, %mul3A_523 : i32
          %get3A_525 = arith.constant 0 : i32
          %get3A_526 = tpu.memref_slice %arg7[%add3A_241, %get3A_525] : memref<16x1024xf32, #tpu.memory_space<vmem>> -> memref<1x1024xf32, #tpu.memory_space<vmem>>
          %get3A_527 = tpu.memref_squeeze %get3A_526 : memref<1x1024xf32, #tpu.memory_space<vmem>> -> memref<1024xf32, #tpu.memory_space<vmem>>
          %get3A_528 = arith.index_cast %mul3A_524 : i32 to index
          %get3A_529 = tpu.vector_load %get3A_527[%get3A_528] {strides = array<i32>} : memref<1024xf32, #tpu.memory_space<vmem>>, vector<16xf32>,
          %get3A_530 = vector.shape_cast %get3A_529 : vector<16xf32> to vector<16xf32>
          %swap3A_531 = arith.constant 0 : i32
          %swap3A_532 = tpu.memref_slice %arg9[%add3A_241, %swap3A_531] : memref<16x1024xf32, #tpu.memory_space<vmem>> -> memref<1x1024xf32, #tpu.memory_space<vmem>>
          %swap3A_533 = tpu.memref_squeeze %swap3A_532 : memref<1x1024xf32, #tpu.memory_space<vmem>> -> memref<1024xf32, #tpu.memory_space<vmem>>
          %swap3A_534 = arith.index_cast %mul3A_524 : i32 to index
          %swap3A_535 = tpu.vector_load %swap3A_533[%swap3A_534] {strides = array<i32>} : memref<1024xf32, #tpu.memory_space<vmem>>, vector<16xf32>,
          %swap3A_536 = vector.shape_cast %swap3A_535 : vector<16xf32> to vector<16xf32>
          %swap3A_537 = vector.shape_cast %get3A_530 : vector<16xf32> to vector<16xf32>
          tpu.vector_store %swap3A_533[%swap3A_534], %swap3A_537 {add = true, strides = array<i32>} : memref<1024xf32, #tpu.memory_space<vmem>>, vector<16xf32>,
          %scan3A_538 = arith.constant 14 : i32
          %scan3A_539 = arith.addi %scan3A_247, %scan3A_538 : i32
          %mul3A_540 = arith.constant 1 : i32
          %mul3A_541 = arith.muli %scan3A_539, %mul3A_540 : i32
          %add3A_542 = arith.constant 0 : i32
          %add3A_543 = arith.addi %add3A_542, %mul3A_541 : i32
          %mul3A_544 = arith.constant 16 : i32
          %mul3A_545 = arith.muli %add3A_543, %mul3A_544 : i32
          %get3A_546 = arith.constant 0 : i32
          %get3A_547 = tpu.memref_slice %arg7[%add3A_241, %get3A_546] : memref<16x1024xf32, #tpu.memory_space<vmem>> -> memref<1x1024xf32, #tpu.memory_space<vmem>>
          %get3A_548 = tpu.memref_squeeze %get3A_547 : memref<1x1024xf32, #tpu.memory_space<vmem>> -> memref<1024xf32, #tpu.memory_space<vmem>>
          %get3A_549 = arith.index_cast %mul3A_545 : i32 to index
          %get3A_550 = tpu.vector_load %get3A_548[%get3A_549] {strides = array<i32>} : memref<1024xf32, #tpu.memory_space<vmem>>, vector<16xf32>,
          %get3A_551 = vector.shape_cast %get3A_550 : vector<16xf32> to vector<16xf32>
          %swap3A_552 = arith.constant 0 : i32
          %swap3A_553 = tpu.memref_slice %arg9[%add3A_241, %swap3A_552] : memref<16x1024xf32, #tpu.memory_space<vmem>> -> memref<1x1024xf32, #tpu.memory_space<vmem>>
          %swap3A_554 = tpu.memref_squeeze %swap3A_553 : memref<1x1024xf32, #tpu.memory_space<vmem>> -> memref<1024xf32, #tpu.memory_space<vmem>>
          %swap3A_555 = arith.index_cast %mul3A_545 : i32 to index
          %swap3A_556 = tpu.vector_load %swap3A_554[%swap3A_555] {strides = array<i32>} : memref<1024xf32, #tpu.memory_space<vmem>>, vector<16xf32>,
          %swap3A_557 = vector.shape_cast %swap3A_556 : vector<16xf32> to vector<16xf32>
          %swap3A_558 = vector.shape_cast %get3A_551 : vector<16xf32> to vector<16xf32>
          tpu.vector_store %swap3A_554[%swap3A_555], %swap3A_558 {add = true, strides = array<i32>} : memref<1024xf32, #tpu.memory_space<vmem>>, vector<16xf32>,
          %scan3A_559 = arith.constant 15 : i32
          %scan3A_560 = arith.addi %scan3A_247, %scan3A_559 : i32
          %mul3A_561 = arith.constant 1 : i32
          %mul3A_562 = arith.muli %scan3A_560, %mul3A_561 : i32
          %add3A_563 = arith.constant 0 : i32
          %add3A_564 = arith.addi %add3A_563, %mul3A_562 : i32
          %mul3A_565 = arith.constant 16 : i32
          %mul3A_566 = arith.muli %add3A_564, %mul3A_565 : i32
          %get3A_567 = arith.constant 0 : i32
          %get3A_568 = tpu.memref_slice %arg7[%add3A_241, %get3A_567] : memref<16x1024xf32, #tpu.memory_space<vmem>> -> memref<1x1024xf32, #tpu.memory_space<vmem>>
          %get3A_569 = tpu.memref_squeeze %get3A_568 : memref<1x1024xf32, #tpu.memory_space<vmem>> -> memref<1024xf32, #tpu.memory_space<vmem>>
          %get3A_570 = arith.index_cast %mul3A_566 : i32 to index
          %get3A_571 = tpu.vector_load %get3A_569[%get3A_570] {strides = array<i32>} : memref<1024xf32, #tpu.memory_space<vmem>>, vector<16xf32>,
          %get3A_572 = vector.shape_cast %get3A_571 : vector<16xf32> to vector<16xf32>
          %swap3A_573 = arith.constant 0 : i32
          %swap3A_574 = tpu.memref_slice %arg9[%add3A_241, %swap3A_573] : memref<16x1024xf32, #tpu.memory_space<vmem>> -> memref<1x1024xf32, #tpu.memory_space<vmem>>
          %swap3A_575 = tpu.memref_squeeze %swap3A_574 : memref<1x1024xf32, #tpu.memory_space<vmem>> -> memref<1024xf32, #tpu.memory_space<vmem>>
          %swap3A_576 = arith.index_cast %mul3A_566 : i32 to index
          %swap3A_577 = tpu.vector_load %swap3A_575[%swap3A_576] {strides = array<i32>} : memref<1024xf32, #tpu.memory_space<vmem>>, vector<16xf32>,
          %swap3A_578 = vector.shape_cast %swap3A_577 : vector<16xf32> to vector<16xf32>
          %swap3A_579 = vector.shape_cast %get3A_572 : vector<16xf32> to vector<16xf32>
          tpu.vector_store %swap3A_575[%swap3A_576], %swap3A_579 {add = true, strides = array<i32>} : memref<1024xf32, #tpu.memory_space<vmem>>, vector<16xf32>,
        }
        %scan3A_246 = arith.constant 64 : i32
      }
      %scan3A_124 = arith.constant 16 : i32
      %add3A_125 = arith.constant 4096 : i32
      %add3A_126 = arith.addi %add3A_125, %mul3A_2 : i32
      %mul3A_127 = arith.constant 16 : i32
      %mul3A_128 = arith.muli %add3A_84, %mul3A_127 : i32
      %add3A_129 = arith.addi %add3A_126, %mul3A_128 : i32
      %dma_start3A_130 = arith.constant 0 : i32
      %dma_start3A_131 = tpu.memref_slice %arg5[%add3A_129, %dma_start3A_130] : memref<16384x1024xf32, #tpu.memory_space<hbm>> -> memref<16x1024xf32, #tpu.memory_space<hbm>>
      %dma_start3A_132 = arith.constant 0 : i32
      %dma_start3A_133 = tpu.memref_slice %arg5[%add3A_129, %dma_start3A_132] : memref<16384x1024xf32, #tpu.memory_space<hbm>> -> memref<16x1024xf32, #tpu.memory_space<hbm>>
      tpu.enqueue_dma source(%arg9 : memref<16x1024xf32, #tpu.memory_space<vmem>>) target(%dma_start3A_133 : memref<16x1024xf32, #tpu.memory_space<hbm>>) target_semaphore(%arg17 : memref<!tpu.dma_semaphore, #tpu.memory_space<semaphore_mem>>)
      %dma_wait3A_134 = arith.constant 0 : i32
      %dma_wait3A_135 = arith.constant 0 : i32
      %dma_wait3A_136 = tpu.memref_slice %arg4[%dma_wait3A_134, %dma_wait3A_135] : memref<100000x1024xf32, #tpu.memory_space<hbm>> -> memref<16x1024xf32, #tpu.memory_space<hbm>>
      %dma_wait3A_137 = arith.constant 0 : i32
      %dma_wait3A_138 = arith.constant 0 : i32
      %dma_wait3A_139 = tpu.memref_slice %arg4[%dma_wait3A_137, %dma_wait3A_138] : memref<100000x1024xf32, #tpu.memory_space<hbm>> -> memref<16x1024xf32, #tpu.memory_space<hbm>>
      tpu.wait_dma2 semaphore(%arg14 : memref<!tpu.dma_semaphore, #tpu.memory_space<semaphore_mem>>) src(%dma_wait3A_139 : memref<16x1024xf32, #tpu.memory_space<hbm>>) dst(%arg10 : memref<16x1024xf32, #tpu.memory_space<vmem>>)
      %scan3A_140 = arith.constant 0 : i32
      %scan3A_141 = arith.constant 16 : i32
      %scan3A_142 = arith.addi %scan3A_140, %scan3A_141 : i32
      %scan3A_143 = arith.constant 1 : i32
      scf.for %scan3A_237 = %scan3A_140 to %scan3A_142 step %scan3A_143  : i32 {
        %mul3A_238 = arith.constant 1 : i32
        %mul3A_239 = arith.muli %scan3A_237, %mul3A_238 : i32
        %add3A_240 = arith.constant 0 : i32
        %add3A_241 = arith.addi %add3A_240, %mul3A_239 : i32
        %scan3A_242 = arith.constant 0 : i32
        %scan3A_243 = arith.constant 64 : i32
        %scan3A_244 = arith.addi %scan3A_242, %scan3A_243 : i32
        %scan3A_245 = arith.constant 16 : i32
        scf.for %scan3A_247 = %scan3A_242 to %scan3A_244 step %scan3A_245  : i32 {
          %mul3A_248 = arith.constant 1 : i32
          %mul3A_249 = arith.muli %scan3A_247, %mul3A_248 : i32
          %add3A_250 = arith.constant 0 : i32
          %add3A_251 = arith.addi %add3A_250, %mul3A_249 : i32
          %mul3A_252 = arith.constant 16 : i32
          %mul3A_253 = arith.muli %add3A_251, %mul3A_252 : i32
          %get3A = arith.constant 0 : i32
          %get3A_254 = tpu.memref_slice %arg7[%add3A_241, %get3A] : memref<16x1024xf32, #tpu.memory_space<vmem>> -> memref<1x1024xf32, #tpu.memory_space<vmem>>
          %get3A_255 = tpu.memref_squeeze %get3A_254 : memref<1x1024xf32, #tpu.memory_space<vmem>> -> memref<1024xf32, #tpu.memory_space<vmem>>
          %get3A_256 = arith.index_cast %mul3A_253 : i32 to index
          %get3A_257 = tpu.vector_load %get3A_255[%get3A_256] {strides = array<i32>} : memref<1024xf32, #tpu.memory_space<vmem>>, vector<16xf32>,
          %get3A_258 = vector.shape_cast %get3A_257 : vector<16xf32> to vector<16xf32>
          %swap3A = arith.constant 0 : i32
          %swap3A_259 = tpu.memref_slice %arg10[%add3A_241, %swap3A] : memref<16x1024xf32, #tpu.memory_space<vmem>> -> memref<1x1024xf32, #tpu.memory_space<vmem>>
          %swap3A_260 = tpu.memref_squeeze %swap3A_259 : memref<1x1024xf32, #tpu.memory_space<vmem>> -> memref<1024xf32, #tpu.memory_space<vmem>>
          %swap3A_261 = arith.index_cast %mul3A_253 : i32 to index
          %swap3A_262 = tpu.vector_load %swap3A_260[%swap3A_261] {strides = array<i32>} : memref<1024xf32, #tpu.memory_space<vmem>>, vector<16xf32>,
          %swap3A_263 = vector.shape_cast %swap3A_262 : vector<16xf32> to vector<16xf32>
          %swap3A_264 = vector.shape_cast %get3A_258 : vector<16xf32> to vector<16xf32>
          tpu.vector_store %swap3A_260[%swap3A_261], %swap3A_264 {add = true, strides = array<i32>} : memref<1024xf32, #tpu.memory_space<vmem>>, vector<16xf32>,
          %scan3A_265 = arith.constant 1 : i32
          %scan3A_266 = arith.addi %scan3A_247, %scan3A_265 : i32
          %mul3A_267 = arith.constant 1 : i32
          %mul3A_268 = arith.muli %scan3A_266, %mul3A_267 : i32
          %add3A_269 = arith.constant 0 : i32
          %add3A_270 = arith.addi %add3A_269, %mul3A_268 : i32
          %mul3A_271 = arith.constant 16 : i32
          %mul3A_272 = arith.muli %add3A_270, %mul3A_271 : i32
          %get3A_273 = arith.constant 0 : i32
          %get3A_274 = tpu.memref_slice %arg7[%add3A_241, %get3A_273] : memref<16x1024xf32, #tpu.memory_space<vmem>> -> memref<1x1024xf32, #tpu.memory_space<vmem>>
          %get3A_275 = tpu.memref_squeeze %get3A_274 : memref<1x1024xf32, #tpu.memory_space<vmem>> -> memref<1024xf32, #tpu.memory_space<vmem>>
          %get3A_276 = arith.index_cast %mul3A_272 : i32 to index
          %get3A_277 = tpu.vector_load %get3A_275[%get3A_276] {strides = array<i32>} : memref<1024xf32, #tpu.memory_space<vmem>>, vector<16xf32>,
          %get3A_278 = vector.shape_cast %get3A_277 : vector<16xf32> to vector<16xf32>
          %swap3A_279 = arith.constant 0 : i32
          %swap3A_280 = tpu.memref_slice %arg10[%add3A_241, %swap3A_279] : memref<16x1024xf32, #tpu.memory_space<vmem>> -> memref<1x1024xf32, #tpu.memory_space<vmem>>
          %swap3A_281 = tpu.memref_squeeze %swap3A_280 : memref<1x1024xf32, #tpu.memory_space<vmem>> -> memref<1024xf32, #tpu.memory_space<vmem>>
          %swap3A_282 = arith.index_cast %mul3A_272 : i32 to index
          %swap3A_283 = tpu.vector_load %swap3A_281[%swap3A_282] {strides = array<i32>} : memref<1024xf32, #tpu.memory_space<vmem>>, vector<16xf32>,
          %swap3A_284 = vector.shape_cast %swap3A_283 : vector<16xf32> to vector<16xf32>
          %swap3A_285 = vector.shape_cast %get3A_278 : vector<16xf32> to vector<16xf32>
          tpu.vector_store %swap3A_281[%swap3A_282], %swap3A_285 {add = true, strides = array<i32>} : memref<1024xf32, #tpu.memory_space<vmem>>, vector<16xf32>,
          %scan3A_286 = arith.constant 2 : i32
          %scan3A_287 = arith.addi %scan3A_247, %scan3A_286 : i32
          %mul3A_288 = arith.constant 1 : i32
          %mul3A_289 = arith.muli %scan3A_287, %mul3A_288 : i32
          %add3A_290 = arith.constant 0 : i32
          %add3A_291 = arith.addi %add3A_290, %mul3A_289 : i32
          %mul3A_292 = arith.constant 16 : i32
          %mul3A_293 = arith.muli %add3A_291, %mul3A_292 : i32
          %get3A_294 = arith.constant 0 : i32
          %get3A_295 = tpu.memref_slice %arg7[%add3A_241, %get3A_294] : memref<16x1024xf32, #tpu.memory_space<vmem>> -> memref<1x1024xf32, #tpu.memory_space<vmem>>
          %get3A_296 = tpu.memref_squeeze %get3A_295 : memref<1x1024xf32, #tpu.memory_space<vmem>> -> memref<1024xf32, #tpu.memory_space<vmem>>
          %get3A_297 = arith.index_cast %mul3A_293 : i32 to index
          %get3A_298 = tpu.vector_load %get3A_296[%get3A_297] {strides = array<i32>} : memref<1024xf32, #tpu.memory_space<vmem>>, vector<16xf32>,
          %get3A_299 = vector.shape_cast %get3A_298 : vector<16xf32> to vector<16xf32>
          %swap3A_300 = arith.constant 0 : i32
          %swap3A_301 = tpu.memref_slice %arg10[%add3A_241, %swap3A_300] : memref<16x1024xf32, #tpu.memory_space<vmem>> -> memref<1x1024xf32, #tpu.memory_space<vmem>>
          %swap3A_302 = tpu.memref_squeeze %swap3A_301 : memref<1x1024xf32, #tpu.memory_space<vmem>> -> memref<1024xf32, #tpu.memory_space<vmem>>
          %swap3A_303 = arith.index_cast %mul3A_293 : i32 to index
          %swap3A_304 = tpu.vector_load %swap3A_302[%swap3A_303] {strides = array<i32>} : memref<1024xf32, #tpu.memory_space<vmem>>, vector<16xf32>,
          %swap3A_305 = vector.shape_cast %swap3A_304 : vector<16xf32> to vector<16xf32>
          %swap3A_306 = vector.shape_cast %get3A_299 : vector<16xf32> to vector<16xf32>
          tpu.vector_store %swap3A_302[%swap3A_303], %swap3A_306 {add = true, strides = array<i32>} : memref<1024xf32, #tpu.memory_space<vmem>>, vector<16xf32>,
          %scan3A_307 = arith.constant 3 : i32
          %scan3A_308 = arith.addi %scan3A_247, %scan3A_307 : i32
          %mul3A_309 = arith.constant 1 : i32
          %mul3A_310 = arith.muli %scan3A_308, %mul3A_309 : i32
          %add3A_311 = arith.constant 0 : i32
          %add3A_312 = arith.addi %add3A_311, %mul3A_310 : i32
          %mul3A_313 = arith.constant 16 : i32
          %mul3A_314 = arith.muli %add3A_312, %mul3A_313 : i32
          %get3A_315 = arith.constant 0 : i32
          %get3A_316 = tpu.memref_slice %arg7[%add3A_241, %get3A_315] : memref<16x1024xf32, #tpu.memory_space<vmem>> -> memref<1x1024xf32, #tpu.memory_space<vmem>>
          %get3A_317 = tpu.memref_squeeze %get3A_316 : memref<1x1024xf32, #tpu.memory_space<vmem>> -> memref<1024xf32, #tpu.memory_space<vmem>>
          %get3A_318 = arith.index_cast %mul3A_314 : i32 to index
          %get3A_319 = tpu.vector_load %get3A_317[%get3A_318] {strides = array<i32>} : memref<1024xf32, #tpu.memory_space<vmem>>, vector<16xf32>,
          %get3A_320 = vector.shape_cast %get3A_319 : vector<16xf32> to vector<16xf32>
          %swap3A_321 = arith.constant 0 : i32
          %swap3A_322 = tpu.memref_slice %arg10[%add3A_241, %swap3A_321] : memref<16x1024xf32, #tpu.memory_space<vmem>> -> memref<1x1024xf32, #tpu.memory_space<vmem>>
          %swap3A_323 = tpu.memref_squeeze %swap3A_322 : memref<1x1024xf32, #tpu.memory_space<vmem>> -> memref<1024xf32, #tpu.memory_space<vmem>>
          %swap3A_324 = arith.index_cast %mul3A_314 : i32 to index
          %swap3A_325 = tpu.vector_load %swap3A_323[%swap3A_324] {strides = array<i32>} : memref<1024xf32, #tpu.memory_space<vmem>>, vector<16xf32>,
          %swap3A_326 = vector.shape_cast %swap3A_325 : vector<16xf32> to vector<16xf32>
          %swap3A_327 = vector.shape_cast %get3A_320 : vector<16xf32> to vector<16xf32>
          tpu.vector_store %swap3A_323[%swap3A_324], %swap3A_327 {add = true, strides = array<i32>} : memref<1024xf32, #tpu.memory_space<vmem>>, vector<16xf32>,
          %scan3A_328 = arith.constant 4 : i32
          %scan3A_329 = arith.addi %scan3A_247, %scan3A_328 : i32
          %mul3A_330 = arith.constant 1 : i32
          %mul3A_331 = arith.muli %scan3A_329, %mul3A_330 : i32
          %add3A_332 = arith.constant 0 : i32
          %add3A_333 = arith.addi %add3A_332, %mul3A_331 : i32
          %mul3A_334 = arith.constant 16 : i32
          %mul3A_335 = arith.muli %add3A_333, %mul3A_334 : i32
          %get3A_336 = arith.constant 0 : i32
          %get3A_337 = tpu.memref_slice %arg7[%add3A_241, %get3A_336] : memref<16x1024xf32, #tpu.memory_space<vmem>> -> memref<1x1024xf32, #tpu.memory_space<vmem>>
          %get3A_338 = tpu.memref_squeeze %get3A_337 : memref<1x1024xf32, #tpu.memory_space<vmem>> -> memref<1024xf32, #tpu.memory_space<vmem>>
          %get3A_339 = arith.index_cast %mul3A_335 : i32 to index
          %get3A_340 = tpu.vector_load %get3A_338[%get3A_339] {strides = array<i32>} : memref<1024xf32, #tpu.memory_space<vmem>>, vector<16xf32>,
          %get3A_341 = vector.shape_cast %get3A_340 : vector<16xf32> to vector<16xf32>
          %swap3A_342 = arith.constant 0 : i32
          %swap3A_343 = tpu.memref_slice %arg10[%add3A_241, %swap3A_342] : memref<16x1024xf32, #tpu.memory_space<vmem>> -> memref<1x1024xf32, #tpu.memory_space<vmem>>
          %swap3A_344 = tpu.memref_squeeze %swap3A_343 : memref<1x1024xf32, #tpu.memory_space<vmem>> -> memref<1024xf32, #tpu.memory_space<vmem>>
          %swap3A_345 = arith.index_cast %mul3A_335 : i32 to index
          %swap3A_346 = tpu.vector_load %swap3A_344[%swap3A_345] {strides = array<i32>} : memref<1024xf32, #tpu.memory_space<vmem>>, vector<16xf32>,
          %swap3A_347 = vector.shape_cast %swap3A_346 : vector<16xf32> to vector<16xf32>
          %swap3A_348 = vector.shape_cast %get3A_341 : vector<16xf32> to vector<16xf32>
          tpu.vector_store %swap3A_344[%swap3A_345], %swap3A_348 {add = true, strides = array<i32>} : memref<1024xf32, #tpu.memory_space<vmem>>, vector<16xf32>,
          %scan3A_349 = arith.constant 5 : i32
          %scan3A_350 = arith.addi %scan3A_247, %scan3A_349 : i32
          %mul3A_351 = arith.constant 1 : i32
          %mul3A_352 = arith.muli %scan3A_350, %mul3A_351 : i32
          %add3A_353 = arith.constant 0 : i32
          %add3A_354 = arith.addi %add3A_353, %mul3A_352 : i32
          %mul3A_355 = arith.constant 16 : i32
          %mul3A_356 = arith.muli %add3A_354, %mul3A_355 : i32
          %get3A_357 = arith.constant 0 : i32
          %get3A_358 = tpu.memref_slice %arg7[%add3A_241, %get3A_357] : memref<16x1024xf32, #tpu.memory_space<vmem>> -> memref<1x1024xf32, #tpu.memory_space<vmem>>
          %get3A_359 = tpu.memref_squeeze %get3A_358 : memref<1x1024xf32, #tpu.memory_space<vmem>> -> memref<1024xf32, #tpu.memory_space<vmem>>
          %get3A_360 = arith.index_cast %mul3A_356 : i32 to index
          %get3A_361 = tpu.vector_load %get3A_359[%get3A_360] {strides = array<i32>} : memref<1024xf32, #tpu.memory_space<vmem>>, vector<16xf32>,
          %get3A_362 = vector.shape_cast %get3A_361 : vector<16xf32> to vector<16xf32>
          %swap3A_363 = arith.constant 0 : i32
          %swap3A_364 = tpu.memref_slice %arg10[%add3A_241, %swap3A_363] : memref<16x1024xf32, #tpu.memory_space<vmem>> -> memref<1x1024xf32, #tpu.memory_space<vmem>>
          %swap3A_365 = tpu.memref_squeeze %swap3A_364 : memref<1x1024xf32, #tpu.memory_space<vmem>> -> memref<1024xf32, #tpu.memory_space<vmem>>
          %swap3A_366 = arith.index_cast %mul3A_356 : i32 to index
          %swap3A_367 = tpu.vector_load %swap3A_365[%swap3A_366] {strides = array<i32>} : memref<1024xf32, #tpu.memory_space<vmem>>, vector<16xf32>,
          %swap3A_368 = vector.shape_cast %swap3A_367 : vector<16xf32> to vector<16xf32>
          %swap3A_369 = vector.shape_cast %get3A_362 : vector<16xf32> to vector<16xf32>
          tpu.vector_store %swap3A_365[%swap3A_366], %swap3A_369 {add = true, strides = array<i32>} : memref<1024xf32, #tpu.memory_space<vmem>>, vector<16xf32>,
          %scan3A_370 = arith.constant 6 : i32
          %scan3A_371 = arith.addi %scan3A_247, %scan3A_370 : i32
          %mul3A_372 = arith.constant 1 : i32
          %mul3A_373 = arith.muli %scan3A_371, %mul3A_372 : i32
          %add3A_374 = arith.constant 0 : i32
          %add3A_375 = arith.addi %add3A_374, %mul3A_373 : i32
          %mul3A_376 = arith.constant 16 : i32
          %mul3A_377 = arith.muli %add3A_375, %mul3A_376 : i32
          %get3A_378 = arith.constant 0 : i32
          %get3A_379 = tpu.memref_slice %arg7[%add3A_241, %get3A_378] : memref<16x1024xf32, #tpu.memory_space<vmem>> -> memref<1x1024xf32, #tpu.memory_space<vmem>>
          %get3A_380 = tpu.memref_squeeze %get3A_379 : memref<1x1024xf32, #tpu.memory_space<vmem>> -> memref<1024xf32, #tpu.memory_space<vmem>>
          %get3A_381 = arith.index_cast %mul3A_377 : i32 to index
          %get3A_382 = tpu.vector_load %get3A_380[%get3A_381] {strides = array<i32>} : memref<1024xf32, #tpu.memory_space<vmem>>, vector<16xf32>,
          %get3A_383 = vector.shape_cast %get3A_382 : vector<16xf32> to vector<16xf32>
          %swap3A_384 = arith.constant 0 : i32
          %swap3A_385 = tpu.memref_slice %arg10[%add3A_241, %swap3A_384] : memref<16x1024xf32, #tpu.memory_space<vmem>> -> memref<1x1024xf32, #tpu.memory_space<vmem>>
          %swap3A_386 = tpu.memref_squeeze %swap3A_385 : memref<1x1024xf32, #tpu.memory_space<vmem>> -> memref<1024xf32, #tpu.memory_space<vmem>>
          %swap3A_387 = arith.index_cast %mul3A_377 : i32 to index
          %swap3A_388 = tpu.vector_load %swap3A_386[%swap3A_387] {strides = array<i32>} : memref<1024xf32, #tpu.memory_space<vmem>>, vector<16xf32>,
          %swap3A_389 = vector.shape_cast %swap3A_388 : vector<16xf32> to vector<16xf32>
          %swap3A_390 = vector.shape_cast %get3A_383 : vector<16xf32> to vector<16xf32>
          tpu.vector_store %swap3A_386[%swap3A_387], %swap3A_390 {add = true, strides = array<i32>} : memref<1024xf32, #tpu.memory_space<vmem>>, vector<16xf32>,
          %scan3A_391 = arith.constant 7 : i32
          %scan3A_392 = arith.addi %scan3A_247, %scan3A_391 : i32
          %mul3A_393 = arith.constant 1 : i32
          %mul3A_394 = arith.muli %scan3A_392, %mul3A_393 : i32
          %add3A_395 = arith.constant 0 : i32
          %add3A_396 = arith.addi %add3A_395, %mul3A_394 : i32
          %mul3A_397 = arith.constant 16 : i32
          %mul3A_398 = arith.muli %add3A_396, %mul3A_397 : i32
          %get3A_399 = arith.constant 0 : i32
          %get3A_400 = tpu.memref_slice %arg7[%add3A_241, %get3A_399] : memref<16x1024xf32, #tpu.memory_space<vmem>> -> memref<1x1024xf32, #tpu.memory_space<vmem>>
          %get3A_401 = tpu.memref_squeeze %get3A_400 : memref<1x1024xf32, #tpu.memory_space<vmem>> -> memref<1024xf32, #tpu.memory_space<vmem>>
          %get3A_402 = arith.index_cast %mul3A_398 : i32 to index
          %get3A_403 = tpu.vector_load %get3A_401[%get3A_402] {strides = array<i32>} : memref<1024xf32, #tpu.memory_space<vmem>>, vector<16xf32>,
          %get3A_404 = vector.shape_cast %get3A_403 : vector<16xf32> to vector<16xf32>
          %swap3A_405 = arith.constant 0 : i32
          %swap3A_406 = tpu.memref_slice %arg10[%add3A_241, %swap3A_405] : memref<16x1024xf32, #tpu.memory_space<vmem>> -> memref<1x1024xf32, #tpu.memory_space<vmem>>
          %swap3A_407 = tpu.memref_squeeze %swap3A_406 : memref<1x1024xf32, #tpu.memory_space<vmem>> -> memref<1024xf32, #tpu.memory_space<vmem>>
          %swap3A_408 = arith.index_cast %mul3A_398 : i32 to index
          %swap3A_409 = tpu.vector_load %swap3A_407[%swap3A_408] {strides = array<i32>} : memref<1024xf32, #tpu.memory_space<vmem>>, vector<16xf32>,
          %swap3A_410 = vector.shape_cast %swap3A_409 : vector<16xf32> to vector<16xf32>
          %swap3A_411 = vector.shape_cast %get3A_404 : vector<16xf32> to vector<16xf32>
          tpu.vector_store %swap3A_407[%swap3A_408], %swap3A_411 {add = true, strides = array<i32>} : memref<1024xf32, #tpu.memory_space<vmem>>, vector<16xf32>,
          %scan3A_412 = arith.constant 8 : i32
          %scan3A_413 = arith.addi %scan3A_247, %scan3A_412 : i32
          %mul3A_414 = arith.constant 1 : i32
          %mul3A_415 = arith.muli %scan3A_413, %mul3A_414 : i32
          %add3A_416 = arith.constant 0 : i32
          %add3A_417 = arith.addi %add3A_416, %mul3A_415 : i32
          %mul3A_418 = arith.constant 16 : i32
          %mul3A_419 = arith.muli %add3A_417, %mul3A_418 : i32
          %get3A_420 = arith.constant 0 : i32
          %get3A_421 = tpu.memref_slice %arg7[%add3A_241, %get3A_420] : memref<16x1024xf32, #tpu.memory_space<vmem>> -> memref<1x1024xf32, #tpu.memory_space<vmem>>
          %get3A_422 = tpu.memref_squeeze %get3A_421 : memref<1x1024xf32, #tpu.memory_space<vmem>> -> memref<1024xf32, #tpu.memory_space<vmem>>
          %get3A_423 = arith.index_cast %mul3A_419 : i32 to index
          %get3A_424 = tpu.vector_load %get3A_422[%get3A_423] {strides = array<i32>} : memref<1024xf32, #tpu.memory_space<vmem>>, vector<16xf32>,
          %get3A_425 = vector.shape_cast %get3A_424 : vector<16xf32> to vector<16xf32>
          %swap3A_426 = arith.constant 0 : i32
          %swap3A_427 = tpu.memref_slice %arg10[%add3A_241, %swap3A_426] : memref<16x1024xf32, #tpu.memory_space<vmem>> -> memref<1x1024xf32, #tpu.memory_space<vmem>>
          %swap3A_428 = tpu.memref_squeeze %swap3A_427 : memref<1x1024xf32, #tpu.memory_space<vmem>> -> memref<1024xf32, #tpu.memory_space<vmem>>
          %swap3A_429 = arith.index_cast %mul3A_419 : i32 to index
          %swap3A_430 = tpu.vector_load %swap3A_428[%swap3A_429] {strides = array<i32>} : memref<1024xf32, #tpu.memory_space<vmem>>, vector<16xf32>,
          %swap3A_431 = vector.shape_cast %swap3A_430 : vector<16xf32> to vector<16xf32>
          %swap3A_432 = vector.shape_cast %get3A_425 : vector<16xf32> to vector<16xf32>
          tpu.vector_store %swap3A_428[%swap3A_429], %swap3A_432 {add = true, strides = array<i32>} : memref<1024xf32, #tpu.memory_space<vmem>>, vector<16xf32>,
          %scan3A_433 = arith.constant 9 : i32
          %scan3A_434 = arith.addi %scan3A_247, %scan3A_433 : i32
          %mul3A_435 = arith.constant 1 : i32
          %mul3A_436 = arith.muli %scan3A_434, %mul3A_435 : i32
          %add3A_437 = arith.constant 0 : i32
          %add3A_438 = arith.addi %add3A_437, %mul3A_436 : i32
          %mul3A_439 = arith.constant 16 : i32
          %mul3A_440 = arith.muli %add3A_438, %mul3A_439 : i32
          %get3A_441 = arith.constant 0 : i32
          %get3A_442 = tpu.memref_slice %arg7[%add3A_241, %get3A_441] : memref<16x1024xf32, #tpu.memory_space<vmem>> -> memref<1x1024xf32, #tpu.memory_space<vmem>>
          %get3A_443 = tpu.memref_squeeze %get3A_442 : memref<1x1024xf32, #tpu.memory_space<vmem>> -> memref<1024xf32, #tpu.memory_space<vmem>>
          %get3A_444 = arith.index_cast %mul3A_440 : i32 to index
          %get3A_445 = tpu.vector_load %get3A_443[%get3A_444] {strides = array<i32>} : memref<1024xf32, #tpu.memory_space<vmem>>, vector<16xf32>,
          %get3A_446 = vector.shape_cast %get3A_445 : vector<16xf32> to vector<16xf32>
          %swap3A_447 = arith.constant 0 : i32
          %swap3A_448 = tpu.memref_slice %arg10[%add3A_241, %swap3A_447] : memref<16x1024xf32, #tpu.memory_space<vmem>> -> memref<1x1024xf32, #tpu.memory_space<vmem>>
          %swap3A_449 = tpu.memref_squeeze %swap3A_448 : memref<1x1024xf32, #tpu.memory_space<vmem>> -> memref<1024xf32, #tpu.memory_space<vmem>>
          %swap3A_450 = arith.index_cast %mul3A_440 : i32 to index
          %swap3A_451 = tpu.vector_load %swap3A_449[%swap3A_450] {strides = array<i32>} : memref<1024xf32, #tpu.memory_space<vmem>>, vector<16xf32>,
          %swap3A_452 = vector.shape_cast %swap3A_451 : vector<16xf32> to vector<16xf32>
          %swap3A_453 = vector.shape_cast %get3A_446 : vector<16xf32> to vector<16xf32>
          tpu.vector_store %swap3A_449[%swap3A_450], %swap3A_453 {add = true, strides = array<i32>} : memref<1024xf32, #tpu.memory_space<vmem>>, vector<16xf32>,
          %scan3A_454 = arith.constant 10 : i32
          %scan3A_455 = arith.addi %scan3A_247, %scan3A_454 : i32
          %mul3A_456 = arith.constant 1 : i32
          %mul3A_457 = arith.muli %scan3A_455, %mul3A_456 : i32
          %add3A_458 = arith.constant 0 : i32
          %add3A_459 = arith.addi %add3A_458, %mul3A_457 : i32
          %mul3A_460 = arith.constant 16 : i32
          %mul3A_461 = arith.muli %add3A_459, %mul3A_460 : i32
          %get3A_462 = arith.constant 0 : i32
          %get3A_463 = tpu.memref_slice %arg7[%add3A_241, %get3A_462] : memref<16x1024xf32, #tpu.memory_space<vmem>> -> memref<1x1024xf32, #tpu.memory_space<vmem>>
          %get3A_464 = tpu.memref_squeeze %get3A_463 : memref<1x1024xf32, #tpu.memory_space<vmem>> -> memref<1024xf32, #tpu.memory_space<vmem>>
          %get3A_465 = arith.index_cast %mul3A_461 : i32 to index
          %get3A_466 = tpu.vector_load %get3A_464[%get3A_465] {strides = array<i32>} : memref<1024xf32, #tpu.memory_space<vmem>>, vector<16xf32>,
          %get3A_467 = vector.shape_cast %get3A_466 : vector<16xf32> to vector<16xf32>
          %swap3A_468 = arith.constant 0 : i32
          %swap3A_469 = tpu.memref_slice %arg10[%add3A_241, %swap3A_468] : memref<16x1024xf32, #tpu.memory_space<vmem>> -> memref<1x1024xf32, #tpu.memory_space<vmem>>
          %swap3A_470 = tpu.memref_squeeze %swap3A_469 : memref<1x1024xf32, #tpu.memory_space<vmem>> -> memref<1024xf32, #tpu.memory_space<vmem>>
          %swap3A_471 = arith.index_cast %mul3A_461 : i32 to index
          %swap3A_472 = tpu.vector_load %swap3A_470[%swap3A_471] {strides = array<i32>} : memref<1024xf32, #tpu.memory_space<vmem>>, vector<16xf32>,
          %swap3A_473 = vector.shape_cast %swap3A_472 : vector<16xf32> to vector<16xf32>
          %swap3A_474 = vector.shape_cast %get3A_467 : vector<16xf32> to vector<16xf32>
          tpu.vector_store %swap3A_470[%swap3A_471], %swap3A_474 {add = true, strides = array<i32>} : memref<1024xf32, #tpu.memory_space<vmem>>, vector<16xf32>,
          %scan3A_475 = arith.constant 11 : i32
          %scan3A_476 = arith.addi %scan3A_247, %scan3A_475 : i32
          %mul3A_477 = arith.constant 1 : i32
          %mul3A_478 = arith.muli %scan3A_476, %mul3A_477 : i32
          %add3A_479 = arith.constant 0 : i32
          %add3A_480 = arith.addi %add3A_479, %mul3A_478 : i32
          %mul3A_481 = arith.constant 16 : i32
          %mul3A_482 = arith.muli %add3A_480, %mul3A_481 : i32
          %get3A_483 = arith.constant 0 : i32
          %get3A_484 = tpu.memref_slice %arg7[%add3A_241, %get3A_483] : memref<16x1024xf32, #tpu.memory_space<vmem>> -> memref<1x1024xf32, #tpu.memory_space<vmem>>
          %get3A_485 = tpu.memref_squeeze %get3A_484 : memref<1x1024xf32, #tpu.memory_space<vmem>> -> memref<1024xf32, #tpu.memory_space<vmem>>
          %get3A_486 = arith.index_cast %mul3A_482 : i32 to index
          %get3A_487 = tpu.vector_load %get3A_485[%get3A_486] {strides = array<i32>} : memref<1024xf32, #tpu.memory_space<vmem>>, vector<16xf32>,
          %get3A_488 = vector.shape_cast %get3A_487 : vector<16xf32> to vector<16xf32>
          %swap3A_489 = arith.constant 0 : i32
          %swap3A_490 = tpu.memref_slice %arg10[%add3A_241, %swap3A_489] : memref<16x1024xf32, #tpu.memory_space<vmem>> -> memref<1x1024xf32, #tpu.memory_space<vmem>>
          %swap3A_491 = tpu.memref_squeeze %swap3A_490 : memref<1x1024xf32, #tpu.memory_space<vmem>> -> memref<1024xf32, #tpu.memory_space<vmem>>
          %swap3A_492 = arith.index_cast %mul3A_482 : i32 to index
          %swap3A_493 = tpu.vector_load %swap3A_491[%swap3A_492] {strides = array<i32>} : memref<1024xf32, #tpu.memory_space<vmem>>, vector<16xf32>,
          %swap3A_494 = vector.shape_cast %swap3A_493 : vector<16xf32> to vector<16xf32>
          %swap3A_495 = vector.shape_cast %get3A_488 : vector<16xf32> to vector<16xf32>
          tpu.vector_store %swap3A_491[%swap3A_492], %swap3A_495 {add = true, strides = array<i32>} : memref<1024xf32, #tpu.memory_space<vmem>>, vector<16xf32>,
          %scan3A_496 = arith.constant 12 : i32
          %scan3A_497 = arith.addi %scan3A_247, %scan3A_496 : i32
          %mul3A_498 = arith.constant 1 : i32
          %mul3A_499 = arith.muli %scan3A_497, %mul3A_498 : i32
          %add3A_500 = arith.constant 0 : i32
          %add3A_501 = arith.addi %add3A_500, %mul3A_499 : i32
          %mul3A_502 = arith.constant 16 : i32
          %mul3A_503 = arith.muli %add3A_501, %mul3A_502 : i32
          %get3A_504 = arith.constant 0 : i32
          %get3A_505 = tpu.memref_slice %arg7[%add3A_241, %get3A_504] : memref<16x1024xf32, #tpu.memory_space<vmem>> -> memref<1x1024xf32, #tpu.memory_space<vmem>>
          %get3A_506 = tpu.memref_squeeze %get3A_505 : memref<1x1024xf32, #tpu.memory_space<vmem>> -> memref<1024xf32, #tpu.memory_space<vmem>>
          %get3A_507 = arith.index_cast %mul3A_503 : i32 to index
          %get3A_508 = tpu.vector_load %get3A_506[%get3A_507] {strides = array<i32>} : memref<1024xf32, #tpu.memory_space<vmem>>, vector<16xf32>,
          %get3A_509 = vector.shape_cast %get3A_508 : vector<16xf32> to vector<16xf32>
          %swap3A_510 = arith.constant 0 : i32
          %swap3A_511 = tpu.memref_slice %arg10[%add3A_241, %swap3A_510] : memref<16x1024xf32, #tpu.memory_space<vmem>> -> memref<1x1024xf32, #tpu.memory_space<vmem>>
          %swap3A_512 = tpu.memref_squeeze %swap3A_511 : memref<1x1024xf32, #tpu.memory_space<vmem>> -> memref<1024xf32, #tpu.memory_space<vmem>>
          %swap3A_513 = arith.index_cast %mul3A_503 : i32 to index
          %swap3A_514 = tpu.vector_load %swap3A_512[%swap3A_513] {strides = array<i32>} : memref<1024xf32, #tpu.memory_space<vmem>>, vector<16xf32>,
          %swap3A_515 = vector.shape_cast %swap3A_514 : vector<16xf32> to vector<16xf32>
          %swap3A_516 = vector.shape_cast %get3A_509 : vector<16xf32> to vector<16xf32>
          tpu.vector_store %swap3A_512[%swap3A_513], %swap3A_516 {add = true, strides = array<i32>} : memref<1024xf32, #tpu.memory_space<vmem>>, vector<16xf32>,
          %scan3A_517 = arith.constant 13 : i32
          %scan3A_518 = arith.addi %scan3A_247, %scan3A_517 : i32
          %mul3A_519 = arith.constant 1 : i32
          %mul3A_520 = arith.muli %scan3A_518, %mul3A_519 : i32
          %add3A_521 = arith.constant 0 : i32
          %add3A_522 = arith.addi %add3A_521, %mul3A_520 : i32
          %mul3A_523 = arith.constant 16 : i32
          %mul3A_524 = arith.muli %add3A_522, %mul3A_523 : i32
          %get3A_525 = arith.constant 0 : i32
          %get3A_526 = tpu.memref_slice %arg7[%add3A_241, %get3A_525] : memref<16x1024xf32, #tpu.memory_space<vmem>> -> memref<1x1024xf32, #tpu.memory_space<vmem>>
          %get3A_527 = tpu.memref_squeeze %get3A_526 : memref<1x1024xf32, #tpu.memory_space<vmem>> -> memref<1024xf32, #tpu.memory_space<vmem>>
          %get3A_528 = arith.index_cast %mul3A_524 : i32 to index
          %get3A_529 = tpu.vector_load %get3A_527[%get3A_528] {strides = array<i32>} : memref<1024xf32, #tpu.memory_space<vmem>>, vector<16xf32>,
          %get3A_530 = vector.shape_cast %get3A_529 : vector<16xf32> to vector<16xf32>
          %swap3A_531 = arith.constant 0 : i32
          %swap3A_532 = tpu.memref_slice %arg10[%add3A_241, %swap3A_531] : memref<16x1024xf32, #tpu.memory_space<vmem>> -> memref<1x1024xf32, #tpu.memory_space<vmem>>
          %swap3A_533 = tpu.memref_squeeze %swap3A_532 : memref<1x1024xf32, #tpu.memory_space<vmem>> -> memref<1024xf32, #tpu.memory_space<vmem>>
          %swap3A_534 = arith.index_cast %mul3A_524 : i32 to index
          %swap3A_535 = tpu.vector_load %swap3A_533[%swap3A_534] {strides = array<i32>} : memref<1024xf32, #tpu.memory_space<vmem>>, vector<16xf32>,
          %swap3A_536 = vector.shape_cast %swap3A_535 : vector<16xf32> to vector<16xf32>
          %swap3A_537 = vector.shape_cast %get3A_530 : vector<16xf32> to vector<16xf32>
          tpu.vector_store %swap3A_533[%swap3A_534], %swap3A_537 {add = true, strides = array<i32>} : memref<1024xf32, #tpu.memory_space<vmem>>, vector<16xf32>,
          %scan3A_538 = arith.constant 14 : i32
          %scan3A_539 = arith.addi %scan3A_247, %scan3A_538 : i32
          %mul3A_540 = arith.constant 1 : i32
          %mul3A_541 = arith.muli %scan3A_539, %mul3A_540 : i32
          %add3A_542 = arith.constant 0 : i32
          %add3A_543 = arith.addi %add3A_542, %mul3A_541 : i32
          %mul3A_544 = arith.constant 16 : i32
          %mul3A_545 = arith.muli %add3A_543, %mul3A_544 : i32
          %get3A_546 = arith.constant 0 : i32
          %get3A_547 = tpu.memref_slice %arg7[%add3A_241, %get3A_546] : memref<16x1024xf32, #tpu.memory_space<vmem>> -> memref<1x1024xf32, #tpu.memory_space<vmem>>
          %get3A_548 = tpu.memref_squeeze %get3A_547 : memref<1x1024xf32, #tpu.memory_space<vmem>> -> memref<1024xf32, #tpu.memory_space<vmem>>
          %get3A_549 = arith.index_cast %mul3A_545 : i32 to index
          %get3A_550 = tpu.vector_load %get3A_548[%get3A_549] {strides = array<i32>} : memref<1024xf32, #tpu.memory_space<vmem>>, vector<16xf32>,
          %get3A_551 = vector.shape_cast %get3A_550 : vector<16xf32> to vector<16xf32>
          %swap3A_552 = arith.constant 0 : i32
          %swap3A_553 = tpu.memref_slice %arg10[%add3A_241, %swap3A_552] : memref<16x1024xf32, #tpu.memory_space<vmem>> -> memref<1x1024xf32, #tpu.memory_space<vmem>>
          %swap3A_554 = tpu.memref_squeeze %swap3A_553 : memref<1x1024xf32, #tpu.memory_space<vmem>> -> memref<1024xf32, #tpu.memory_space<vmem>>
          %swap3A_555 = arith.index_cast %mul3A_545 : i32 to index
          %swap3A_556 = tpu.vector_load %swap3A_554[%swap3A_555] {strides = array<i32>} : memref<1024xf32, #tpu.memory_space<vmem>>, vector<16xf32>,
          %swap3A_557 = vector.shape_cast %swap3A_556 : vector<16xf32> to vector<16xf32>
          %swap3A_558 = vector.shape_cast %get3A_551 : vector<16xf32> to vector<16xf32>
          tpu.vector_store %swap3A_554[%swap3A_555], %swap3A_558 {add = true, strides = array<i32>} : memref<1024xf32, #tpu.memory_space<vmem>>, vector<16xf32>,
          %scan3A_559 = arith.constant 15 : i32
          %scan3A_560 = arith.addi %scan3A_247, %scan3A_559 : i32
          %mul3A_561 = arith.constant 1 : i32
          %mul3A_562 = arith.muli %scan3A_560, %mul3A_561 : i32
          %add3A_563 = arith.constant 0 : i32
          %add3A_564 = arith.addi %add3A_563, %mul3A_562 : i32
          %mul3A_565 = arith.constant 16 : i32
          %mul3A_566 = arith.muli %add3A_564, %mul3A_565 : i32
          %get3A_567 = arith.constant 0 : i32
          %get3A_568 = tpu.memref_slice %arg7[%add3A_241, %get3A_567] : memref<16x1024xf32, #tpu.memory_space<vmem>> -> memref<1x1024xf32, #tpu.memory_space<vmem>>
          %get3A_569 = tpu.memref_squeeze %get3A_568 : memref<1x1024xf32, #tpu.memory_space<vmem>> -> memref<1024xf32, #tpu.memory_space<vmem>>
          %get3A_570 = arith.index_cast %mul3A_566 : i32 to index
          %get3A_571 = tpu.vector_load %get3A_569[%get3A_570] {strides = array<i32>} : memref<1024xf32, #tpu.memory_space<vmem>>, vector<16xf32>,
          %get3A_572 = vector.shape_cast %get3A_571 : vector<16xf32> to vector<16xf32>
          %swap3A_573 = arith.constant 0 : i32
          %swap3A_574 = tpu.memref_slice %arg10[%add3A_241, %swap3A_573] : memref<16x1024xf32, #tpu.memory_space<vmem>> -> memref<1x1024xf32, #tpu.memory_space<vmem>>
          %swap3A_575 = tpu.memref_squeeze %swap3A_574 : memref<1x1024xf32, #tpu.memory_space<vmem>> -> memref<1024xf32, #tpu.memory_space<vmem>>
          %swap3A_576 = arith.index_cast %mul3A_566 : i32 to index
          %swap3A_577 = tpu.vector_load %swap3A_575[%swap3A_576] {strides = array<i32>} : memref<1024xf32, #tpu.memory_space<vmem>>, vector<16xf32>,
          %swap3A_578 = vector.shape_cast %swap3A_577 : vector<16xf32> to vector<16xf32>
          %swap3A_579 = vector.shape_cast %get3A_572 : vector<16xf32> to vector<16xf32>
          tpu.vector_store %swap3A_575[%swap3A_576], %swap3A_579 {add = true, strides = array<i32>} : memref<1024xf32, #tpu.memory_space<vmem>>, vector<16xf32>,
        }
        %scan3A_246 = arith.constant 64 : i32
      }
      %scan3A_144 = arith.constant 16 : i32
      %add3A_145 = arith.constant 8192 : i32
      %add3A_146 = arith.addi %add3A_145, %mul3A_2 : i32
      %mul3A_147 = arith.constant 16 : i32
      %mul3A_148 = arith.muli %add3A_84, %mul3A_147 : i32
      %add3A_149 = arith.addi %add3A_146, %mul3A_148 : i32
      %dma_start3A_150 = arith.constant 0 : i32
      %dma_start3A_151 = tpu.memref_slice %arg5[%add3A_149, %dma_start3A_150] : memref<16384x1024xf32, #tpu.memory_space<hbm>> -> memref<16x1024xf32, #tpu.memory_space<hbm>>
      %dma_start3A_152 = arith.constant 0 : i32
      %dma_start3A_153 = tpu.memref_slice %arg5[%add3A_149, %dma_start3A_152] : memref<16384x1024xf32, #tpu.memory_space<hbm>> -> memref<16x1024xf32, #tpu.memory_space<hbm>>
      tpu.enqueue_dma source(%arg10 : memref<16x1024xf32, #tpu.memory_space<vmem>>) target(%dma_start3A_153 : memref<16x1024xf32, #tpu.memory_space<hbm>>) target_semaphore(%arg18 : memref<!tpu.dma_semaphore, #tpu.memory_space<semaphore_mem>>)
      %dma_wait3A_154 = arith.constant 0 : i32
      %dma_wait3A_155 = arith.constant 0 : i32
      %dma_wait3A_156 = tpu.memref_slice %arg4[%dma_wait3A_154, %dma_wait3A_155] : memref<100000x1024xf32, #tpu.memory_space<hbm>> -> memref<16x1024xf32, #tpu.memory_space<hbm>>
      %dma_wait3A_157 = arith.constant 0 : i32
      %dma_wait3A_158 = arith.constant 0 : i32
      %dma_wait3A_159 = tpu.memref_slice %arg4[%dma_wait3A_157, %dma_wait3A_158] : memref<100000x1024xf32, #tpu.memory_space<hbm>> -> memref<16x1024xf32, #tpu.memory_space<hbm>>
      tpu.wait_dma2 semaphore(%arg15 : memref<!tpu.dma_semaphore, #tpu.memory_space<semaphore_mem>>) src(%dma_wait3A_159 : memref<16x1024xf32, #tpu.memory_space<hbm>>) dst(%arg11 : memref<16x1024xf32, #tpu.memory_space<vmem>>)
      %scan3A_160 = arith.constant 0 : i32
      %scan3A_161 = arith.constant 16 : i32
      %scan3A_162 = arith.addi %scan3A_160, %scan3A_161 : i32
      %scan3A_163 = arith.constant 1 : i32
      scf.for %scan3A_237 = %scan3A_160 to %scan3A_162 step %scan3A_163  : i32 {
        %mul3A_238 = arith.constant 1 : i32
        %mul3A_239 = arith.muli %scan3A_237, %mul3A_238 : i32
        %add3A_240 = arith.constant 0 : i32
        %add3A_241 = arith.addi %add3A_240, %mul3A_239 : i32
        %scan3A_242 = arith.constant 0 : i32
        %scan3A_243 = arith.constant 64 : i32
        %scan3A_244 = arith.addi %scan3A_242, %scan3A_243 : i32
        %scan3A_245 = arith.constant 16 : i32
        scf.for %scan3A_247 = %scan3A_242 to %scan3A_244 step %scan3A_245  : i32 {
          %mul3A_248 = arith.constant 1 : i32
          %mul3A_249 = arith.muli %scan3A_247, %mul3A_248 : i32
          %add3A_250 = arith.constant 0 : i32
          %add3A_251 = arith.addi %add3A_250, %mul3A_249 : i32
          %mul3A_252 = arith.constant 16 : i32
          %mul3A_253 = arith.muli %add3A_251, %mul3A_252 : i32
          %get3A = arith.constant 0 : i32
          %get3A_254 = tpu.memref_slice %arg7[%add3A_241, %get3A] : memref<16x1024xf32, #tpu.memory_space<vmem>> -> memref<1x1024xf32, #tpu.memory_space<vmem>>
          %get3A_255 = tpu.memref_squeeze %get3A_254 : memref<1x1024xf32, #tpu.memory_space<vmem>> -> memref<1024xf32, #tpu.memory_space<vmem>>
          %get3A_256 = arith.index_cast %mul3A_253 : i32 to index
          %get3A_257 = tpu.vector_load %get3A_255[%get3A_256] {strides = array<i32>} : memref<1024xf32, #tpu.memory_space<vmem>>, vector<16xf32>,
          %get3A_258 = vector.shape_cast %get3A_257 : vector<16xf32> to vector<16xf32>
          %swap3A = arith.constant 0 : i32
          %swap3A_259 = tpu.memref_slice %arg11[%add3A_241, %swap3A] : memref<16x1024xf32, #tpu.memory_space<vmem>> -> memref<1x1024xf32, #tpu.memory_space<vmem>>
          %swap3A_260 = tpu.memref_squeeze %swap3A_259 : memref<1x1024xf32, #tpu.memory_space<vmem>> -> memref<1024xf32, #tpu.memory_space<vmem>>
          %swap3A_261 = arith.index_cast %mul3A_253 : i32 to index
          %swap3A_262 = tpu.vector_load %swap3A_260[%swap3A_261] {strides = array<i32>} : memref<1024xf32, #tpu.memory_space<vmem>>, vector<16xf32>,
          %swap3A_263 = vector.shape_cast %swap3A_262 : vector<16xf32> to vector<16xf32>
          %swap3A_264 = vector.shape_cast %get3A_258 : vector<16xf32> to vector<16xf32>
          tpu.vector_store %swap3A_260[%swap3A_261], %swap3A_264 {add = true, strides = array<i32>} : memref<1024xf32, #tpu.memory_space<vmem>>, vector<16xf32>,
          %scan3A_265 = arith.constant 1 : i32
          %scan3A_266 = arith.addi %scan3A_247, %scan3A_265 : i32
          %mul3A_267 = arith.constant 1 : i32
          %mul3A_268 = arith.muli %scan3A_266, %mul3A_267 : i32
          %add3A_269 = arith.constant 0 : i32
          %add3A_270 = arith.addi %add3A_269, %mul3A_268 : i32
          %mul3A_271 = arith.constant 16 : i32
          %mul3A_272 = arith.muli %add3A_270, %mul3A_271 : i32
          %get3A_273 = arith.constant 0 : i32
          %get3A_274 = tpu.memref_slice %arg7[%add3A_241, %get3A_273] : memref<16x1024xf32, #tpu.memory_space<vmem>> -> memref<1x1024xf32, #tpu.memory_space<vmem>>
          %get3A_275 = tpu.memref_squeeze %get3A_274 : memref<1x1024xf32, #tpu.memory_space<vmem>> -> memref<1024xf32, #tpu.memory_space<vmem>>
          %get3A_276 = arith.index_cast %mul3A_272 : i32 to index
          %get3A_277 = tpu.vector_load %get3A_275[%get3A_276] {strides = array<i32>} : memref<1024xf32, #tpu.memory_space<vmem>>, vector<16xf32>,
          %get3A_278 = vector.shape_cast %get3A_277 : vector<16xf32> to vector<16xf32>
          %swap3A_279 = arith.constant 0 : i32
          %swap3A_280 = tpu.memref_slice %arg11[%add3A_241, %swap3A_279] : memref<16x1024xf32, #tpu.memory_space<vmem>> -> memref<1x1024xf32, #tpu.memory_space<vmem>>
          %swap3A_281 = tpu.memref_squeeze %swap3A_280 : memref<1x1024xf32, #tpu.memory_space<vmem>> -> memref<1024xf32, #tpu.memory_space<vmem>>
          %swap3A_282 = arith.index_cast %mul3A_272 : i32 to index
          %swap3A_283 = tpu.vector_load %swap3A_281[%swap3A_282] {strides = array<i32>} : memref<1024xf32, #tpu.memory_space<vmem>>, vector<16xf32>,
          %swap3A_284 = vector.shape_cast %swap3A_283 : vector<16xf32> to vector<16xf32>
          %swap3A_285 = vector.shape_cast %get3A_278 : vector<16xf32> to vector<16xf32>
          tpu.vector_store %swap3A_281[%swap3A_282], %swap3A_285 {add = true, strides = array<i32>} : memref<1024xf32, #tpu.memory_space<vmem>>, vector<16xf32>,
          %scan3A_286 = arith.constant 2 : i32
          %scan3A_287 = arith.addi %scan3A_247, %scan3A_286 : i32
          %mul3A_288 = arith.constant 1 : i32
          %mul3A_289 = arith.muli %scan3A_287, %mul3A_288 : i32
          %add3A_290 = arith.constant 0 : i32
          %add3A_291 = arith.addi %add3A_290, %mul3A_289 : i32
          %mul3A_292 = arith.constant 16 : i32
          %mul3A_293 = arith.muli %add3A_291, %mul3A_292 : i32
          %get3A_294 = arith.constant 0 : i32
          %get3A_295 = tpu.memref_slice %arg7[%add3A_241, %get3A_294] : memref<16x1024xf32, #tpu.memory_space<vmem>> -> memref<1x1024xf32, #tpu.memory_space<vmem>>
          %get3A_296 = tpu.memref_squeeze %get3A_295 : memref<1x1024xf32, #tpu.memory_space<vmem>> -> memref<1024xf32, #tpu.memory_space<vmem>>
          %get3A_297 = arith.index_cast %mul3A_293 : i32 to index
          %get3A_298 = tpu.vector_load %get3A_296[%get3A_297] {strides = array<i32>} : memref<1024xf32, #tpu.memory_space<vmem>>, vector<16xf32>,
          %get3A_299 = vector.shape_cast %get3A_298 : vector<16xf32> to vector<16xf32>
          %swap3A_300 = arith.constant 0 : i32
          %swap3A_301 = tpu.memref_slice %arg11[%add3A_241, %swap3A_300] : memref<16x1024xf32, #tpu.memory_space<vmem>> -> memref<1x1024xf32, #tpu.memory_space<vmem>>
          %swap3A_302 = tpu.memref_squeeze %swap3A_301 : memref<1x1024xf32, #tpu.memory_space<vmem>> -> memref<1024xf32, #tpu.memory_space<vmem>>
          %swap3A_303 = arith.index_cast %mul3A_293 : i32 to index
          %swap3A_304 = tpu.vector_load %swap3A_302[%swap3A_303] {strides = array<i32>} : memref<1024xf32, #tpu.memory_space<vmem>>, vector<16xf32>,
          %swap3A_305 = vector.shape_cast %swap3A_304 : vector<16xf32> to vector<16xf32>
          %swap3A_306 = vector.shape_cast %get3A_299 : vector<16xf32> to vector<16xf32>
          tpu.vector_store %swap3A_302[%swap3A_303], %swap3A_306 {add = true, strides = array<i32>} : memref<1024xf32, #tpu.memory_space<vmem>>, vector<16xf32>,
          %scan3A_307 = arith.constant 3 : i32
          %scan3A_308 = arith.addi %scan3A_247, %scan3A_307 : i32
          %mul3A_309 = arith.constant 1 : i32
          %mul3A_310 = arith.muli %scan3A_308, %mul3A_309 : i32
          %add3A_311 = arith.constant 0 : i32
          %add3A_312 = arith.addi %add3A_311, %mul3A_310 : i32
          %mul3A_313 = arith.constant 16 : i32
          %mul3A_314 = arith.muli %add3A_312, %mul3A_313 : i32
          %get3A_315 = arith.constant 0 : i32
          %get3A_316 = tpu.memref_slice %arg7[%add3A_241, %get3A_315] : memref<16x1024xf32, #tpu.memory_space<vmem>> -> memref<1x1024xf32, #tpu.memory_space<vmem>>
          %get3A_317 = tpu.memref_squeeze %get3A_316 : memref<1x1024xf32, #tpu.memory_space<vmem>> -> memref<1024xf32, #tpu.memory_space<vmem>>
          %get3A_318 = arith.index_cast %mul3A_314 : i32 to index
          %get3A_319 = tpu.vector_load %get3A_317[%get3A_318] {strides = array<i32>} : memref<1024xf32, #tpu.memory_space<vmem>>, vector<16xf32>,
          %get3A_320 = vector.shape_cast %get3A_319 : vector<16xf32> to vector<16xf32>
          %swap3A_321 = arith.constant 0 : i32
          %swap3A_322 = tpu.memref_slice %arg11[%add3A_241, %swap3A_321] : memref<16x1024xf32, #tpu.memory_space<vmem>> -> memref<1x1024xf32, #tpu.memory_space<vmem>>
          %swap3A_323 = tpu.memref_squeeze %swap3A_322 : memref<1x1024xf32, #tpu.memory_space<vmem>> -> memref<1024xf32, #tpu.memory_space<vmem>>
          %swap3A_324 = arith.index_cast %mul3A_314 : i32 to index
          %swap3A_325 = tpu.vector_load %swap3A_323[%swap3A_324] {strides = array<i32>} : memref<1024xf32, #tpu.memory_space<vmem>>, vector<16xf32>,
          %swap3A_326 = vector.shape_cast %swap3A_325 : vector<16xf32> to vector<16xf32>
          %swap3A_327 = vector.shape_cast %get3A_320 : vector<16xf32> to vector<16xf32>
          tpu.vector_store %swap3A_323[%swap3A_324], %swap3A_327 {add = true, strides = array<i32>} : memref<1024xf32, #tpu.memory_space<vmem>>, vector<16xf32>,
          %scan3A_328 = arith.constant 4 : i32
          %scan3A_329 = arith.addi %scan3A_247, %scan3A_328 : i32
          %mul3A_330 = arith.constant 1 : i32
          %mul3A_331 = arith.muli %scan3A_329, %mul3A_330 : i32
          %add3A_332 = arith.constant 0 : i32
          %add3A_333 = arith.addi %add3A_332, %mul3A_331 : i32
          %mul3A_334 = arith.constant 16 : i32
          %mul3A_335 = arith.muli %add3A_333, %mul3A_334 : i32
          %get3A_336 = arith.constant 0 : i32
          %get3A_337 = tpu.memref_slice %arg7[%add3A_241, %get3A_336] : memref<16x1024xf32, #tpu.memory_space<vmem>> -> memref<1x1024xf32, #tpu.memory_space<vmem>>
          %get3A_338 = tpu.memref_squeeze %get3A_337 : memref<1x1024xf32, #tpu.memory_space<vmem>> -> memref<1024xf32, #tpu.memory_space<vmem>>
          %get3A_339 = arith.index_cast %mul3A_335 : i32 to index
          %get3A_340 = tpu.vector_load %get3A_338[%get3A_339] {strides = array<i32>} : memref<1024xf32, #tpu.memory_space<vmem>>, vector<16xf32>,
          %get3A_341 = vector.shape_cast %get3A_340 : vector<16xf32> to vector<16xf32>
          %swap3A_342 = arith.constant 0 : i32
          %swap3A_343 = tpu.memref_slice %arg11[%add3A_241, %swap3A_342] : memref<16x1024xf32, #tpu.memory_space<vmem>> -> memref<1x1024xf32, #tpu.memory_space<vmem>>
          %swap3A_344 = tpu.memref_squeeze %swap3A_343 : memref<1x1024xf32, #tpu.memory_space<vmem>> -> memref<1024xf32, #tpu.memory_space<vmem>>
          %swap3A_345 = arith.index_cast %mul3A_335 : i32 to index
          %swap3A_346 = tpu.vector_load %swap3A_344[%swap3A_345] {strides = array<i32>} : memref<1024xf32, #tpu.memory_space<vmem>>, vector<16xf32>,
          %swap3A_347 = vector.shape_cast %swap3A_346 : vector<16xf32> to vector<16xf32>
          %swap3A_348 = vector.shape_cast %get3A_341 : vector<16xf32> to vector<16xf32>
          tpu.vector_store %swap3A_344[%swap3A_345], %swap3A_348 {add = true, strides = array<i32>} : memref<1024xf32, #tpu.memory_space<vmem>>, vector<16xf32>,
          %scan3A_349 = arith.constant 5 : i32
          %scan3A_350 = arith.addi %scan3A_247, %scan3A_349 : i32
          %mul3A_351 = arith.constant 1 : i32
          %mul3A_352 = arith.muli %scan3A_350, %mul3A_351 : i32
          %add3A_353 = arith.constant 0 : i32
          %add3A_354 = arith.addi %add3A_353, %mul3A_352 : i32
          %mul3A_355 = arith.constant 16 : i32
          %mul3A_356 = arith.muli %add3A_354, %mul3A_355 : i32
          %get3A_357 = arith.constant 0 : i32
          %get3A_358 = tpu.memref_slice %arg7[%add3A_241, %get3A_357] : memref<16x1024xf32, #tpu.memory_space<vmem>> -> memref<1x1024xf32, #tpu.memory_space<vmem>>
          %get3A_359 = tpu.memref_squeeze %get3A_358 : memref<1x1024xf32, #tpu.memory_space<vmem>> -> memref<1024xf32, #tpu.memory_space<vmem>>
          %get3A_360 = arith.index_cast %mul3A_356 : i32 to index
          %get3A_361 = tpu.vector_load %get3A_359[%get3A_360] {strides = array<i32>} : memref<1024xf32, #tpu.memory_space<vmem>>, vector<16xf32>,
          %get3A_362 = vector.shape_cast %get3A_361 : vector<16xf32> to vector<16xf32>
          %swap3A_363 = arith.constant 0 : i32
          %swap3A_364 = tpu.memref_slice %arg11[%add3A_241, %swap3A_363] : memref<16x1024xf32, #tpu.memory_space<vmem>> -> memref<1x1024xf32, #tpu.memory_space<vmem>>
          %swap3A_365 = tpu.memref_squeeze %swap3A_364 : memref<1x1024xf32, #tpu.memory_space<vmem>> -> memref<1024xf32, #tpu.memory_space<vmem>>
          %swap3A_366 = arith.index_cast %mul3A_356 : i32 to index
          %swap3A_367 = tpu.vector_load %swap3A_365[%swap3A_366] {strides = array<i32>} : memref<1024xf32, #tpu.memory_space<vmem>>, vector<16xf32>,
          %swap3A_368 = vector.shape_cast %swap3A_367 : vector<16xf32> to vector<16xf32>
          %swap3A_369 = vector.shape_cast %get3A_362 : vector<16xf32> to vector<16xf32>
          tpu.vector_store %swap3A_365[%swap3A_366], %swap3A_369 {add = true, strides = array<i32>} : memref<1024xf32, #tpu.memory_space<vmem>>, vector<16xf32>,
          %scan3A_370 = arith.constant 6 : i32
          %scan3A_371 = arith.addi %scan3A_247, %scan3A_370 : i32
          %mul3A_372 = arith.constant 1 : i32
          %mul3A_373 = arith.muli %scan3A_371, %mul3A_372 : i32
          %add3A_374 = arith.constant 0 : i32
          %add3A_375 = arith.addi %add3A_374, %mul3A_373 : i32
          %mul3A_376 = arith.constant 16 : i32
          %mul3A_377 = arith.muli %add3A_375, %mul3A_376 : i32
          %get3A_378 = arith.constant 0 : i32
          %get3A_379 = tpu.memref_slice %arg7[%add3A_241, %get3A_378] : memref<16x1024xf32, #tpu.memory_space<vmem>> -> memref<1x1024xf32, #tpu.memory_space<vmem>>
          %get3A_380 = tpu.memref_squeeze %get3A_379 : memref<1x1024xf32, #tpu.memory_space<vmem>> -> memref<1024xf32, #tpu.memory_space<vmem>>
          %get3A_381 = arith.index_cast %mul3A_377 : i32 to index
          %get3A_382 = tpu.vector_load %get3A_380[%get3A_381] {strides = array<i32>} : memref<1024xf32, #tpu.memory_space<vmem>>, vector<16xf32>,
          %get3A_383 = vector.shape_cast %get3A_382 : vector<16xf32> to vector<16xf32>
          %swap3A_384 = arith.constant 0 : i32
          %swap3A_385 = tpu.memref_slice %arg11[%add3A_241, %swap3A_384] : memref<16x1024xf32, #tpu.memory_space<vmem>> -> memref<1x1024xf32, #tpu.memory_space<vmem>>
          %swap3A_386 = tpu.memref_squeeze %swap3A_385 : memref<1x1024xf32, #tpu.memory_space<vmem>> -> memref<1024xf32, #tpu.memory_space<vmem>>
          %swap3A_387 = arith.index_cast %mul3A_377 : i32 to index
          %swap3A_388 = tpu.vector_load %swap3A_386[%swap3A_387] {strides = array<i32>} : memref<1024xf32, #tpu.memory_space<vmem>>, vector<16xf32>,
          %swap3A_389 = vector.shape_cast %swap3A_388 : vector<16xf32> to vector<16xf32>
          %swap3A_390 = vector.shape_cast %get3A_383 : vector<16xf32> to vector<16xf32>
          tpu.vector_store %swap3A_386[%swap3A_387], %swap3A_390 {add = true, strides = array<i32>} : memref<1024xf32, #tpu.memory_space<vmem>>, vector<16xf32>,
          %scan3A_391 = arith.constant 7 : i32
          %scan3A_392 = arith.addi %scan3A_247, %scan3A_391 : i32
          %mul3A_393 = arith.constant 1 : i32
          %mul3A_394 = arith.muli %scan3A_392, %mul3A_393 : i32
          %add3A_395 = arith.constant 0 : i32
          %add3A_396 = arith.addi %add3A_395, %mul3A_394 : i32
          %mul3A_397 = arith.constant 16 : i32
          %mul3A_398 = arith.muli %add3A_396, %mul3A_397 : i32
          %get3A_399 = arith.constant 0 : i32
          %get3A_400 = tpu.memref_slice %arg7[%add3A_241, %get3A_399] : memref<16x1024xf32, #tpu.memory_space<vmem>> -> memref<1x1024xf32, #tpu.memory_space<vmem>>
          %get3A_401 = tpu.memref_squeeze %get3A_400 : memref<1x1024xf32, #tpu.memory_space<vmem>> -> memref<1024xf32, #tpu.memory_space<vmem>>
          %get3A_402 = arith.index_cast %mul3A_398 : i32 to index
          %get3A_403 = tpu.vector_load %get3A_401[%get3A_402] {strides = array<i32>} : memref<1024xf32, #tpu.memory_space<vmem>>, vector<16xf32>,
          %get3A_404 = vector.shape_cast %get3A_403 : vector<16xf32> to vector<16xf32>
          %swap3A_405 = arith.constant 0 : i32
          %swap3A_406 = tpu.memref_slice %arg11[%add3A_241, %swap3A_405] : memref<16x1024xf32, #tpu.memory_space<vmem>> -> memref<1x1024xf32, #tpu.memory_space<vmem>>
          %swap3A_407 = tpu.memref_squeeze %swap3A_406 : memref<1x1024xf32, #tpu.memory_space<vmem>> -> memref<1024xf32, #tpu.memory_space<vmem>>
          %swap3A_408 = arith.index_cast %mul3A_398 : i32 to index
          %swap3A_409 = tpu.vector_load %swap3A_407[%swap3A_408] {strides = array<i32>} : memref<1024xf32, #tpu.memory_space<vmem>>, vector<16xf32>,
          %swap3A_410 = vector.shape_cast %swap3A_409 : vector<16xf32> to vector<16xf32>
          %swap3A_411 = vector.shape_cast %get3A_404 : vector<16xf32> to vector<16xf32>
          tpu.vector_store %swap3A_407[%swap3A_408], %swap3A_411 {add = true, strides = array<i32>} : memref<1024xf32, #tpu.memory_space<vmem>>, vector<16xf32>,
          %scan3A_412 = arith.constant 8 : i32
          %scan3A_413 = arith.addi %scan3A_247, %scan3A_412 : i32
          %mul3A_414 = arith.constant 1 : i32
          %mul3A_415 = arith.muli %scan3A_413, %mul3A_414 : i32
          %add3A_416 = arith.constant 0 : i32
          %add3A_417 = arith.addi %add3A_416, %mul3A_415 : i32
          %mul3A_418 = arith.constant 16 : i32
          %mul3A_419 = arith.muli %add3A_417, %mul3A_418 : i32
          %get3A_420 = arith.constant 0 : i32
          %get3A_421 = tpu.memref_slice %arg7[%add3A_241, %get3A_420] : memref<16x1024xf32, #tpu.memory_space<vmem>> -> memref<1x1024xf32, #tpu.memory_space<vmem>>
          %get3A_422 = tpu.memref_squeeze %get3A_421 : memref<1x1024xf32, #tpu.memory_space<vmem>> -> memref<1024xf32, #tpu.memory_space<vmem>>
          %get3A_423 = arith.index_cast %mul3A_419 : i32 to index
          %get3A_424 = tpu.vector_load %get3A_422[%get3A_423] {strides = array<i32>} : memref<1024xf32, #tpu.memory_space<vmem>>, vector<16xf32>,
          %get3A_425 = vector.shape_cast %get3A_424 : vector<16xf32> to vector<16xf32>
          %swap3A_426 = arith.constant 0 : i32
          %swap3A_427 = tpu.memref_slice %arg11[%add3A_241, %swap3A_426] : memref<16x1024xf32, #tpu.memory_space<vmem>> -> memref<1x1024xf32, #tpu.memory_space<vmem>>
          %swap3A_428 = tpu.memref_squeeze %swap3A_427 : memref<1x1024xf32, #tpu.memory_space<vmem>> -> memref<1024xf32, #tpu.memory_space<vmem>>
          %swap3A_429 = arith.index_cast %mul3A_419 : i32 to index
          %swap3A_430 = tpu.vector_load %swap3A_428[%swap3A_429] {strides = array<i32>} : memref<1024xf32, #tpu.memory_space<vmem>>, vector<16xf32>,
          %swap3A_431 = vector.shape_cast %swap3A_430 : vector<16xf32> to vector<16xf32>
          %swap3A_432 = vector.shape_cast %get3A_425 : vector<16xf32> to vector<16xf32>
          tpu.vector_store %swap3A_428[%swap3A_429], %swap3A_432 {add = true, strides = array<i32>} : memref<1024xf32, #tpu.memory_space<vmem>>, vector<16xf32>,
          %scan3A_433 = arith.constant 9 : i32
          %scan3A_434 = arith.addi %scan3A_247, %scan3A_433 : i32
          %mul3A_435 = arith.constant 1 : i32
          %mul3A_436 = arith.muli %scan3A_434, %mul3A_435 : i32
          %add3A_437 = arith.constant 0 : i32
          %add3A_438 = arith.addi %add3A_437, %mul3A_436 : i32
          %mul3A_439 = arith.constant 16 : i32
          %mul3A_440 = arith.muli %add3A_438, %mul3A_439 : i32
          %get3A_441 = arith.constant 0 : i32
          %get3A_442 = tpu.memref_slice %arg7[%add3A_241, %get3A_441] : memref<16x1024xf32, #tpu.memory_space<vmem>> -> memref<1x1024xf32, #tpu.memory_space<vmem>>
          %get3A_443 = tpu.memref_squeeze %get3A_442 : memref<1x1024xf32, #tpu.memory_space<vmem>> -> memref<1024xf32, #tpu.memory_space<vmem>>
          %get3A_444 = arith.index_cast %mul3A_440 : i32 to index
          %get3A_445 = tpu.vector_load %get3A_443[%get3A_444] {strides = array<i32>} : memref<1024xf32, #tpu.memory_space<vmem>>, vector<16xf32>,
          %get3A_446 = vector.shape_cast %get3A_445 : vector<16xf32> to vector<16xf32>
          %swap3A_447 = arith.constant 0 : i32
          %swap3A_448 = tpu.memref_slice %arg11[%add3A_241, %swap3A_447] : memref<16x1024xf32, #tpu.memory_space<vmem>> -> memref<1x1024xf32, #tpu.memory_space<vmem>>
          %swap3A_449 = tpu.memref_squeeze %swap3A_448 : memref<1x1024xf32, #tpu.memory_space<vmem>> -> memref<1024xf32, #tpu.memory_space<vmem>>
          %swap3A_450 = arith.index_cast %mul3A_440 : i32 to index
          %swap3A_451 = tpu.vector_load %swap3A_449[%swap3A_450] {strides = array<i32>} : memref<1024xf32, #tpu.memory_space<vmem>>, vector<16xf32>,
          %swap3A_452 = vector.shape_cast %swap3A_451 : vector<16xf32> to vector<16xf32>
          %swap3A_453 = vector.shape_cast %get3A_446 : vector<16xf32> to vector<16xf32>
          tpu.vector_store %swap3A_449[%swap3A_450], %swap3A_453 {add = true, strides = array<i32>} : memref<1024xf32, #tpu.memory_space<vmem>>, vector<16xf32>,
          %scan3A_454 = arith.constant 10 : i32
          %scan3A_455 = arith.addi %scan3A_247, %scan3A_454 : i32
          %mul3A_456 = arith.constant 1 : i32
          %mul3A_457 = arith.muli %scan3A_455, %mul3A_456 : i32
          %add3A_458 = arith.constant 0 : i32
          %add3A_459 = arith.addi %add3A_458, %mul3A_457 : i32
          %mul3A_460 = arith.constant 16 : i32
          %mul3A_461 = arith.muli %add3A_459, %mul3A_460 : i32
          %get3A_462 = arith.constant 0 : i32
          %get3A_463 = tpu.memref_slice %arg7[%add3A_241, %get3A_462] : memref<16x1024xf32, #tpu.memory_space<vmem>> -> memref<1x1024xf32, #tpu.memory_space<vmem>>
          %get3A_464 = tpu.memref_squeeze %get3A_463 : memref<1x1024xf32, #tpu.memory_space<vmem>> -> memref<1024xf32, #tpu.memory_space<vmem>>
          %get3A_465 = arith.index_cast %mul3A_461 : i32 to index
          %get3A_466 = tpu.vector_load %get3A_464[%get3A_465] {strides = array<i32>} : memref<1024xf32, #tpu.memory_space<vmem>>, vector<16xf32>,
          %get3A_467 = vector.shape_cast %get3A_466 : vector<16xf32> to vector<16xf32>
          %swap3A_468 = arith.constant 0 : i32
          %swap3A_469 = tpu.memref_slice %arg11[%add3A_241, %swap3A_468] : memref<16x1024xf32, #tpu.memory_space<vmem>> -> memref<1x1024xf32, #tpu.memory_space<vmem>>
          %swap3A_470 = tpu.memref_squeeze %swap3A_469 : memref<1x1024xf32, #tpu.memory_space<vmem>> -> memref<1024xf32, #tpu.memory_space<vmem>>
          %swap3A_471 = arith.index_cast %mul3A_461 : i32 to index
          %swap3A_472 = tpu.vector_load %swap3A_470[%swap3A_471] {strides = array<i32>} : memref<1024xf32, #tpu.memory_space<vmem>>, vector<16xf32>,
          %swap3A_473 = vector.shape_cast %swap3A_472 : vector<16xf32> to vector<16xf32>
          %swap3A_474 = vector.shape_cast %get3A_467 : vector<16xf32> to vector<16xf32>
          tpu.vector_store %swap3A_470[%swap3A_471], %swap3A_474 {add = true, strides = array<i32>} : memref<1024xf32, #tpu.memory_space<vmem>>, vector<16xf32>,
          %scan3A_475 = arith.constant 11 : i32
          %scan3A_476 = arith.addi %scan3A_247, %scan3A_475 : i32
          %mul3A_477 = arith.constant 1 : i32
          %mul3A_478 = arith.muli %scan3A_476, %mul3A_477 : i32
          %add3A_479 = arith.constant 0 : i32
          %add3A_480 = arith.addi %add3A_479, %mul3A_478 : i32
          %mul3A_481 = arith.constant 16 : i32
          %mul3A_482 = arith.muli %add3A_480, %mul3A_481 : i32
          %get3A_483 = arith.constant 0 : i32
          %get3A_484 = tpu.memref_slice %arg7[%add3A_241, %get3A_483] : memref<16x1024xf32, #tpu.memory_space<vmem>> -> memref<1x1024xf32, #tpu.memory_space<vmem>>
          %get3A_485 = tpu.memref_squeeze %get3A_484 : memref<1x1024xf32, #tpu.memory_space<vmem>> -> memref<1024xf32, #tpu.memory_space<vmem>>
          %get3A_486 = arith.index_cast %mul3A_482 : i32 to index
          %get3A_487 = tpu.vector_load %get3A_485[%get3A_486] {strides = array<i32>} : memref<1024xf32, #tpu.memory_space<vmem>>, vector<16xf32>,
          %get3A_488 = vector.shape_cast %get3A_487 : vector<16xf32> to vector<16xf32>
          %swap3A_489 = arith.constant 0 : i32
          %swap3A_490 = tpu.memref_slice %arg11[%add3A_241, %swap3A_489] : memref<16x1024xf32, #tpu.memory_space<vmem>> -> memref<1x1024xf32, #tpu.memory_space<vmem>>
          %swap3A_491 = tpu.memref_squeeze %swap3A_490 : memref<1x1024xf32, #tpu.memory_space<vmem>> -> memref<1024xf32, #tpu.memory_space<vmem>>
          %swap3A_492 = arith.index_cast %mul3A_482 : i32 to index
          %swap3A_493 = tpu.vector_load %swap3A_491[%swap3A_492] {strides = array<i32>} : memref<1024xf32, #tpu.memory_space<vmem>>, vector<16xf32>,
          %swap3A_494 = vector.shape_cast %swap3A_493 : vector<16xf32> to vector<16xf32>
          %swap3A_495 = vector.shape_cast %get3A_488 : vector<16xf32> to vector<16xf32>
          tpu.vector_store %swap3A_491[%swap3A_492], %swap3A_495 {add = true, strides = array<i32>} : memref<1024xf32, #tpu.memory_space<vmem>>, vector<16xf32>,
          %scan3A_496 = arith.constant 12 : i32
          %scan3A_497 = arith.addi %scan3A_247, %scan3A_496 : i32
          %mul3A_498 = arith.constant 1 : i32
          %mul3A_499 = arith.muli %scan3A_497, %mul3A_498 : i32
          %add3A_500 = arith.constant 0 : i32
          %add3A_501 = arith.addi %add3A_500, %mul3A_499 : i32
          %mul3A_502 = arith.constant 16 : i32
          %mul3A_503 = arith.muli %add3A_501, %mul3A_502 : i32
          %get3A_504 = arith.constant 0 : i32
          %get3A_505 = tpu.memref_slice %arg7[%add3A_241, %get3A_504] : memref<16x1024xf32, #tpu.memory_space<vmem>> -> memref<1x1024xf32, #tpu.memory_space<vmem>>
          %get3A_506 = tpu.memref_squeeze %get3A_505 : memref<1x1024xf32, #tpu.memory_space<vmem>> -> memref<1024xf32, #tpu.memory_space<vmem>>
          %get3A_507 = arith.index_cast %mul3A_503 : i32 to index
          %get3A_508 = tpu.vector_load %get3A_506[%get3A_507] {strides = array<i32>} : memref<1024xf32, #tpu.memory_space<vmem>>, vector<16xf32>,
          %get3A_509 = vector.shape_cast %get3A_508 : vector<16xf32> to vector<16xf32>
          %swap3A_510 = arith.constant 0 : i32
          %swap3A_511 = tpu.memref_slice %arg11[%add3A_241, %swap3A_510] : memref<16x1024xf32, #tpu.memory_space<vmem>> -> memref<1x1024xf32, #tpu.memory_space<vmem>>
          %swap3A_512 = tpu.memref_squeeze %swap3A_511 : memref<1x1024xf32, #tpu.memory_space<vmem>> -> memref<1024xf32, #tpu.memory_space<vmem>>
          %swap3A_513 = arith.index_cast %mul3A_503 : i32 to index
          %swap3A_514 = tpu.vector_load %swap3A_512[%swap3A_513] {strides = array<i32>} : memref<1024xf32, #tpu.memory_space<vmem>>, vector<16xf32>,
          %swap3A_515 = vector.shape_cast %swap3A_514 : vector<16xf32> to vector<16xf32>
          %swap3A_516 = vector.shape_cast %get3A_509 : vector<16xf32> to vector<16xf32>
          tpu.vector_store %swap3A_512[%swap3A_513], %swap3A_516 {add = true, strides = array<i32>} : memref<1024xf32, #tpu.memory_space<vmem>>, vector<16xf32>,
          %scan3A_517 = arith.constant 13 : i32
          %scan3A_518 = arith.addi %scan3A_247, %scan3A_517 : i32
          %mul3A_519 = arith.constant 1 : i32
          %mul3A_520 = arith.muli %scan3A_518, %mul3A_519 : i32
          %add3A_521 = arith.constant 0 : i32
          %add3A_522 = arith.addi %add3A_521, %mul3A_520 : i32
          %mul3A_523 = arith.constant 16 : i32
          %mul3A_524 = arith.muli %add3A_522, %mul3A_523 : i32
          %get3A_525 = arith.constant 0 : i32
          %get3A_526 = tpu.memref_slice %arg7[%add3A_241, %get3A_525] : memref<16x1024xf32, #tpu.memory_space<vmem>> -> memref<1x1024xf32, #tpu.memory_space<vmem>>
          %get3A_527 = tpu.memref_squeeze %get3A_526 : memref<1x1024xf32, #tpu.memory_space<vmem>> -> memref<1024xf32, #tpu.memory_space<vmem>>
          %get3A_528 = arith.index_cast %mul3A_524 : i32 to index
          %get3A_529 = tpu.vector_load %get3A_527[%get3A_528] {strides = array<i32>} : memref<1024xf32, #tpu.memory_space<vmem>>, vector<16xf32>,
          %get3A_530 = vector.shape_cast %get3A_529 : vector<16xf32> to vector<16xf32>
          %swap3A_531 = arith.constant 0 : i32
          %swap3A_532 = tpu.memref_slice %arg11[%add3A_241, %swap3A_531] : memref<16x1024xf32, #tpu.memory_space<vmem>> -> memref<1x1024xf32, #tpu.memory_space<vmem>>
          %swap3A_533 = tpu.memref_squeeze %swap3A_532 : memref<1x1024xf32, #tpu.memory_space<vmem>> -> memref<1024xf32, #tpu.memory_space<vmem>>
          %swap3A_534 = arith.index_cast %mul3A_524 : i32 to index
          %swap3A_535 = tpu.vector_load %swap3A_533[%swap3A_534] {strides = array<i32>} : memref<1024xf32, #tpu.memory_space<vmem>>, vector<16xf32>,
          %swap3A_536 = vector.shape_cast %swap3A_535 : vector<16xf32> to vector<16xf32>
          %swap3A_537 = vector.shape_cast %get3A_530 : vector<16xf32> to vector<16xf32>
          tpu.vector_store %swap3A_533[%swap3A_534], %swap3A_537 {add = true, strides = array<i32>} : memref<1024xf32, #tpu.memory_space<vmem>>, vector<16xf32>,
          %scan3A_538 = arith.constant 14 : i32
          %scan3A_539 = arith.addi %scan3A_247, %scan3A_538 : i32
          %mul3A_540 = arith.constant 1 : i32
          %mul3A_541 = arith.muli %scan3A_539, %mul3A_540 : i32
          %add3A_542 = arith.constant 0 : i32
          %add3A_543 = arith.addi %add3A_542, %mul3A_541 : i32
          %mul3A_544 = arith.constant 16 : i32
          %mul3A_545 = arith.muli %add3A_543, %mul3A_544 : i32
          %get3A_546 = arith.constant 0 : i32
          %get3A_547 = tpu.memref_slice %arg7[%add3A_241, %get3A_546] : memref<16x1024xf32, #tpu.memory_space<vmem>> -> memref<1x1024xf32, #tpu.memory_space<vmem>>
          %get3A_548 = tpu.memref_squeeze %get3A_547 : memref<1x1024xf32, #tpu.memory_space<vmem>> -> memref<1024xf32, #tpu.memory_space<vmem>>
          %get3A_549 = arith.index_cast %mul3A_545 : i32 to index
          %get3A_550 = tpu.vector_load %get3A_548[%get3A_549] {strides = array<i32>} : memref<1024xf32, #tpu.memory_space<vmem>>, vector<16xf32>,
          %get3A_551 = vector.shape_cast %get3A_550 : vector<16xf32> to vector<16xf32>
          %swap3A_552 = arith.constant 0 : i32
          %swap3A_553 = tpu.memref_slice %arg11[%add3A_241, %swap3A_552] : memref<16x1024xf32, #tpu.memory_space<vmem>> -> memref<1x1024xf32, #tpu.memory_space<vmem>>
          %swap3A_554 = tpu.memref_squeeze %swap3A_553 : memref<1x1024xf32, #tpu.memory_space<vmem>> -> memref<1024xf32, #tpu.memory_space<vmem>>
          %swap3A_555 = arith.index_cast %mul3A_545 : i32 to index
          %swap3A_556 = tpu.vector_load %swap3A_554[%swap3A_555] {strides = array<i32>} : memref<1024xf32, #tpu.memory_space<vmem>>, vector<16xf32>,
          %swap3A_557 = vector.shape_cast %swap3A_556 : vector<16xf32> to vector<16xf32>
          %swap3A_558 = vector.shape_cast %get3A_551 : vector<16xf32> to vector<16xf32>
          tpu.vector_store %swap3A_554[%swap3A_555], %swap3A_558 {add = true, strides = array<i32>} : memref<1024xf32, #tpu.memory_space<vmem>>, vector<16xf32>,
          %scan3A_559 = arith.constant 15 : i32
          %scan3A_560 = arith.addi %scan3A_247, %scan3A_559 : i32
          %mul3A_561 = arith.constant 1 : i32
          %mul3A_562 = arith.muli %scan3A_560, %mul3A_561 : i32
          %add3A_563 = arith.constant 0 : i32
          %add3A_564 = arith.addi %add3A_563, %mul3A_562 : i32
          %mul3A_565 = arith.constant 16 : i32
          %mul3A_566 = arith.muli %add3A_564, %mul3A_565 : i32
          %get3A_567 = arith.constant 0 : i32
          %get3A_568 = tpu.memref_slice %arg7[%add3A_241, %get3A_567] : memref<16x1024xf32, #tpu.memory_space<vmem>> -> memref<1x1024xf32, #tpu.memory_space<vmem>>
          %get3A_569 = tpu.memref_squeeze %get3A_568 : memref<1x1024xf32, #tpu.memory_space<vmem>> -> memref<1024xf32, #tpu.memory_space<vmem>>
          %get3A_570 = arith.index_cast %mul3A_566 : i32 to index
          %get3A_571 = tpu.vector_load %get3A_569[%get3A_570] {strides = array<i32>} : memref<1024xf32, #tpu.memory_space<vmem>>, vector<16xf32>,
          %get3A_572 = vector.shape_cast %get3A_571 : vector<16xf32> to vector<16xf32>
          %swap3A_573 = arith.constant 0 : i32
          %swap3A_574 = tpu.memref_slice %arg11[%add3A_241, %swap3A_573] : memref<16x1024xf32, #tpu.memory_space<vmem>> -> memref<1x1024xf32, #tpu.memory_space<vmem>>
          %swap3A_575 = tpu.memref_squeeze %swap3A_574 : memref<1x1024xf32, #tpu.memory_space<vmem>> -> memref<1024xf32, #tpu.memory_space<vmem>>
          %swap3A_576 = arith.index_cast %mul3A_566 : i32 to index
          %swap3A_577 = tpu.vector_load %swap3A_575[%swap3A_576] {strides = array<i32>} : memref<1024xf32, #tpu.memory_space<vmem>>, vector<16xf32>,
          %swap3A_578 = vector.shape_cast %swap3A_577 : vector<16xf32> to vector<16xf32>
          %swap3A_579 = vector.shape_cast %get3A_572 : vector<16xf32> to vector<16xf32>
          tpu.vector_store %swap3A_575[%swap3A_576], %swap3A_579 {add = true, strides = array<i32>} : memref<1024xf32, #tpu.memory_space<vmem>>, vector<16xf32>,
        }
        %scan3A_246 = arith.constant 64 : i32
      }
      %scan3A_164 = arith.constant 16 : i32
      %add3A_165 = arith.constant 12288 : i32
      %add3A_166 = arith.addi %add3A_165, %mul3A_2 : i32
      %mul3A_167 = arith.constant 16 : i32
      %mul3A_168 = arith.muli %add3A_84, %mul3A_167 : i32
      %add3A_169 = arith.addi %add3A_166, %mul3A_168 : i32
      %dma_start3A_170 = arith.constant 0 : i32
      %dma_start3A_171 = tpu.memref_slice %arg5[%add3A_169, %dma_start3A_170] : memref<16384x1024xf32, #tpu.memory_space<hbm>> -> memref<16x1024xf32, #tpu.memory_space<hbm>>
      %dma_start3A_172 = arith.constant 0 : i32
      %dma_start3A_173 = tpu.memref_slice %arg5[%add3A_169, %dma_start3A_172] : memref<16384x1024xf32, #tpu.memory_space<hbm>> -> memref<16x1024xf32, #tpu.memory_space<hbm>>
      tpu.enqueue_dma source(%arg11 : memref<16x1024xf32, #tpu.memory_space<vmem>>) target(%dma_start3A_173 : memref<16x1024xf32, #tpu.memory_space<hbm>>) target_semaphore(%arg19 : memref<!tpu.dma_semaphore, #tpu.memory_space<semaphore_mem>>)
      %mul3A_174 = arith.constant 16 : i32
      %mul3A_175 = arith.muli %min3A_87, %mul3A_174 : i32
      %add3A_176 = arith.addi %mul3A_2, %mul3A_175 : i32
      %dma_start3A_177 = arith.constant 0 : i32
      %dma_start3A_178 = tpu.memref_slice %arg3[%add3A_176, %dma_start3A_177] : memref<4096x1024xf32, #tpu.memory_space<hbm>> -> memref<16x1024xf32, #tpu.memory_space<hbm>>
      %dma_start3A_179 = arith.constant 0 : i32
      %dma_start3A_180 = tpu.memref_slice %arg3[%add3A_176, %dma_start3A_179] : memref<4096x1024xf32, #tpu.memory_space<hbm>> -> memref<16x1024xf32, #tpu.memory_space<hbm>>
      tpu.enqueue_dma source(%dma_start3A_180 : memref<16x1024xf32, #tpu.memory_space<hbm>>) target(%arg7 : memref<16x1024xf32, #tpu.memory_space<vmem>>) target_semaphore(%arg20 : memref<!tpu.dma_semaphore, #tpu.memory_space<semaphore_mem>>)
      %dma_wait3A_181 = arith.constant 0 : i32
      %dma_wait3A_182 = arith.constant 0 : i32
      %dma_wait3A_183 = tpu.memref_slice %arg4[%dma_wait3A_181, %dma_wait3A_182] : memref<100000x1024xf32, #tpu.memory_space<hbm>> -> memref<16x1024xf32, #tpu.memory_space<hbm>>
      %dma_wait3A_184 = arith.constant 0 : i32
      %dma_wait3A_185 = arith.constant 0 : i32
      %dma_wait3A_186 = tpu.memref_slice %arg4[%dma_wait3A_184, %dma_wait3A_185] : memref<100000x1024xf32, #tpu.memory_space<hbm>> -> memref<16x1024xf32, #tpu.memory_space<hbm>>
      tpu.wait_dma2 semaphore(%arg16 : memref<!tpu.dma_semaphore, #tpu.memory_space<semaphore_mem>>) src(%dma_wait3A_186 : memref<16x1024xf32, #tpu.memory_space<hbm>>) dst(%arg8 : memref<16x1024xf32, #tpu.memory_space<vmem>>)
      %mul3A_187 = arith.constant 16 : i32
      %mul3A_188 = arith.muli %min3A_87, %mul3A_187 : i32
      %dma_start3A_189 = arith.constant 0 : i32
      %dma_start3A_190 = tpu.memref_slice %arg6[%dma_start3A_189, %mul3A_188] : memref<4x128xi32, #tpu.memory_space<vmem>> -> memref<1x16xi32, #tpu.memory_space<vmem>>
      %dma_start3A_191 = tpu.memref_squeeze %dma_start3A_190 : memref<1x16xi32, #tpu.memory_space<vmem>> -> memref<16xi32, #tpu.memory_space<vmem>>
      %dma_start3A_192 = arith.constant 0 : i32
      %dma_start3A_193 = arith.constant 0 : i32
      %dma_start3A_194 = tpu.memref_slice %arg4[%dma_start3A_192, %dma_start3A_193] : memref<100000x1024xf32, #tpu.memory_space<hbm>> -> memref<100000x1024xf32, #tpu.memory_space<hbm>>
      tpu.enqueue_indirect_dma source(%dma_start3A_194 : memref<100000x1024xf32, #tpu.memory_space<hbm>>) target(%arg8 : memref<16x1024xf32, #tpu.memory_space<vmem>>) offsets(%dma_start3A_191 : memref<16xi32, #tpu.memory_space<vmem>>) semaphore(%arg12 : memref<!tpu.dma_semaphore, #tpu.memory_space<semaphore_mem>>)
      %dma_wait3A_195 = arith.constant 0 : i32
      %dma_wait3A_196 = arith.constant 0 : i32
      %dma_wait3A_197 = tpu.memref_slice %arg4[%dma_wait3A_195, %dma_wait3A_196] : memref<100000x1024xf32, #tpu.memory_space<hbm>> -> memref<16x1024xf32, #tpu.memory_space<hbm>>
      %dma_wait3A_198 = arith.constant 0 : i32
      %dma_wait3A_199 = arith.constant 0 : i32
      %dma_wait3A_200 = tpu.memref_slice %arg4[%dma_wait3A_198, %dma_wait3A_199] : memref<100000x1024xf32, #tpu.memory_space<hbm>> -> memref<16x1024xf32, #tpu.memory_space<hbm>>
      tpu.wait_dma2 semaphore(%arg17 : memref<!tpu.dma_semaphore, #tpu.memory_space<semaphore_mem>>) src(%dma_wait3A_200 : memref<16x1024xf32, #tpu.memory_space<hbm>>) dst(%arg9 : memref<16x1024xf32, #tpu.memory_space<vmem>>)
      %mul3A_201 = arith.constant 16 : i32
      %mul3A_202 = arith.muli %min3A_87, %mul3A_201 : i32
      %dma_start3A_203 = arith.constant 1 : i32
      %dma_start3A_204 = tpu.memref_slice %arg6[%dma_start3A_203, %mul3A_202] : memref<4x128xi32, #tpu.memory_space<vmem>> -> memref<1x16xi32, #tpu.memory_space<vmem>>
      %dma_start3A_205 = tpu.memref_squeeze %dma_start3A_204 : memref<1x16xi32, #tpu.memory_space<vmem>> -> memref<16xi32, #tpu.memory_space<vmem>>
      %dma_start3A_206 = arith.constant 0 : i32
      %dma_start3A_207 = arith.constant 0 : i32
      %dma_start3A_208 = tpu.memref_slice %arg4[%dma_start3A_206, %dma_start3A_207] : memref<100000x1024xf32, #tpu.memory_space<hbm>> -> memref<100000x1024xf32, #tpu.memory_space<hbm>>
      tpu.enqueue_indirect_dma source(%dma_start3A_208 : memref<100000x1024xf32, #tpu.memory_space<hbm>>) target(%arg9 : memref<16x1024xf32, #tpu.memory_space<vmem>>) offsets(%dma_start3A_205 : memref<16xi32, #tpu.memory_space<vmem>>) semaphore(%arg13 : memref<!tpu.dma_semaphore, #tpu.memory_space<semaphore_mem>>)
      %dma_wait3A_209 = arith.constant 0 : i32
      %dma_wait3A_210 = arith.constant 0 : i32
      %dma_wait3A_211 = tpu.memref_slice %arg4[%dma_wait3A_209, %dma_wait3A_210] : memref<100000x1024xf32, #tpu.memory_space<hbm>> -> memref<16x1024xf32, #tpu.memory_space<hbm>>
      %dma_wait3A_212 = arith.constant 0 : i32
      %dma_wait3A_213 = arith.constant 0 : i32
      %dma_wait3A_214 = tpu.memref_slice %arg4[%dma_wait3A_212, %dma_wait3A_213] : memref<100000x1024xf32, #tpu.memory_space<hbm>> -> memref<16x1024xf32, #tpu.memory_space<hbm>>
      tpu.wait_dma2 semaphore(%arg18 : memref<!tpu.dma_semaphore, #tpu.memory_space<semaphore_mem>>) src(%dma_wait3A_214 : memref<16x1024xf32, #tpu.memory_space<hbm>>) dst(%arg10 : memref<16x1024xf32, #tpu.memory_space<vmem>>)
      %mul3A_215 = arith.constant 16 : i32
      %mul3A_216 = arith.muli %min3A_87, %mul3A_215 : i32
      %dma_start3A_217 = arith.constant 2 : i32
      %dma_start3A_218 = tpu.memref_slice %arg6[%dma_start3A_217, %mul3A_216] : memref<4x128xi32, #tpu.memory_space<vmem>> -> memref<1x16xi32, #tpu.memory_space<vmem>>
      %dma_start3A_219 = tpu.memref_squeeze %dma_start3A_218 : memref<1x16xi32, #tpu.memory_space<vmem>> -> memref<16xi32, #tpu.memory_space<vmem>>
      %dma_start3A_220 = arith.constant 0 : i32
      %dma_start3A_221 = arith.constant 0 : i32
      %dma_start3A_222 = tpu.memref_slice %arg4[%dma_start3A_220, %dma_start3A_221] : memref<100000x1024xf32, #tpu.memory_space<hbm>> -> memref<100000x1024xf32, #tpu.memory_space<hbm>>
      tpu.enqueue_indirect_dma source(%dma_start3A_222 : memref<100000x1024xf32, #tpu.memory_space<hbm>>) target(%arg10 : memref<16x1024xf32, #tpu.memory_space<vmem>>) offsets(%dma_start3A_219 : memref<16xi32, #tpu.memory_space<vmem>>) semaphore(%arg14 : memref<!tpu.dma_semaphore, #tpu.memory_space<semaphore_mem>>)
      %dma_wait3A_223 = arith.constant 0 : i32
      %dma_wait3A_224 = arith.constant 0 : i32
      %dma_wait3A_225 = tpu.memref_slice %arg4[%dma_wait3A_223, %dma_wait3A_224] : memref<100000x1024xf32, #tpu.memory_space<hbm>> -> memref<16x1024xf32, #tpu.memory_space<hbm>>
      %dma_wait3A_226 = arith.constant 0 : i32
      %dma_wait3A_227 = arith.constant 0 : i32
      %dma_wait3A_228 = tpu.memref_slice %arg4[%dma_wait3A_226, %dma_wait3A_227] : memref<100000x1024xf32, #tpu.memory_space<hbm>> -> memref<16x1024xf32, #tpu.memory_space<hbm>>
      tpu.wait_dma2 semaphore(%arg19 : memref<!tpu.dma_semaphore, #tpu.memory_space<semaphore_mem>>) src(%dma_wait3A_228 : memref<16x1024xf32, #tpu.memory_space<hbm>>) dst(%arg11 : memref<16x1024xf32, #tpu.memory_space<vmem>>)
      %mul3A_229 = arith.constant 16 : i32
      %mul3A_230 = arith.muli %min3A_87, %mul3A_229 : i32
      %dma_start3A_231 = arith.constant 3 : i32
      %dma_start3A_232 = tpu.memref_slice %arg6[%dma_start3A_231, %mul3A_230] : memref<4x128xi32, #tpu.memory_space<vmem>> -> memref<1x16xi32, #tpu.memory_space<vmem>>
      %dma_start3A_233 = tpu.memref_squeeze %dma_start3A_232 : memref<1x16xi32, #tpu.memory_space<vmem>> -> memref<16xi32, #tpu.memory_space<vmem>>
      %dma_start3A_234 = arith.constant 0 : i32
      %dma_start3A_235 = arith.constant 0 : i32
      %dma_start3A_236 = tpu.memref_slice %arg4[%dma_start3A_234, %dma_start3A_235] : memref<100000x1024xf32, #tpu.memory_space<hbm>> -> memref<100000x1024xf32, #tpu.memory_space<hbm>>
      tpu.enqueue_indirect_dma source(%dma_start3A_236 : memref<100000x1024xf32, #tpu.memory_space<hbm>>) target(%arg11 : memref<16x1024xf32, #tpu.memory_space<vmem>>) offsets(%dma_start3A_233 : memref<16xi32, #tpu.memory_space<vmem>>) semaphore(%arg15 : memref<!tpu.dma_semaphore, #tpu.memory_space<semaphore_mem>>)
    }
    %scan3A_50 = arith.constant 8 : i32
    %dma_wait3A = arith.constant 0 : i32
    %dma_wait3A_51 = arith.constant 0 : i32
    %dma_wait3A_52 = tpu.memref_slice %arg3[%dma_wait3A, %dma_wait3A_51] : memref<4096x1024xf32, #tpu.memory_space<hbm>> -> memref<16x1024xf32, #tpu.memory_space<hbm>>
    %dma_wait3A_53 = arith.constant 0 : i32
    %dma_wait3A_54 = arith.constant 0 : i32
    %dma_wait3A_55 = tpu.memref_slice %arg3[%dma_wait3A_53, %dma_wait3A_54] : memref<4096x1024xf32, #tpu.memory_space<hbm>> -> memref<16x1024xf32, #tpu.memory_space<hbm>>
    tpu.wait_dma2 semaphore(%arg20 : memref<!tpu.dma_semaphore, #tpu.memory_space<semaphore_mem>>) src(%dma_wait3A_55 : memref<16x1024xf32, #tpu.memory_space<hbm>>) dst(%arg7 : memref<16x1024xf32, #tpu.memory_space<vmem>>)
    %dma_wait3A_56 = arith.constant 0 : i32
    %dma_wait3A_57 = arith.constant 0 : i32
    %dma_wait3A_58 = tpu.memref_slice %arg4[%dma_wait3A_56, %dma_wait3A_57] : memref<100000x1024xf32, #tpu.memory_space<hbm>> -> memref<16x1024xf32, #tpu.memory_space<hbm>>
    %dma_wait3A_59 = arith.constant 0 : i32
    %dma_wait3A_60 = arith.constant 0 : i32
    %dma_wait3A_61 = tpu.memref_slice %arg4[%dma_wait3A_59, %dma_wait3A_60] : memref<100000x1024xf32, #tpu.memory_space<hbm>> -> memref<16x1024xf32, #tpu.memory_space<hbm>>
    tpu.wait_dma2 semaphore(%arg12 : memref<!tpu.dma_semaphore, #tpu.memory_space<semaphore_mem>>) src(%dma_wait3A_61 : memref<16x1024xf32, #tpu.memory_space<hbm>>) dst(%arg8 : memref<16x1024xf32, #tpu.memory_space<vmem>>)
    %dma_wait3A_62 = arith.constant 0 : i32
    %dma_wait3A_63 = arith.constant 0 : i32
    %dma_wait3A_64 = tpu.memref_slice %arg4[%dma_wait3A_62, %dma_wait3A_63] : memref<100000x1024xf32, #tpu.memory_space<hbm>> -> memref<16x1024xf32, #tpu.memory_space<hbm>>
    %dma_wait3A_65 = arith.constant 0 : i32
    %dma_wait3A_66 = arith.constant 0 : i32
    %dma_wait3A_67 = tpu.memref_slice %arg4[%dma_wait3A_65, %dma_wait3A_66] : memref<100000x1024xf32, #tpu.memory_space<hbm>> -> memref<16x1024xf32, #tpu.memory_space<hbm>>
    tpu.wait_dma2 semaphore(%arg13 : memref<!tpu.dma_semaphore, #tpu.memory_space<semaphore_mem>>) src(%dma_wait3A_67 : memref<16x1024xf32, #tpu.memory_space<hbm>>) dst(%arg9 : memref<16x1024xf32, #tpu.memory_space<vmem>>)
    %dma_wait3A_68 = arith.constant 0 : i32
    %dma_wait3A_69 = arith.constant 0 : i32
    %dma_wait3A_70 = tpu.memref_slice %arg4[%dma_wait3A_68, %dma_wait3A_69] : memref<100000x1024xf32, #tpu.memory_space<hbm>> -> memref<16x1024xf32, #tpu.memory_space<hbm>>
    %dma_wait3A_71 = arith.constant 0 : i32
    %dma_wait3A_72 = arith.constant 0 : i32
    %dma_wait3A_73 = tpu.memref_slice %arg4[%dma_wait3A_71, %dma_wait3A_72] : memref<100000x1024xf32, #tpu.memory_space<hbm>> -> memref<16x1024xf32, #tpu.memory_space<hbm>>
    tpu.wait_dma2 semaphore(%arg14 : memref<!tpu.dma_semaphore, #tpu.memory_space<semaphore_mem>>) src(%dma_wait3A_73 : memref<16x1024xf32, #tpu.memory_space<hbm>>) dst(%arg10 : memref<16x1024xf32, #tpu.memory_space<vmem>>)
    %dma_wait3A_74 = arith.constant 0 : i32
    %dma_wait3A_75 = arith.constant 0 : i32
    %dma_wait3A_76 = tpu.memref_slice %arg4[%dma_wait3A_74, %dma_wait3A_75] : memref<100000x1024xf32, #tpu.memory_space<hbm>> -> memref<16x1024xf32, #tpu.memory_space<hbm>>
    %dma_wait3A_77 = arith.constant 0 : i32
    %dma_wait3A_78 = arith.constant 0 : i32
    %dma_wait3A_79 = tpu.memref_slice %arg4[%dma_wait3A_77, %dma_wait3A_78] : memref<100000x1024xf32, #tpu.memory_space<hbm>> -> memref<16x1024xf32, #tpu.memory_space<hbm>>
    tpu.wait_dma2 semaphore(%arg15 : memref<!tpu.dma_semaphore, #tpu.memory_space<semaphore_mem>>) src(%dma_wait3A_79 : memref<16x1024xf32, #tpu.memory_space<hbm>>) dst(%arg11 : memref<16x1024xf32, #tpu.memory_space<vmem>>)
    return
  }
}

</mosaic_0001>

<sc_bundles>
// kernel: kernel.3.cloned.1.call-start
scs
__scs_entry_jumppad:
0x0: {  	(pc) =	sbr.rel $0x88, $3  }
0x1: {  	(tag) =	ssettag $0x0;
	lr =	simm.s32 $0x1  }
0x2: {  	[smem:$0x3F9F] =	sst lr;
	_ =	strace $0xD0000000  }
0x3: {  	_ = 	snop  }
0x4: {  	_ = 	snop  }
0x5: {  	_ = 	snop  }
0x6: {  	_ = 	snop  }
0x7: {  	_ = 	snop  }
__scs_overlays_trampoline_lowered:
0x8: {  	[smem:$0x3FAE] =	sst s0  }
0x9: {  	[smem:$0x3FAF] =	sst s1  }
0xa: {  	[smem:$0x3FB0] =	sst s2  }
0xb: {  	[smem:$0x3FB1] =	sst s3  }
0xc: {  	[smem:$0x3FB2] =	sst s4  }
0xd: {  	[smem:$0x3FB3] =	sst s5  }
0xe: {  	[smem:$0x3FB4] =	sst s6  }
0xf: {  	[smem:$0x3FB5] =	sst s7  }
0x10: {  	[smem:$0x3FB6] =	sst s8  }
0x11: {  	[smem:$0x3FB7] =	sst s9;
	s0 =	simm.s32 @!p0 $0x0  }
0x12: {  	s1 =	sld [smem:$0x3F9D];
	s0 =	simm.s32 @p0 $0x1  }
0x13: {  	[smem:$0x3FB8] =	sst s0;
	s0 =	simm.s32 @!p1 $0x0  }
0x14: {  	s2 =	sld [smem:$0x3F9C];
	s0 =	simm.s32 @p1 $0x1  }
0x15: {  	[smem:$0x3FB9] =	sst s0;
	s0 =	simm.s32 @!p2 $0x0  }
0x16: {  	s3 =	sld [smem:$0x3FDB];
	s0 =	simm.s32 @p2 $0x1  }
0x17: {  	s4 =	simm.s32 $0x1BF5;
	[smem:$0x3FBB] =	sst s0  }
0x18: {  	s0 =	sld [smem:$0x3F9E];
	_ =	swait.ge [sflag:s4], $0x0  }
0x19: {  	s7 =	sld [smem:$0x3F9F]  }
0x1a: {  	s8 =	sadd.s32 $0xFFFFE003, lr  }
0x1b: {  	s9 =	sadd.s32 $0xFFFFFEF7, lr;
	s5 =	simm.s32 $0xFFFFFFFF;
	p2 =	slt.u32 s8, $0xFFFFF086  }
0x1c: {  	p1 =	slt.u32 s9, $0xF7A;
	s5 =	simm.s32 @!p2 $0x0  }
0x1d: {  	s5 =	simm.s32 @p1 $0x1;
	p0 =	seq.s32 s7, s2  }
0x1e: {  	s7 =	smul.u32 @!p0 $0xF7A, s2;
	p2 =	seq.s32 @!p0 s5, $0x0  }
0x1f: {  	s9 =	smul.u32 $0xF7A, s1;
	s8 =	simm.s32 @!p0 $0x1BF5;
	p2 =	por !p2, p0  }
0x20: {  	[sflag:s8] =	ssyncset.s32 @!p0 $0xFFFFF086;
	s6 =	sadd.s32 @!p0 s3, s7;
	s7 =	simm.s32 @!p0 $0x108  }
0x21: {  	s3 =	sadd.s32 s3, s9;
	s6 =	sadd.s32 @!p0 $0x88, s6;
	s7 =	simm.s32 @p2 $0x1082  }
0x22: {  	[simem:s7], [sflag:s8] =	dma.local @!p0 [hbm:s6], $0xF7A  }
0x23: {  	s9 =	sor.u32 $0xD0000000, s2;
	s6 =	simm.s32 $0x108;
	_ =	swait.ge @!p0 [sflag:s8], $0x0  }
0x24: {  	s3 =	sadd.s32 $0x88, s3;
	s6 =	simm.s32 @!p1 $0x1082;
	[sflag:s4] =	ssyncset.s32 $0xFFFFF086  }
0x25: {  	[simem:s6], [sflag:s4] =	dma.local [hbm:s3], $0xF7A  }
0x26: {  	[smem:$0x3F9F] =	sst s1;
	(tag) =	ssettag s2;
	_ =	strace s9  }
0x27: {  	s1 =	sld [smem:$0x3FAF]  }
0x28: {  	s2 =	sld [smem:$0x3FB0]  }
0x29: {  	s4 =	sld [smem:$0x3FB2]  }
0x2a: {  	p0 =	seq.s32 s5, $0x0;
	s5 =	sld [smem:$0x3FB3]  }
0x2b: {  	s6 =	sld [smem:$0x3FB4]  }
0x2c: {  	s7 =	sld [smem:$0x3FB5]  }
0x2d: {  	s3 =	simm.s32 $0x108;
	s8 =	sld [smem:$0x3FB6]  }
0x2e: {  	s3 =	simm.s32 @!p0 $0x1082;
	s9 =	sld [smem:$0x3FB7]  }
0x2f: {  	lr =	sadd.s32 s0, s3;
	s0 =	sld [smem:$0x3FAE]  }
0x30: {  	s3 =	sld [smem:$0x3FB1]  }
0x31: {  	[smem:$0x3FBA] =	sst s10  }
0x32: {  	s10 =	sld [smem:$0x3FB8];
	_ =	sdelay $0x3  }
0x33: {  	p0 =	seq.s32 s10, $0x1;
	s10 =	sld [smem:$0x3FBA];
	_ =	sdelay $0x3  }
0x34: {  	[smem:$0x3FBA] =	sst s10  }
0x35: {  	s10 =	sld [smem:$0x3FB9];
	_ =	sdelay $0x3  }
0x36: {  	p1 =	seq.s32 s10, $0x1;
	s10 =	sld [smem:$0x3FBA];
	_ =	sdelay $0x3  }
0x37: {  	[smem:$0x3FBA] =	sst s10  }
0x38: {  	s10 =	sld [smem:$0x3FBB]  }
0x39: {  	_ = 	snop;
	(pc) =	sbr.ind lr, $3  }
0x3a: {  	_ = 	snop  }
0x3b: {  	_ = 	snop  }
0x3c: {  	p2 =	seq.s32 s10, $0x1;
	s10 =	sld [smem:$0x3FBA]  }
0x3d: {  	_ =	shalt  }
0x3e: {  	_ =	shalt  }
0x3f: {  	_ =	shalt  }
0x40: {  	_ =	shalt  }
0x41: {  	_ =	shalt  }
0x42: {  	_ =	shalt  }
0x43: {  	_ =	shalt  }
0x44: {  	_ =	shalt  }
0x45: {  	_ =	shalt  }
0x46: {  	_ =	shalt  }
0x47: {  	_ =	shalt  }
0x48: {  	_ =	shalt  }
0x49: {  	_ =	shalt  }
0x4a: {  	_ =	shalt  }
0x4b: {  	_ =	shalt  }
0x4c: {  	_ =	shalt  }
0x4d: {  	_ =	shalt  }
0x4e: {  	_ =	shalt  }
0x4f: {  	_ =	shalt  }
0x50: {  	_ =	shalt  }
0x51: {  	_ =	shalt  }
0x52: {  	_ =	shalt  }
0x53: {  	_ =	shalt  }
0x54: {  	_ =	shalt  }
0x55: {  	_ =	shalt  }
0x56: {  	_ =	shalt  }
0x57: {  	_ =	shalt  }
0x58: {  	_ =	shalt  }
0x59: {  	_ =	shalt  }
0x5a: {  	_ =	shalt  }
0x5b: {  	_ =	shalt  }
0x5c: {  	_ =	shalt  }
0x5d: {  	_ =	shalt  }
0x5e: {  	_ =	shalt  }
0x5f: {  	_ =	shalt  }
0x60: {  	_ =	shalt  }
0x61: {  	_ =	shalt  }
0x62: {  	_ =	shalt  }
0x63: {  	_ =	shalt  }
0x64: {  	_ =	shalt  }
0x65: {  	_ =	shalt  }
0x66: {  	_ =	shalt  }
0x67: {  	_ =	shalt  }
0x68: {  	_ =	shalt  }
0x69: {  	_ =	shalt  }
0x6a: {  	_ =	shalt  }
0x6b: {  	_ =	shalt  }
0x6c: {  	_ =	shalt  }
0x6d: {  	_ =	shalt  }
0x6e: {  	_ =	shalt  }
0x6f: {  	_ =	shalt  }
0x70: {  	_ =	shalt  }
0x71: {  	_ =	shalt  }
0x72: {  	_ =	shalt  }
0x73: {  	_ =	shalt  }
0x74: {  	_ =	shalt  }
0x75: {  	_ =	shalt  }
0x76: {  	_ =	shalt  }
0x77: {  	_ =	shalt  }
0x78: {  	_ =	shalt  }
0x79: {  	_ =	shalt  }
0x7a: {  	_ =	shalt  }
0x7b: {  	_ =	shalt  }
0x7c: {  	_ =	shalt  }
0x7d: {  	_ =	shalt  }
0x7e: {  	_ =	shalt  }
0x7f: {  	_ =	shalt  }
0x80: {  	_ =	shalt  }
0x81: {  	_ =	shalt  }
0x82: {  	_ =	shalt  }
0x83: {  	_ =	shalt  }
0x84: {  	_ =	shalt  }
0x85: {  	_ =	shalt  }
0x86: {  	_ =	shalt  }
0x87: {  	_ =	shalt  }
.Lfunc_end0:
.L_simem_size_0:
called_computation_lowered:
.L_overlay_start_0:
0x88: {  	s2 =	sld [smem:$0x3FD9]  }
0x89: {  	s3 =	sld [smem:$0x3FFE];
	_ =	sdelay $0x1  }
0x8a: {  	s1 =	srdreg.scid  }
0x8b: {  	s0 =	sand.u32 $0x1, s1  }
0x8c: {  	s17 =	sshll.u32 s0, $0xA;
	s2 =	sadd.s32 s3, s2  }
0x8d: {  	s2 =	sadd.s32 s2, s17  }
0x8e: {  	[smem:$0x3FC6] =	sst s2  }
0x8f: {  	_ = 	snop  }
0x90: {  	s2 =	sld [smem:$0x3FC8]  }
0x91: {  	s18 =	sld [smem:$0x3FD0];
	(tm) =	ssettm $0x1  }
0x92: {  	s4 =	sld [smem:$0x3FFB];
	_ =	sdelay $0x3  }
0x93: {  	_ =	strace s4  }
0x94: {  	s4 =	sld [smem:$0x3FFC];
	_ =	sdelay $0x3  }
0x95: {  	_ =	strace s4  }
0x96: {  	s4 =	sld [smem:$0x3FFD];
	_ =	sdelay $0x3  }
0x97: {  	_ =	strace s4  }
0x98: {  	_ =	strace $0x8FFFFFFF  }
0x99: {  	s19 =	sld [smem:$0x3FDB];
	_ =	sdelay $0x1  }
0x9a: {  	s5 =	simm.s32 $_scs_section_size  }
0x9b: {  	s6 =	simm.s32 $_size__tile_overlayer_lowered;
	s7 =	simm.s32 $_tile_overlayer_lowered  }
0x9c: {  	s22 =	simm.s32 $0x1BFF;
	s21 =	sshll.u32 s7, $0x1;
	s4 =	sadd.s32 s5, s19  }
0x9d: {  	s8 =	simm.s32 $0x0;
	s20 =	sshll.u32 s6, $0x1;
	s6 =	sadd.s32 s21, s4  }
0x9e: {  	[timem:s8], [sflag:s22] =	dma.local [hbm:s6], s20  }
0x9f: {  	_ =	swait.ge [sflag:s22], s20  }
0xa0: {  	s5 =	ssub.s32 $0x0, s20;
	[sflag:s22] =	ssyncset.done $0x0  }
0xa1: {  	[sflag:s22] =	ssyncadd.s32 s5;
	_ =	sdelay $0x1  }
0xa2: {  	s23 =	simm.s32 $0x1B8B  }
0xa3: {  	_ =	swait.ge [sflag:s23], $0x1  }
0xa4: {  	[sflag:s23] =	ssyncset.done $0x0  }
0xa5: {  	s25 =	simm.s32 $0x1B8E;
	s24 =	sld [smem:$0x3FFE];
	[sflag:s23] =	ssyncadd.s32 $0xFFFFFFFF  }
0xa6: {  	s26 =	simm.s32 $execute0_lowered;
	[smem:$0x3FD2] =	sst s25  }
0xa7: {  	s6 =	sshll.u32 s26, $0x1;
	_ =	strace $0x80000046;
	[dreg:$0x1] =	wrdreg $0xFFFFFFFF  }
0xa8: {  	s28 =	simm.s32 $_size_execute0_lowered;
	s4 =	sadd.s32 s4, s6;
	[dreg:$0x0] =	wrdreg $0x0  }
0xa9: {  	s6 =	sshll.u32 s28, $0x1;
	[dreg:$0x2] =	wrdreg s4  }
0xaa: {  	[dreg:$0x3] =	wrdreg s6  }
0xab: {  	[dreg:$0x4] =	wrdreg $0xC0  }
0xac: {  	_ =	task [dreg:s8], $0x5FFFF  }
0xad: {  	[dreg:$0x1] =	wrdreg $0xFFFFFFFF  }
0xae: {  	[dreg:$0x0] =	wrdreg $0x60  }
0xaf: {  	[dreg:$0x2] =	wrdreg s24  }
0xb0: {  	[dreg:$0x3] =	wrdreg s2  }
0xb1: {  	[dreg:$0x4] =	wrdreg s18  }
0xb2: {  	[dreg:$0x5] =	wrdreg $0x9  }
0xb3: {  	_ =	task.clear_ibuf [dreg:s8], $0x6FFFF;
	_ =	strace $0x90000046  }
0xb4: {  	s29 =	simm.s32 $0x9;
	_ =	strace $0x80000048  }
0xb5: {  	_ =	swait.ge [sflag:s29], $0x1  }
0xb6: {  	[sflag:s29] =	ssyncadd.s32 $0xFFFFFFFF  }
0xb7: {  	_ =	strace $0x90000048  }
0xb8: {  	_ =	sfence  }
0xb9: {  	s30 =	sld [smem:$0x0];
	_ =	sdelay $0x2  }
0xba: {  	s31 =	sshll.u32 s1, $0xD;
	s1 =	sshrl.u32 s1, $0x2  }
0xbb: {  	s3 =	sand.u32 $0x4000, s31;
	s1 =	sadd.s32 s1, s30  }
0xbc: {  	s0 =	sor.u32 s3, s0;
	s1 =	sshll.u32 s1, $0x11  }
0xbd: {  	s0 =	sor.u32 s1, s0  }
0xbe: {  	s0 =	sadd.s32 $0x8F2B, s0  }
0xbf: {  	[sflag:s0] =	ssyncadd.remote.s32 $0x1  }
0xc0: {  	_ =	sfence.sel $0xFFFF  }
0xc1: {  	[dreg:$0x0] =	wrdreg $0xFFFFFFFF;
	(pc) =	sbr.abs _section_cstart, $3  }
0xc2: {  	[dreg:$0x1] =	wrdreg $0xFFFFFFFF  }
0xc3: {  	_ =	task.clear_ibuf [dreg:s8], $0x2FFFF;
	_ =	strace $0x9FFFFFFF  }
0xc4: {  	(tm) =	ssettm $0x7FFFFFFF  }
0xc5: {  	_ =	shalt  }
tec
execute0_lowered:
.L_overlay_start_1:
0x0: {  	(tag) =	ssettag $0x1  }
0x1: {  	s0 =	rddreg [dreg:$0x0]  }
0x2: {  	s1 =	rddreg [dreg:$0x1]  }
0x3: {  	s2 =	rddreg [dreg:$0x2]  }
0x4: {  	s4 =	simm.s32 $0x0;
	s3 =	srdreg.scid;
	s5 =	stileid.u32  }
0x5: {  	s14 =	simm.s32 $0xC200;
	s30 =	simm.s32 $0x10200;
	s13 =	simm.s32 $0x1  }
0x6: {  	s18 =	simm.s32 $0x2;
	s19 =	simm.s32 $0x3;
	s28 =	simm.s32 $0x7  }
0x7: {  	s29 =	simm.s32 $0x8;
	[smem:$0x7FF] =	sst s4;
	s3 =	sand.u32 $0x1, s3  }
0x8: {  	s8 =	sadd.s32 $0x400, s0;
	s6 =	sshll.u32 s5, $0x8;
	s5 =	sadd.s32 $0xC00, s0  }
0x9: {  	s15 =	sadd.s32 $0x100, s1;
	s16 =	sadd.s32 $0x200, s1;
	s7 =	sshll.u32 s3, $0x7  }
0xa: {  	s17 =	sadd.s32 $0x300, s1;
	s21 =	ssub.s32 $0x2, s3;
	s6 =	sor.u32 s7, s6  }
0xb: {  	_ =	strace $0x80000047;
	s3 =	sshrl.u32 s21, $0x1;
	s9 =	sshrl.u32 s6, $0x3  }
0xc: {  	s7 =	sor.u32 $0x1000, s6;
	s0 =	ssub.s32 s21, s3;
	s10 =	sor.u32 $0x2000, s6  }
0xd: {  	s11 =	sor.u32 $0x3000, s6;
	s12 =	sshll.u32 s6, $0x7;
	s22 =	sadd.s32 s8, s9  }
0xe: {  	s23 =	sshrl.u32 s7, $0x3;
	s24 =	sshrl.u32 s10, $0x3;
	s25 =	sshrl.u32 s11, $0x3  }
0xf: {  	s31 =	sadd.s32 s5, s12;
	s0 =	smax.u32 s0, $0x1;
	[dreg:$0x4] =	wrdreg s22  }
0x10: {  	s12 =	simm.s32 $0x9;
	s3 =	sadd.s32 s8, s23;
	[dreg:$0x8] =	wrdreg s31  }
0x11: {  	v2 =	vlaneseq.u32;
	s26 =	sadd.s32 s8, s25;
	[dreg:$0x9] =	wrdreg s0;
	s23 =	simm.s32 $0x4  }
0x12: {  	v0 =	vand.u32 $0x7, v2;
	s25 =	simm.s32 $0x5;
	[dreg:$0x5] =	wrdreg s3;
	s3 =	sadd.s32 s8, s24  }
0x13: {  	v1 =	vshrl.u32 v2, $0x3;
	[tilespmem:$0x1FFE0] =	vst v0;
	v0 =	vor.u32 $0x8, v2;
	[dreg:$0x7] =	wrdreg s26;
	s24 =	simm.s32 $0x4200;
	s26 =	simm.s32 $0x6  }
0x14: {  	vm0 =	vmmov $0xffff;
	v1 =	vmul.u32 $0x8, v1;
	[tilespmem:$0x1FFF0] =	vst v0;
	s8 =	simm.s32 $0x0;
	[dreg:$0x6] =	wrdreg s3;
	s3 =	simm.s32 $0x8200  }
.LBB2_1:
0x15: {  	[dreg:$0xa] =	wrdreg s8  }
0x16: {  	s0 =	rddreg [dreg:$0x4];
	s8 =	simm.s32 $0xA  }
0x17: {  	[tilespmem:s4], [sflag:$0xA] =	stream.linear.gather [hbm4b:s0+s4], $0x80, $0x38;
	[tilespmem:$0x14200] =	vst v63  }
0x18: {  	_ =	swait.ge [sflag:s8], $0x80  }
0x19: {  	[sflag:s8] =	ssyncset.done $0x0  }
0x1a: {  	s9 =	simm.s32 $0x80;
	s22 =	rddreg [dreg:$0x5];
	[sflag:s8] =	ssyncadd.s32 $0xFFFFFF80  }
0x1b: {  	[tilespmem:s9], [sflag:$0xA] =	stream.linear.gather [hbm4b:s22+s4], $0x80, $0x38;
	[tilespmem:$0x14200] =	vst v63  }
0x1c: {  	_ =	swait.ge [sflag:s8], $0x80  }
0x1d: {  	[sflag:s8] =	ssyncset.done $0x0  }
0x1e: {  	s20 =	simm.s32 $0x100;
	s9 =	rddreg [dreg:$0x6];
	[sflag:s8] =	ssyncadd.s32 $0xFFFFFF80  }
0x1f: {  	[tilespmem:s20], [sflag:$0xA] =	stream.linear.gather [hbm4b:s9+s4], $0x80, $0x38;
	[tilespmem:$0x14200] =	vst v63  }
0x20: {  	_ =	swait.ge [sflag:s8], $0x80  }
0x21: {  	[sflag:s8] =	ssyncset.done $0x0  }
0x22: {  	s22 =	simm.s32 $0x180;
	s21 =	rddreg [dreg:$0x7];
	[sflag:s8] =	ssyncadd.s32 $0xFFFFFF80  }
0x23: {  	[tilespmem:s22], [sflag:$0xA] =	stream.linear.gather [hbm4b:s21+s4], $0x80, $0x38;
	[tilespmem:$0x14200] =	vst v63  }
0x24: {  	_ =	swait.ge [sflag:s8], $0x80  }
0x25: {  	[sflag:s8] =	ssyncset.done $0x0  }
0x26: {  	s9 =	simm.s32 $0x200;
	[sflag:s8] =	ssyncadd.s32 $0xFFFFFF80;
	s8 =	rddreg [dreg:$0x8]  }
0x27: {  	[tilespmem:s9], [sflag:$0x9] =	stream.linear.gather [hbm4b:s8+s4], $0x4000, $0x38;
	[tilespmem:$0x14200] =	vst v63  }
0x28: {  	v3 =	vld [tilespmem:$0x0];
	_ =	sdelay $0x2  }
0x29: {  	v0 =	vld [tilespmem:$0x1FFE0];
	_ =	sdelay $0x1  }
0x2a: {  	v4 =	vshll.u32 v3, $0x3  }
0x2b: {  	v3 =	vand.u32 $0x7, v3;
	v4 =	vand.u32 $0xFFFFFFC0, v4  }
0x2c: {  	v3 =	vor.u32 v3, v4  }
0x2d: {  	v4 =	vperm.xlane v3, v0;
	_ =	sdelay $0x1  }
0x2e: {  	v4 =	vadd.s32 v1, v4  }
0x2f: {  	v2 =	vld [tilespmem:$0x1FFF0];
	_ =	sdelay $0x3  }
0x30: {  	[tilespmem:s24], [sflag:$0x1] =	stream.indirect_vreg.gather [hbm4b:s1+s4], $0x80, v4, vm0, $0xb8;
	[tilespmem:$0x14200] =	vst v63  }
0x31: {  	s20 =	simm.s32 $0x4A00;
	v3 =	vperm.xlane v3, v2  }
0x32: {  	[tilespmem:s20], [sflag:$0x1] =	stream.indirect_vreg.gather [hbm4b:s15+s4], $0x80, v4, vm0, $0xb8;
	[tilespmem:$0x14200] =	vst v63  }
0x33: {  	s21 =	simm.s32 $0x5200;
	v3 =	vadd.s32 v1, v3  }
0x34: {  	[tilespmem:s21], [sflag:$0x1] =	stream.indirect_vreg.gather [hbm4b:s16+s4], $0x80, v4, vm0, $0xb8;
	[tilespmem:$0x14200] =	vst v63  }
0x35: {  	s22 =	simm.s32 $0x5A00  }
0x36: {  	[tilespmem:s22], [sflag:$0x1] =	stream.indirect_vreg.gather [hbm4b:s17+s4], $0x80, v4, vm0, $0xb8;
	[tilespmem:$0x14200] =	vst v63  }
0x37: {  	s8 =	simm.s32 $0x6200  }
0x38: {  	[tilespmem:s8], [sflag:$0x1] =	stream.indirect_vreg.gather [hbm4b:s1+s4], $0x80, v3, vm0, $0xb8;
	[tilespmem:$0x14200] =	vst v63  }
0x39: {  	s9 =	simm.s32 $0x6A00  }
0x3a: {  	[tilespmem:s9], [sflag:$0x1] =	stream.indirect_vreg.gather [hbm4b:s15+s4], $0x80, v3, vm0, $0xb8;
	[tilespmem:$0x14200] =	vst v63  }
0x3b: {  	s20 =	simm.s32 $0x7200  }
0x3c: {  	[tilespmem:s20], [sflag:$0x1] =	stream.indirect_vreg.gather [hbm4b:s16+s4], $0x80, v3, vm0, $0xb8;
	[tilespmem:$0x14200] =	vst v63  }
0x3d: {  	s21 =	simm.s32 $0x7A00  }
0x3e: {  	[tilespmem:s21], [sflag:$0x1] =	stream.indirect_vreg.gather [hbm4b:s17+s4], $0x80, v3, vm0, $0xb8;
	[tilespmem:$0x14200] =	vst v63  }
0x3f: {  	v3 =	vld [tilespmem:$0x80];
	_ =	sdelay $0x4  }
0x40: {  	v61 =	vshll.u32 v3, $0x3  }
0x41: {  	v3 =	vand.u32 $0x7, v3;
	v4 =	vand.u32 $0xFFFFFFC0, v61  }
0x42: {  	v3 =	vor.u32 v3, v4  }
0x43: {  	v4 =	vperm.xlane v3, v0;
	_ =	sdelay $0x1  }
0x44: {  	v4 =	vadd.s32 v1, v4;
	_ =	sdelay $0x4  }
0x45: {  	[tilespmem:s3], [sflag:$0x2] =	stream.indirect_vreg.gather [hbm4b:s1+s4], $0x80, v4, vm0, $0xb8;
	[tilespmem:$0x14200] =	vst v63  }
0x46: {  	s22 =	simm.s32 $0x8A00;
	v3 =	vperm.xlane v3, v2  }
0x47: {  	[tilespmem:s22], [sflag:$0x2] =	stream.indirect_vreg.gather [hbm4b:s15+s4], $0x80, v4, vm0, $0xb8;
	[tilespmem:$0x14200] =	vst v63  }
0x48: {  	s8 =	simm.s32 $0x9200;
	v3 =	vadd.s32 v1, v3  }
0x49: {  	[tilespmem:s8], [sflag:$0x2] =	stream.indirect_vreg.gather [hbm4b:s16+s4], $0x80, v4, vm0, $0xb8;
	[tilespmem:$0x14200] =	vst v63  }
0x4a: {  	s9 =	simm.s32 $0x9A00  }
0x4b: {  	[tilespmem:s9], [sflag:$0x2] =	stream.indirect_vreg.gather [hbm4b:s17+s4], $0x80, v4, vm0, $0xb8;
	[tilespmem:$0x14200] =	vst v63  }
0x4c: {  	s20 =	simm.s32 $0xA200  }
0x4d: {  	[tilespmem:s20], [sflag:$0x2] =	stream.indirect_vreg.gather [hbm4b:s1+s4], $0x80, v3, vm0, $0xb8;
	[tilespmem:$0x14200] =	vst v63  }
0x4e: {  	s21 =	simm.s32 $0xAA00  }
0x4f: {  	[tilespmem:s21], [sflag:$0x2] =	stream.indirect_vreg.gather [hbm4b:s15+s4], $0x80, v3, vm0, $0xb8;
	[tilespmem:$0x14200] =	vst v63  }
0x50: {  	s22 =	simm.s32 $0xB200  }
0x51: {  	[tilespmem:s22], [sflag:$0x2] =	stream.indirect_vreg.gather [hbm4b:s16+s4], $0x80, v3, vm0, $0xb8;
	[tilespmem:$0x14200] =	vst v63  }
0x52: {  	s8 =	simm.s32 $0xBA00  }
0x53: {  	[tilespmem:s8], [sflag:$0x2] =	stream.indirect_vreg.gather [hbm4b:s17+s4], $0x80, v3, vm0, $0xb8;
	[tilespmem:$0x14200] =	vst v63  }
0x54: {  	v3 =	vld [tilespmem:$0x100];
	_ =	sdelay $0x4  }
0x55: {  	v62 =	vshll.u32 v3, $0x3  }
0x56: {  	v3 =	vand.u32 $0x7, v3;
	v4 =	vand.u32 $0xFFFFFFC0, v62  }
0x57: {  	v3 =	vor.u32 v3, v4  }
0x58: {  	v4 =	vperm.xlane v3, v0;
	_ =	sdelay $0x1  }
0x59: {  	v4 =	vadd.s32 v1, v4;
	_ =	sdelay $0x4  }
0x5a: {  	[tilespmem:s14], [sflag:$0x3] =	stream.indirect_vreg.gather [hbm4b:s1+s4], $0x80, v4, vm0, $0xb8;
	[tilespmem:$0x14200] =	vst v63  }
0x5b: {  	s9 =	simm.s32 $0xCA00;
	v3 =	vperm.xlane v3, v2  }
0x5c: {  	[tilespmem:s9], [sflag:$0x3] =	stream.indirect_vreg.gather [hbm4b:s15+s4], $0x80, v4, vm0, $0xb8;
	[tilespmem:$0x14200] =	vst v63  }
0x5d: {  	s20 =	simm.s32 $0xD200;
	v3 =	vadd.s32 v1, v3  }
0x5e: {  	[tilespmem:s20], [sflag:$0x3] =	stream.indirect_vreg.gather [hbm4b:s16+s4], $0x80, v4, vm0, $0xb8;
	[tilespmem:$0x14200] =	vst v63  }
0x5f: {  	s21 =	simm.s32 $0xDA00  }
0x60: {  	[tilespmem:s21], [sflag:$0x3] =	stream.indirect_vreg.gather [hbm4b:s17+s4], $0x80, v4, vm0, $0xb8;
	[tilespmem:$0x14200] =	vst v63  }
0x61: {  	s22 =	simm.s32 $0xE200  }
0x62: {  	[tilespmem:s22], [sflag:$0x3] =	stream.indirect_vreg.gather [hbm4b:s1+s4], $0x80, v3, vm0, $0xb8;
	[tilespmem:$0x14200] =	vst v63  }
0x63: {  	s8 =	simm.s32 $0xEA00  }
0x64: {  	[tilespmem:s8], [sflag:$0x3] =	stream.indirect_vreg.gather [hbm4b:s15+s4], $0x80, v3, vm0, $0xb8;
	[tilespmem:$0x14200] =	vst v63  }
0x65: {  	s9 =	simm.s32 $0xF200  }
0x66: {  	[tilespmem:s9], [sflag:$0x3] =	stream.indirect_vreg.gather [hbm4b:s16+s4], $0x80, v3, vm0, $0xb8;
	[tilespmem:$0x14200] =	vst v63  }
0x67: {  	s20 =	simm.s32 $0xFA00  }
0x68: {  	[tilespmem:s20], [sflag:$0x3] =	stream.indirect_vreg.gather [hbm4b:s17+s4], $0x80, v3, vm0, $0xb8;
	[tilespmem:$0x14200] =	vst v63  }
0x69: {  	v3 =	vld [tilespmem:$0x180];
	_ =	sdelay $0x4  }
0x6a: {  	v63 =	vshll.u32 v3, $0x3  }
0x6b: {  	v3 =	vand.u32 $0x7, v3;
	v4 =	vand.u32 $0xFFFFFFC0, v63  }
0x6c: {  	v3 =	vor.u32 v3, v4  }
0x6d: {  	v4 =	vperm.xlane v3, v0;
	_ =	sdelay $0x1  }
0x6e: {  	v4 =	vadd.s32 v1, v4;
	_ =	sdelay $0x4  }
0x6f: {  	[tilespmem:s30], [sflag:$0x4] =	stream.indirect_vreg.gather [hbm4b:s1+s4], $0x80, v4, vm0, $0xb8;
	[tilespmem:$0x14200] =	vst v63  }
0x70: {  	s21 =	simm.s32 $0x10A00;
	v3 =	vperm.xlane v3, v2  }
0x71: {  	[tilespmem:s21], [sflag:$0x4] =	stream.indirect_vreg.gather [hbm4b:s15+s4], $0x80, v4, vm0, $0xb8;
	[tilespmem:$0x14200] =	vst v63  }
0x72: {  	s22 =	simm.s32 $0x11200;
	v3 =	vadd.s32 v1, v3  }
0x73: {  	[tilespmem:s22], [sflag:$0x4] =	stream.indirect_vreg.gather [hbm4b:s16+s4], $0x80, v4, vm0, $0xb8;
	[tilespmem:$0x14200] =	vst v63  }
0x74: {  	s8 =	simm.s32 $0x11A00  }
0x75: {  	[tilespmem:s8], [sflag:$0x4] =	stream.indirect_vreg.gather [hbm4b:s17+s4], $0x80, v4, vm0, $0xb8;
	[tilespmem:$0x14200] =	vst v63  }
0x76: {  	s9 =	simm.s32 $0x12200  }
0x77: {  	[tilespmem:s9], [sflag:$0x4] =	stream.indirect_vreg.gather [hbm4b:s1+s4], $0x80, v3, vm0, $0xb8;
	[tilespmem:$0x14200] =	vst v63  }
0x78: {  	s20 =	simm.s32 $0x12A00  }
0x79: {  	[tilespmem:s20], [sflag:$0x4] =	stream.indirect_vreg.gather [hbm4b:s15+s4], $0x80, v3, vm0, $0xb8;
	[tilespmem:$0x14200] =	vst v63  }
0x7a: {  	s21 =	simm.s32 $0x13200  }
0x7b: {  	[tilespmem:s21], [sflag:$0x4] =	stream.indirect_vreg.gather [hbm4b:s16+s4], $0x80, v3, vm0, $0xb8;
	[tilespmem:$0x14200] =	vst v63  }
0x7c: {  	s31 =	simm.s32 $0x0;
	s22 =	simm.s32 $0x13A00  }
0x7d: {  	[tilespmem:s22], [sflag:$0x4] =	stream.indirect_vreg.gather [hbm4b:s17+s4], $0x80, v3, vm0, $0xb8;
	[tilespmem:$0x14200] =	vst v63  }
.LBB2_2:
0x7e: {  	_ =	swait.ge [sflag:s12], $0x4000  }
0x7f: {  	[sflag:s12] =	ssyncset.done $0x0  }
0x80: {  	[sflag:s12] =	ssyncadd.s32 $0xFFFFC000  }
0x81: {  	s0 =	simm.s32 $0x0;
	_ =	swait.ge [sflag:s13], $0x4000  }
0x82: {  	s8 =	sand.u32 $0x2000, s0;
	s0 =	sand.u32 $0x380, s0;
	[sflag:s13] =	ssyncset.done $0x0  }
0x83: {  	s0 =	sor.u32 s0, s8;
	[sflag:s13] =	ssyncadd.s32 $0xFFFFC000  }
0x84: {  	v3 =	vld [tilespmem:s0+$0x1E70]  }
0x85: {  	v4 =	vld [tilespmem:s0+$0x200]  }
0x86: {  	v5 =	vld [tilespmem:s0+$0x210]  }
0x87: {  	v6 =	vld [tilespmem:s0+$0x220]  }
0x88: {  	v7 =	vld [tilespmem:s0+$0x230]  }
0x89: {  	v8 =	vld [tilespmem:s0+$0x240]  }
0x8a: {  	v9 =	vld [tilespmem:s0+$0x250]  }
0x8b: {  	v10 =	vld [tilespmem:s0+$0x260]  }
0x8c: {  	v11 =	vld [tilespmem:s0+$0x270]  }
0x8d: {  	v12 =	vld [tilespmem:s0+$0x600]  }
0x8e: {  	v13 =	vld [tilespmem:s0+$0x610]  }
0x8f: {  	v14 =	vld [tilespmem:s0+$0x620]  }
0x90: {  	v15 =	vld [tilespmem:s0+$0x630]  }
0x91: {  	v16 =	vld [tilespmem:s0+$0x640]  }
0x92: {  	v17 =	vld [tilespmem:s0+$0x650]  }
0x93: {  	v18 =	vld [tilespmem:s0+$0x660]  }
0x94: {  	v19 =	vld [tilespmem:s0+$0x670]  }
0x95: {  	v20 =	vld [tilespmem:s0+$0xA00]  }
0x96: {  	v21 =	vld [tilespmem:s0+$0xA10]  }
0x97: {  	v22 =	vld [tilespmem:s0+$0xA20]  }
0x98: {  	v23 =	vld [tilespmem:s0+$0xA30]  }
0x99: {  	v24 =	vld [tilespmem:s0+$0xA40]  }
0x9a: {  	v25 =	vld [tilespmem:s0+$0xA50]  }
0x9b: {  	v26 =	vld [tilespmem:s0+$0xA60]  }
0x9c: {  	v27 =	vld [tilespmem:s0+$0xA70]  }
0x9d: {  	v28 =	vld [tilespmem:s0+$0xE00]  }
0x9e: {  	v29 =	vld [tilespmem:s0+$0xE10]  }
0x9f: {  	v30 =	vld [tilespmem:s0+$0xE20]  }
0xa0: {  	v31 =	vld [tilespmem:s0+$0xE30]  }
0xa1: {  	v32 =	vld [tilespmem:s0+$0xE40]  }
0xa2: {  	v33 =	vld [tilespmem:s0+$0xE50]  }
0xa3: {  	v34 =	vld [tilespmem:s0+$0xE60]  }
0xa4: {  	v35 =	vld [tilespmem:s0+$0xE70]  }
0xa5: {  	v36 =	vld [tilespmem:s0+$0x1200]  }
0xa6: {  	v37 =	vld [tilespmem:s0+$0x1210]  }
0xa7: {  	v38 =	vld [tilespmem:s0+$0x1220]  }
0xa8: {  	v39 =	vld [tilespmem:s0+$0x1230]  }
0xa9: {  	v40 =	vld [tilespmem:s0+$0x1240]  }
0xaa: {  	v41 =	vld [tilespmem:s0+$0x1250]  }
0xab: {  	v42 =	vld [tilespmem:s0+$0x1260]  }
0xac: {  	v43 =	vld [tilespmem:s0+$0x1270]  }
0xad: {  	v44 =	vld [tilespmem:s0+$0x1600]  }
0xae: {  	v45 =	vld [tilespmem:s0+$0x1610]  }
0xaf: {  	v46 =	vld [tilespmem:s0+$0x1620]  }
0xb0: {  	v47 =	vld [tilespmem:s0+$0x1630]  }
0xb1: {  	v48 =	vld [tilespmem:s0+$0x1640]  }
0xb2: {  	v49 =	vld [tilespmem:s0+$0x1650]  }
0xb3: {  	v50 =	vld [tilespmem:s0+$0x1660]  }
0xb4: {  	v51 =	vld [tilespmem:s0+$0x1670]  }
0xb5: {  	v52 =	vld [tilespmem:s0+$0x1A00]  }
0xb6: {  	v53 =	vld [tilespmem:s0+$0x1A10]  }
0xb7: {  	v54 =	vld [tilespmem:s0+$0x1A20]  }
0xb8: {  	v55 =	vld [tilespmem:s0+$0x1A30]  }
0xb9: {  	v56 =	vld [tilespmem:s0+$0x1A40]  }
0xba: {  	v57 =	vld [tilespmem:s0+$0x1A50]  }
0xbb: {  	v58 =	vld [tilespmem:s0+$0x1A60]  }
0xbc: {  	v59 =	vld [tilespmem:s0+$0x1A70]  }
0xbd: {  	v60 =	vld [tilespmem:s0+$0x1E00]  }
0xbe: {  	v61 =	vld [tilespmem:s0+$0x1E10]  }
0xbf: {  	v62 =	vld [tilespmem:s0+$0x1E20]  }
0xc0: {  	v63 =	vld [tilespmem:s0+$0x1E30]  }
0xc1: {  	v0 =	vld [tilespmem:s0+$0x1E40]  }
0xc2: {  	v2 =	vld [tilespmem:s0+$0x1E50]  }
0xc3: {  	[tilespmem:s0+$0x5E70] =	vst.add.f32.msk $0xffff, v3  }
0xc4: {  	v3 =	vld [tilespmem:s0+$0x1E60]  }
0xc5: {  	[tilespmem:s0+$0x4200] =	vst.add.f32.msk $0xffff, v4  }
0xc6: {  	[tilespmem:s0+$0x4210] =	vst.add.f32.msk $0xffff, v5  }
0xc7: {  	[tilespmem:s0+$0x4220] =	vst.add.f32.msk $0xffff, v6  }
0xc8: {  	[tilespmem:s0+$0x4230] =	vst.add.f32.msk $0xffff, v7  }
0xc9: {  	[tilespmem:s0+$0x4240] =	vst.add.f32.msk $0xffff, v8  }
0xca: {  	[tilespmem:s0+$0x4250] =	vst.add.f32.msk $0xffff, v9  }
0xcb: {  	[tilespmem:s0+$0x4260] =	vst.add.f32.msk $0xffff, v10  }
0xcc: {  	[tilespmem:s0+$0x4270] =	vst.add.f32.msk $0xffff, v11  }
0xcd: {  	[tilespmem:s0+$0x4600] =	vst.add.f32.msk $0xffff, v12  }
0xce: {  	[tilespmem:s0+$0x4610] =	vst.add.f32.msk $0xffff, v13  }
0xcf: {  	[tilespmem:s0+$0x4620] =	vst.add.f32.msk $0xffff, v14  }
0xd0: {  	[tilespmem:s0+$0x4630] =	vst.add.f32.msk $0xffff, v15  }
0xd1: {  	[tilespmem:s0+$0x4640] =	vst.add.f32.msk $0xffff, v16  }
0xd2: {  	[tilespmem:s0+$0x4650] =	vst.add.f32.msk $0xffff, v17  }
0xd3: {  	[tilespmem:s0+$0x4660] =	vst.add.f32.msk $0xffff, v18  }
0xd4: {  	[tilespmem:s0+$0x4670] =	vst.add.f32.msk $0xffff, v19  }
0xd5: {  	[tilespmem:s0+$0x4A00] =	vst.add.f32.msk $0xffff, v20  }
0xd6: {  	[tilespmem:s0+$0x4A10] =	vst.add.f32.msk $0xffff, v21  }
0xd7: {  	[tilespmem:s0+$0x4A20] =	vst.add.f32.msk $0xffff, v22  }
0xd8: {  	[tilespmem:s0+$0x4A30] =	vst.add.f32.msk $0xffff, v23  }
0xd9: {  	[tilespmem:s0+$0x4A40] =	vst.add.f32.msk $0xffff, v24  }
0xda: {  	[tilespmem:s0+$0x4A50] =	vst.add.f32.msk $0xffff, v25  }
0xdb: {  	[tilespmem:s0+$0x4A60] =	vst.add.f32.msk $0xffff, v26  }
0xdc: {  	[tilespmem:s0+$0x4A70] =	vst.add.f32.msk $0xffff, v27  }
0xdd: {  	[tilespmem:s0+$0x4E00] =	vst.add.f32.msk $0xffff, v28  }
0xde: {  	[tilespmem:s0+$0x4E10] =	vst.add.f32.msk $0xffff, v29  }
0xdf: {  	[tilespmem:s0+$0x4E20] =	vst.add.f32.msk $0xffff, v30  }
0xe0: {  	[tilespmem:s0+$0x4E30] =	vst.add.f32.msk $0xffff, v31  }
0xe1: {  	[tilespmem:s0+$0x4E40] =	vst.add.f32.msk $0xffff, v32  }
0xe2: {  	[tilespmem:s0+$0x4E50] =	vst.add.f32.msk $0xffff, v33  }
0xe3: {  	[tilespmem:s0+$0x4E60] =	vst.add.f32.msk $0xffff, v34  }
0xe4: {  	[tilespmem:s0+$0x4E70] =	vst.add.f32.msk $0xffff, v35  }
0xe5: {  	[tilespmem:s0+$0x5200] =	vst.add.f32.msk $0xffff, v36  }
0xe6: {  	[tilespmem:s0+$0x5210] =	vst.add.f32.msk $0xffff, v37  }
0xe7: {  	[tilespmem:s0+$0x5220] =	vst.add.f32.msk $0xffff, v38  }
0xe8: {  	[tilespmem:s0+$0x5230] =	vst.add.f32.msk $0xffff, v39  }
0xe9: {  	[tilespmem:s0+$0x5240] =	vst.add.f32.msk $0xffff, v40  }
0xea: {  	[tilespmem:s0+$0x5250] =	vst.add.f32.msk $0xffff, v41  }
0xeb: {  	[tilespmem:s0+$0x5260] =	vst.add.f32.msk $0xffff, v42  }
0xec: {  	[tilespmem:s0+$0x5270] =	vst.add.f32.msk $0xffff, v43  }
0xed: {  	[tilespmem:s0+$0x5600] =	vst.add.f32.msk $0xffff, v44  }
0xee: {  	[tilespmem:s0+$0x5610] =	vst.add.f32.msk $0xffff, v45  }
0xef: {  	[tilespmem:s0+$0x5620] =	vst.add.f32.msk $0xffff, v46  }
0xf0: {  	[tilespmem:s0+$0x5630] =	vst.add.f32.msk $0xffff, v47  }
0xf1: {  	[tilespmem:s0+$0x5640] =	vst.add.f32.msk $0xffff, v48  }
0xf2: {  	[tilespmem:s0+$0x5650] =	vst.add.f32.msk $0xffff, v49  }
0xf3: {  	[tilespmem:s0+$0x5660] =	vst.add.f32.msk $0xffff, v50  }
0xf4: {  	[tilespmem:s0+$0x5670] =	vst.add.f32.msk $0xffff, v51  }
0xf5: {  	[tilespmem:s0+$0x5A00] =	vst.add.f32.msk $0xffff, v52  }
0xf6: {  	[tilespmem:s0+$0x5A10] =	vst.add.f32.msk $0xffff, v53  }
0xf7: {  	[tilespmem:s0+$0x5A20] =	vst.add.f32.msk $0xffff, v54  }
0xf8: {  	[tilespmem:s0+$0x5A30] =	vst.add.f32.msk $0xffff, v55  }
0xf9: {  	[tilespmem:s0+$0x5A40] =	vst.add.f32.msk $0xffff, v56  }
0xfa: {  	[tilespmem:s0+$0x5A50] =	vst.add.f32.msk $0xffff, v57  }
0xfb: {  	[tilespmem:s0+$0x5A60] =	vst.add.f32.msk $0xffff, v58  }
0xfc: {  	[tilespmem:s0+$0x5A70] =	vst.add.f32.msk $0xffff, v59  }
0xfd: {  	[tilespmem:s0+$0x5E00] =	vst.add.f32.msk $0xffff, v60  }
0xfe: {  	[tilespmem:s0+$0x5E10] =	vst.add.f32.msk $0xffff, v61  }
0xff: {  	[tilespmem:s0+$0x5E20] =	vst.add.f32.msk $0xffff, v62  }
0x100: {  	[tilespmem:s0+$0x5E30] =	vst.add.f32.msk $0xffff, v63  }
0x101: {  	s22 =	simm.s32 $0x400;
	s20 =	simm.s32 $0x80;
	[tilespmem:s0+$0x5E40] =	vst.add.f32.msk $0xffff, v0  }
0x102: {  	s21 =	simm.s32 $0x800;
	s22 =	sand.u32 $0x2000, s22;
	s8 =	sand.u32 $0x380, s20;
	[tilespmem:s0+$0x5E50] =	vst.add.f32.msk $0xffff, v2  }
.LBB2_3:
0x103: {  	p0 =	sne.s32 s21, $0x3C00;
	[tilespmem:s0+$0x5E60] =	vst.add.f32.msk $0xffff, v3;
	s0 =	sor.u32 s8, s22  }
0x104: {  	v0 =	vld [tilespmem:s0+$0x1E70]  }
0x105: {  	v2 =	vld [tilespmem:s0+$0x200]  }
0x106: {  	v5 =	vld [tilespmem:s0+$0x210]  }
0x107: {  	v6 =	vld [tilespmem:s0+$0x220]  }
0x108: {  	v7 =	vld [tilespmem:s0+$0x230]  }
0x109: {  	[tilespmem:s0+$0x5E70] =	vst.add.f32.msk $0xffff, v0  }
0x10a: {  	v0 =	vld [tilespmem:s0+$0x240]  }
0x10b: {  	v8 =	vld [tilespmem:s0+$0x250]  }
0x10c: {  	v9 =	vld [tilespmem:s0+$0x260]  }
0x10d: {  	v10 =	vld [tilespmem:s0+$0x270]  }
0x10e: {  	v11 =	vld [tilespmem:s0+$0x600]  }
0x10f: {  	v12 =	vld [tilespmem:s0+$0x610]  }
0x110: {  	v13 =	vld [tilespmem:s0+$0x620]  }
0x111: {  	v14 =	vld [tilespmem:s0+$0x630]  }
0x112: {  	v15 =	vld [tilespmem:s0+$0x640]  }
0x113: {  	v16 =	vld [tilespmem:s0+$0x650]  }
0x114: {  	v17 =	vld [tilespmem:s0+$0x660]  }
0x115: {  	v18 =	vld [tilespmem:s0+$0x670]  }
0x116: {  	v19 =	vld [tilespmem:s0+$0xA00]  }
0x117: {  	v20 =	vld [tilespmem:s0+$0xA10]  }
0x118: {  	v21 =	vld [tilespmem:s0+$0xA20]  }
0x119: {  	v22 =	vld [tilespmem:s0+$0xA30]  }
0x11a: {  	v23 =	vld [tilespmem:s0+$0xA40]  }
0x11b: {  	v24 =	vld [tilespmem:s0+$0xA50]  }
0x11c: {  	v25 =	vld [tilespmem:s0+$0xA60]  }
0x11d: {  	v26 =	vld [tilespmem:s0+$0xA70]  }
0x11e: {  	v27 =	vld [tilespmem:s0+$0xE00]  }
0x11f: {  	v28 =	vld [tilespmem:s0+$0xE10]  }
0x120: {  	v29 =	vld [tilespmem:s0+$0xE20]  }
0x121: {  	v30 =	vld [tilespmem:s0+$0xE30]  }
0x122: {  	v31 =	vld [tilespmem:s0+$0xE40]  }
0x123: {  	v32 =	vld [tilespmem:s0+$0xE50]  }
0x124: {  	v33 =	vld [tilespmem:s0+$0xE60]  }
0x125: {  	v34 =	vld [tilespmem:s0+$0xE70]  }
0x126: {  	v35 =	vld [tilespmem:s0+$0x1200]  }
0x127: {  	v36 =	vld [tilespmem:s0+$0x1210]  }
0x128: {  	v37 =	vld [tilespmem:s0+$0x1220]  }
0x129: {  	v38 =	vld [tilespmem:s0+$0x1230]  }
0x12a: {  	v39 =	vld [tilespmem:s0+$0x1240]  }
0x12b: {  	v40 =	vld [tilespmem:s0+$0x1250]  }
0x12c: {  	v41 =	vld [tilespmem:s0+$0x1260]  }
0x12d: {  	v42 =	vld [tilespmem:s0+$0x1270]  }
0x12e: {  	v43 =	vld [tilespmem:s0+$0x1600]  }
0x12f: {  	v44 =	vld [tilespmem:s0+$0x1610]  }
0x130: {  	v45 =	vld [tilespmem:s0+$0x1620]  }
0x131: {  	v46 =	vld [tilespmem:s0+$0x1630]  }
0x132: {  	v47 =	vld [tilespmem:s0+$0x1640]  }
0x133: {  	v48 =	vld [tilespmem:s0+$0x1650]  }
0x134: {  	v49 =	vld [tilespmem:s0+$0x1660]  }
0x135: {  	v50 =	vld [tilespmem:s0+$0x1670]  }
0x136: {  	v51 =	vld [tilespmem:s0+$0x1A00]  }
0x137: {  	v52 =	vld [tilespmem:s0+$0x1A10]  }
0x138: {  	v53 =	vld [tilespmem:s0+$0x1A20]  }
0x139: {  	v54 =	vld [tilespmem:s0+$0x1A30]  }
0x13a: {  	v55 =	vld [tilespmem:s0+$0x1A40]  }
0x13b: {  	v56 =	vld [tilespmem:s0+$0x1A50]  }
0x13c: {  	v57 =	vld [tilespmem:s0+$0x1A60]  }
0x13d: {  	v58 =	vld [tilespmem:s0+$0x1A70]  }
0x13e: {  	v59 =	vld [tilespmem:s0+$0x1E00]  }
0x13f: {  	v60 =	vld [tilespmem:s0+$0x1E10]  }
0x140: {  	v61 =	vld [tilespmem:s0+$0x1E20]  }
0x141: {  	v62 =	vld [tilespmem:s0+$0x1E30]  }
0x142: {  	v63 =	vld [tilespmem:s0+$0x1E40]  }
0x143: {  	v4 =	vld [tilespmem:s0+$0x1E50]  }
0x144: {  	v3 =	vld [tilespmem:s0+$0x1E60]  }
0x145: {  	[tilespmem:s0+$0x4200] =	vst.add.f32.msk $0xffff, v2  }
0x146: {  	[tilespmem:s0+$0x4210] =	vst.add.f32.msk $0xffff, v5  }
0x147: {  	[tilespmem:s0+$0x4220] =	vst.add.f32.msk $0xffff, v6  }
0x148: {  	[tilespmem:s0+$0x4230] =	vst.add.f32.msk $0xffff, v7  }
0x149: {  	[tilespmem:s0+$0x4240] =	vst.add.f32.msk $0xffff, v0  }
0x14a: {  	[tilespmem:s0+$0x4250] =	vst.add.f32.msk $0xffff, v8  }
0x14b: {  	[tilespmem:s0+$0x4260] =	vst.add.f32.msk $0xffff, v9  }
0x14c: {  	[tilespmem:s0+$0x4270] =	vst.add.f32.msk $0xffff, v10  }
0x14d: {  	[tilespmem:s0+$0x4600] =	vst.add.f32.msk $0xffff, v11  }
0x14e: {  	[tilespmem:s0+$0x4610] =	vst.add.f32.msk $0xffff, v12  }
0x14f: {  	[tilespmem:s0+$0x4620] =	vst.add.f32.msk $0xffff, v13  }
0x150: {  	[tilespmem:s0+$0x4630] =	vst.add.f32.msk $0xffff, v14  }
0x151: {  	[tilespmem:s0+$0x4640] =	vst.add.f32.msk $0xffff, v15  }
0x152: {  	[tilespmem:s0+$0x4650] =	vst.add.f32.msk $0xffff, v16  }
0x153: {  	[tilespmem:s0+$0x4660] =	vst.add.f32.msk $0xffff, v17  }
0x154: {  	[tilespmem:s0+$0x4670] =	vst.add.f32.msk $0xffff, v18  }
0x155: {  	[tilespmem:s0+$0x4A00] =	vst.add.f32.msk $0xffff, v19  }
0x156: {  	[tilespmem:s0+$0x4A10] =	vst.add.f32.msk $0xffff, v20  }
0x157: {  	[tilespmem:s0+$0x4A20] =	vst.add.f32.msk $0xffff, v21  }
0x158: {  	[tilespmem:s0+$0x4A30] =	vst.add.f32.msk $0xffff, v22  }
0x159: {  	[tilespmem:s0+$0x4A40] =	vst.add.f32.msk $0xffff, v23  }
0x15a: {  	[tilespmem:s0+$0x4A50] =	vst.add.f32.msk $0xffff, v24  }
0x15b: {  	[tilespmem:s0+$0x4A60] =	vst.add.f32.msk $0xffff, v25  }
0x15c: {  	[tilespmem:s0+$0x4A70] =	vst.add.f32.msk $0xffff, v26  }
0x15d: {  	[tilespmem:s0+$0x4E00] =	vst.add.f32.msk $0xffff, v27  }
0x15e: {  	[tilespmem:s0+$0x4E10] =	vst.add.f32.msk $0xffff, v28  }
0x15f: {  	[tilespmem:s0+$0x4E20] =	vst.add.f32.msk $0xffff, v29  }
0x160: {  	[tilespmem:s0+$0x4E30] =	vst.add.f32.msk $0xffff, v30  }
0x161: {  	[tilespmem:s0+$0x4E40] =	vst.add.f32.msk $0xffff, v31  }
0x162: {  	[tilespmem:s0+$0x4E50] =	vst.add.f32.msk $0xffff, v32  }
0x163: {  	[tilespmem:s0+$0x4E60] =	vst.add.f32.msk $0xffff, v33  }
0x164: {  	[tilespmem:s0+$0x4E70] =	vst.add.f32.msk $0xffff, v34  }
0x165: {  	[tilespmem:s0+$0x5200] =	vst.add.f32.msk $0xffff, v35  }
0x166: {  	[tilespmem:s0+$0x5210] =	vst.add.f32.msk $0xffff, v36  }
0x167: {  	[tilespmem:s0+$0x5220] =	vst.add.f32.msk $0xffff, v37  }
0x168: {  	[tilespmem:s0+$0x5230] =	vst.add.f32.msk $0xffff, v38  }
0x169: {  	[tilespmem:s0+$0x5240] =	vst.add.f32.msk $0xffff, v39  }
0x16a: {  	[tilespmem:s0+$0x5250] =	vst.add.f32.msk $0xffff, v40  }
0x16b: {  	[tilespmem:s0+$0x5260] =	vst.add.f32.msk $0xffff, v41  }
0x16c: {  	[tilespmem:s0+$0x5270] =	vst.add.f32.msk $0xffff, v42  }
0x16d: {  	[tilespmem:s0+$0x5600] =	vst.add.f32.msk $0xffff, v43  }
0x16e: {  	[tilespmem:s0+$0x5610] =	vst.add.f32.msk $0xffff, v44  }
0x16f: {  	[tilespmem:s0+$0x5620] =	vst.add.f32.msk $0xffff, v45  }
0x170: {  	[tilespmem:s0+$0x5630] =	vst.add.f32.msk $0xffff, v46  }
0x171: {  	[tilespmem:s0+$0x5640] =	vst.add.f32.msk $0xffff, v47  }
0x172: {  	[tilespmem:s0+$0x5650] =	vst.add.f32.msk $0xffff, v48  }
0x173: {  	[tilespmem:s0+$0x5660] =	vst.add.f32.msk $0xffff, v49  }
0x174: {  	[tilespmem:s0+$0x5670] =	vst.add.f32.msk $0xffff, v50  }
0x175: {  	[tilespmem:s0+$0x5A00] =	vst.add.f32.msk $0xffff, v51  }
0x176: {  	[tilespmem:s0+$0x5A10] =	vst.add.f32.msk $0xffff, v52  }
0x177: {  	[tilespmem:s0+$0x5A20] =	vst.add.f32.msk $0xffff, v53  }
0x178: {  	[tilespmem:s0+$0x5A30] =	vst.add.f32.msk $0xffff, v54  }
0x179: {  	[tilespmem:s0+$0x5A40] =	vst.add.f32.msk $0xffff, v55  }
0x17a: {  	[tilespmem:s0+$0x5A50] =	vst.add.f32.msk $0xffff, v56  }
0x17b: {  	[tilespmem:s0+$0x5A60] =	vst.add.f32.msk $0xffff, v57  }
0x17c: {  	[tilespmem:s0+$0x5A70] =	vst.add.f32.msk $0xffff, v58  }
0x17d: {  	[tilespmem:s0+$0x5E00] =	vst.add.f32.msk $0xffff, v59  }
.Ltmp0:
0x17e: {  	[tilespmem:s0+$0x5E10] =	vst.add.f32.msk $0xffff, v60;
	(pc) =	sbr.rel @p0 .LBB2_3-.Ltmp0, $4  }
0x17f: {  	[tilespmem:s0+$0x5E20] =	vst.add.f32.msk $0xffff, v61  }
0x180: {  	[tilespmem:s0+$0x5E30] =	vst.add.f32.msk $0xffff, v62  }
0x181: {  	s20 =	sadd.s32 $0x80, s20;
	[tilespmem:s0+$0x5E40] =	vst.add.f32.msk $0xffff, v63  }
0x182: {  	s22 =	sand.u32 $0x2000, s21;
	s21 =	sadd.s32 $0x400, s21;
	s8 =	sand.u32 $0x380, s20;
	[tilespmem:s0+$0x5E50] =	vst.add.f32.msk $0xffff, v4  }
0x183: {  	s20 =	sor.u32 s8, s22;
	[tilespmem:s0+$0x5E60] =	vst.add.f32.msk $0xffff, v3  }
0x184: {  	v0 =	vld [tilespmem:s20+$0x1E70]  }
0x185: {  	v2 =	vld [tilespmem:s20+$0x200]  }
0x186: {  	v3 =	vld [tilespmem:s20+$0x210]  }
0x187: {  	v4 =	vld [tilespmem:s20+$0x220]  }
0x188: {  	v5 =	vld [tilespmem:s20+$0x230]  }
0x189: {  	v6 =	vld [tilespmem:s20+$0x250]  }
0x18a: {  	v7 =	vld [tilespmem:s20+$0x260]  }
0x18b: {  	v8 =	vld [tilespmem:s20+$0x270]  }
0x18c: {  	v9 =	vld [tilespmem:s20+$0x600]  }
0x18d: {  	v10 =	vld [tilespmem:s20+$0x610]  }
0x18e: {  	v11 =	vld [tilespmem:s20+$0x620]  }
0x18f: {  	v12 =	vld [tilespmem:s20+$0x630]  }
0x190: {  	v13 =	vld [tilespmem:s20+$0x640]  }
0x191: {  	v14 =	vld [tilespmem:s20+$0x650]  }
0x192: {  	v15 =	vld [tilespmem:s20+$0x660]  }
0x193: {  	v16 =	vld [tilespmem:s20+$0x670]  }
0x194: {  	v17 =	vld [tilespmem:s20+$0xA00]  }
0x195: {  	v18 =	vld [tilespmem:s20+$0xA10]  }
0x196: {  	v19 =	vld [tilespmem:s20+$0xA20]  }
0x197: {  	v20 =	vld [tilespmem:s20+$0xA30]  }
0x198: {  	v21 =	vld [tilespmem:s20+$0xA40]  }
0x199: {  	v22 =	vld [tilespmem:s20+$0xA50]  }
0x19a: {  	v23 =	vld [tilespmem:s20+$0xA60]  }
0x19b: {  	v24 =	vld [tilespmem:s20+$0xA70]  }
0x19c: {  	v25 =	vld [tilespmem:s20+$0xE00]  }
0x19d: {  	v26 =	vld [tilespmem:s20+$0xE10]  }
0x19e: {  	v27 =	vld [tilespmem:s20+$0xE20]  }
0x19f: {  	v28 =	vld [tilespmem:s20+$0xE30]  }
0x1a0: {  	v29 =	vld [tilespmem:s20+$0xE40]  }
0x1a1: {  	v30 =	vld [tilespmem:s20+$0xE50]  }
0x1a2: {  	v31 =	vld [tilespmem:s20+$0xE60]  }
0x1a3: {  	v32 =	vld [tilespmem:s20+$0xE70]  }
0x1a4: {  	v33 =	vld [tilespmem:s20+$0x1200]  }
0x1a5: {  	v34 =	vld [tilespmem:s20+$0x1210]  }
0x1a6: {  	v35 =	vld [tilespmem:s20+$0x1220]  }
0x1a7: {  	v36 =	vld [tilespmem:s20+$0x1230]  }
0x1a8: {  	v37 =	vld [tilespmem:s20+$0x1240]  }
0x1a9: {  	v38 =	vld [tilespmem:s20+$0x1250]  }
0x1aa: {  	v39 =	vld [tilespmem:s20+$0x1260]  }
0x1ab: {  	v40 =	vld [tilespmem:s20+$0x1270]  }
0x1ac: {  	v41 =	vld [tilespmem:s20+$0x1600]  }
0x1ad: {  	v42 =	vld [tilespmem:s20+$0x1610]  }
0x1ae: {  	v43 =	vld [tilespmem:s20+$0x1620]  }
0x1af: {  	v44 =	vld [tilespmem:s20+$0x1630]  }
0x1b0: {  	v45 =	vld [tilespmem:s20+$0x1640]  }
0x1b1: {  	v46 =	vld [tilespmem:s20+$0x1650]  }
0x1b2: {  	v47 =	vld [tilespmem:s20+$0x1660]  }
0x1b3: {  	v48 =	vld [tilespmem:s20+$0x1670]  }
0x1b4: {  	v49 =	vld [tilespmem:s20+$0x1A00]  }
0x1b5: {  	v50 =	vld [tilespmem:s20+$0x1A10]  }
0x1b6: {  	v51 =	vld [tilespmem:s20+$0x1A20]  }
0x1b7: {  	v52 =	vld [tilespmem:s20+$0x1A30]  }
0x1b8: {  	v53 =	vld [tilespmem:s20+$0x1A40]  }
0x1b9: {  	v54 =	vld [tilespmem:s20+$0x1A50]  }
0x1ba: {  	v55 =	vld [tilespmem:s20+$0x1A60]  }
0x1bb: {  	v56 =	vld [tilespmem:s20+$0x1A70]  }
0x1bc: {  	v57 =	vld [tilespmem:s20+$0x1E00]  }
0x1bd: {  	v58 =	vld [tilespmem:s20+$0x1E10]  }
0x1be: {  	v59 =	vld [tilespmem:s20+$0x1E20]  }
0x1bf: {  	v60 =	vld [tilespmem:s20+$0x1E30]  }
0x1c0: {  	v61 =	vld [tilespmem:s20+$0x1E40]  }
0x1c1: {  	v62 =	vld [tilespmem:s20+$0x1E50]  }
0x1c2: {  	v63 =	vld [tilespmem:s20+$0x1E60]  }
0x1c3: {  	[tilespmem:s20+$0x5E70] =	vst.add.f32.msk $0xffff, v0  }
0x1c4: {  	v0 =	vld [tilespmem:s20+$0x240]  }
0x1c5: {  	[tilespmem:s20+$0x4200] =	vst.add.f32.msk $0xffff, v2  }
0x1c6: {  	[tilespmem:s20+$0x4210] =	vst.add.f32.msk $0xffff, v3  }
0x1c7: {  	[tilespmem:s20+$0x4220] =	vst.add.f32.msk $0xffff, v4  }
0x1c8: {  	[tilespmem:s20+$0x4230] =	vst.add.f32.msk $0xffff, v5  }
0x1c9: {  	[tilespmem:s20+$0x4250] =	vst.add.f32.msk $0xffff, v6  }
0x1ca: {  	[tilespmem:s20+$0x4260] =	vst.add.f32.msk $0xffff, v7  }
0x1cb: {  	[tilespmem:s20+$0x4270] =	vst.add.f32.msk $0xffff, v8  }
0x1cc: {  	[tilespmem:s20+$0x4600] =	vst.add.f32.msk $0xffff, v9  }
0x1cd: {  	[tilespmem:s20+$0x4610] =	vst.add.f32.msk $0xffff, v10  }
0x1ce: {  	[tilespmem:s20+$0x4620] =	vst.add.f32.msk $0xffff, v11  }
0x1cf: {  	[tilespmem:s20+$0x4630] =	vst.add.f32.msk $0xffff, v12  }
0x1d0: {  	[tilespmem:s20+$0x4640] =	vst.add.f32.msk $0xffff, v13  }
0x1d1: {  	[tilespmem:s20+$0x4650] =	vst.add.f32.msk $0xffff, v14  }
0x1d2: {  	[tilespmem:s20+$0x4660] =	vst.add.f32.msk $0xffff, v15  }
0x1d3: {  	[tilespmem:s20+$0x4670] =	vst.add.f32.msk $0xffff, v16  }
0x1d4: {  	[tilespmem:s20+$0x4A00] =	vst.add.f32.msk $0xffff, v17  }
0x1d5: {  	[tilespmem:s20+$0x4A10] =	vst.add.f32.msk $0xffff, v18  }
0x1d6: {  	[tilespmem:s20+$0x4A20] =	vst.add.f32.msk $0xffff, v19  }
0x1d7: {  	[tilespmem:s20+$0x4A30] =	vst.add.f32.msk $0xffff, v20  }
0x1d8: {  	[tilespmem:s20+$0x4A40] =	vst.add.f32.msk $0xffff, v21  }
0x1d9: {  	[tilespmem:s20+$0x4A50] =	vst.add.f32.msk $0xffff, v22  }
0x1da: {  	[tilespmem:s20+$0x4A60] =	vst.add.f32.msk $0xffff, v23  }
0x1db: {  	[tilespmem:s20+$0x4A70] =	vst.add.f32.msk $0xffff, v24  }
0x1dc: {  	[tilespmem:s20+$0x4E00] =	vst.add.f32.msk $0xffff, v25  }
0x1dd: {  	[tilespmem:s20+$0x4E10] =	vst.add.f32.msk $0xffff, v26  }
0x1de: {  	[tilespmem:s20+$0x4E20] =	vst.add.f32.msk $0xffff, v27  }
0x1df: {  	[tilespmem:s20+$0x4E30] =	vst.add.f32.msk $0xffff, v28  }
0x1e0: {  	[tilespmem:s20+$0x4E40] =	vst.add.f32.msk $0xffff, v29  }
0x1e1: {  	[tilespmem:s20+$0x4E50] =	vst.add.f32.msk $0xffff, v30  }
0x1e2: {  	[tilespmem:s20+$0x4E60] =	vst.add.f32.msk $0xffff, v31  }
0x1e3: {  	[tilespmem:s20+$0x4E70] =	vst.add.f32.msk $0xffff, v32  }
0x1e4: {  	[tilespmem:s20+$0x5200] =	vst.add.f32.msk $0xffff, v33  }
0x1e5: {  	[tilespmem:s20+$0x5210] =	vst.add.f32.msk $0xffff, v34  }
0x1e6: {  	[tilespmem:s20+$0x5220] =	vst.add.f32.msk $0xffff, v35  }
0x1e7: {  	[tilespmem:s20+$0x5230] =	vst.add.f32.msk $0xffff, v36  }
0x1e8: {  	[tilespmem:s20+$0x5240] =	vst.add.f32.msk $0xffff, v37  }
0x1e9: {  	[tilespmem:s20+$0x5250] =	vst.add.f32.msk $0xffff, v38  }
0x1ea: {  	[tilespmem:s20+$0x5260] =	vst.add.f32.msk $0xffff, v39  }
0x1eb: {  	[tilespmem:s20+$0x5270] =	vst.add.f32.msk $0xffff, v40  }
0x1ec: {  	[tilespmem:s20+$0x5600] =	vst.add.f32.msk $0xffff, v41  }
0x1ed: {  	[tilespmem:s20+$0x5610] =	vst.add.f32.msk $0xffff, v42  }
0x1ee: {  	[tilespmem:s20+$0x5620] =	vst.add.f32.msk $0xffff, v43  }
0x1ef: {  	[tilespmem:s20+$0x5630] =	vst.add.f32.msk $0xffff, v44  }
0x1f0: {  	[tilespmem:s20+$0x5640] =	vst.add.f32.msk $0xffff, v45  }
0x1f1: {  	[tilespmem:s20+$0x5650] =	vst.add.f32.msk $0xffff, v46  }
0x1f2: {  	[tilespmem:s20+$0x5660] =	vst.add.f32.msk $0xffff, v47  }
0x1f3: {  	[tilespmem:s20+$0x5670] =	vst.add.f32.msk $0xffff, v48  }
0x1f4: {  	[tilespmem:s20+$0x5A00] =	vst.add.f32.msk $0xffff, v49  }
0x1f5: {  	[tilespmem:s20+$0x5A10] =	vst.add.f32.msk $0xffff, v50  }
0x1f6: {  	[tilespmem:s20+$0x5A20] =	vst.add.f32.msk $0xffff, v51  }
0x1f7: {  	[tilespmem:s20+$0x5A30] =	vst.add.f32.msk $0xffff, v52  }
0x1f8: {  	[tilespmem:s20+$0x5A40] =	vst.add.f32.msk $0xffff, v53  }
0x1f9: {  	[tilespmem:s20+$0x5A50] =	vst.add.f32.msk $0xffff, v54  }
0x1fa: {  	[tilespmem:s20+$0x5A60] =	vst.add.f32.msk $0xffff, v55  }
0x1fb: {  	[tilespmem:s20+$0x5A70] =	vst.add.f32.msk $0xffff, v56  }
0x1fc: {  	[tilespmem:s20+$0x5E00] =	vst.add.f32.msk $0xffff, v57  }
0x1fd: {  	[tilespmem:s20+$0x5E10] =	vst.add.f32.msk $0xffff, v58  }
0x1fe: {  	[tilespmem:s20+$0x5E20] =	vst.add.f32.msk $0xffff, v59  }
0x1ff: {  	[tilespmem:s20+$0x5E30] =	vst.add.f32.msk $0xffff, v60  }
0x200: {  	s0 =	sshll.u32 s31, $0x4;
	[tilespmem:s20+$0x5E40] =	vst.add.f32.msk $0xffff, v61  }
0x201: {  	s9 =	sadd.s32 s6, s0;
	[tilespmem:s20+$0x5E50] =	vst.add.f32.msk $0xffff, v62  }
0x202: {  	s8 =	sshll.u32 s9, $0x7;
	[tilespmem:s20+$0x5E60] =	vst.add.f32.msk $0xffff, v63  }
0x203: {  	s9 =	simm.s32 $0x0;
	s8 =	sadd.s32 s2, s8;
	[tilespmem:s20+$0x4240] =	vst.add.f32.msk $0xffff, v0  }
0x204: {  	[hbm4b:s8+s9] =	stream.linear.scatter [tilespmem:s24], [sflag:$0x5], $0x4000, $0x38;
	[tilespmem:$0x14200] =	vst v63  }
0x205: {  	_ =	swait.ge [sflag:s18], $0x4000  }
0x206: {  	s21 =	sand.u32 $0x2000, s9;
	s9 =	sand.u32 $0x380, s9;
	[sflag:s18] =	ssyncset.done $0x0  }
0x207: {  	s20 =	sor.u32 s9, s21;
	[sflag:s18] =	ssyncadd.s32 $0xFFFFC000  }
0x208: {  	v0 =	vld [tilespmem:s20+$0x1E70]  }
0x209: {  	v2 =	vld [tilespmem:s20+$0x200]  }
0x20a: {  	v4 =	vld [tilespmem:s20+$0x210]  }
0x20b: {  	v5 =	vld [tilespmem:s20+$0x220]  }
0x20c: {  	v6 =	vld [tilespmem:s20+$0x230]  }
0x20d: {  	v7 =	vld [tilespmem:s20+$0x250]  }
0x20e: {  	v8 =	vld [tilespmem:s20+$0x260]  }
0x20f: {  	v9 =	vld [tilespmem:s20+$0x270]  }
0x210: {  	v10 =	vld [tilespmem:s20+$0x600]  }
0x211: {  	v11 =	vld [tilespmem:s20+$0x610]  }
0x212: {  	v12 =	vld [tilespmem:s20+$0x620]  }
0x213: {  	v13 =	vld [tilespmem:s20+$0x630]  }
0x214: {  	v14 =	vld [tilespmem:s20+$0x640]  }
0x215: {  	v15 =	vld [tilespmem:s20+$0x650]  }
0x216: {  	v16 =	vld [tilespmem:s20+$0x660]  }
0x217: {  	v17 =	vld [tilespmem:s20+$0x670]  }
0x218: {  	v18 =	vld [tilespmem:s20+$0xA00]  }
0x219: {  	v19 =	vld [tilespmem:s20+$0xA10]  }
0x21a: {  	v20 =	vld [tilespmem:s20+$0xA20]  }
0x21b: {  	v21 =	vld [tilespmem:s20+$0xA30]  }
0x21c: {  	v22 =	vld [tilespmem:s20+$0xA40]  }
0x21d: {  	v23 =	vld [tilespmem:s20+$0xA50]  }
0x21e: {  	v24 =	vld [tilespmem:s20+$0xA60]  }
0x21f: {  	v25 =	vld [tilespmem:s20+$0xA70]  }
0x220: {  	v26 =	vld [tilespmem:s20+$0xE00]  }
0x221: {  	v27 =	vld [tilespmem:s20+$0xE10]  }
0x222: {  	v28 =	vld [tilespmem:s20+$0xE20]  }
0x223: {  	v29 =	vld [tilespmem:s20+$0xE30]  }
0x224: {  	v30 =	vld [tilespmem:s20+$0xE40]  }
0x225: {  	v31 =	vld [tilespmem:s20+$0xE50]  }
0x226: {  	v32 =	vld [tilespmem:s20+$0xE60]  }
0x227: {  	v33 =	vld [tilespmem:s20+$0xE70]  }
0x228: {  	v34 =	vld [tilespmem:s20+$0x1200]  }
0x229: {  	v35 =	vld [tilespmem:s20+$0x1210]  }
0x22a: {  	v36 =	vld [tilespmem:s20+$0x1220]  }
0x22b: {  	v37 =	vld [tilespmem:s20+$0x1230]  }
0x22c: {  	v38 =	vld [tilespmem:s20+$0x1240]  }
0x22d: {  	v39 =	vld [tilespmem:s20+$0x1250]  }
0x22e: {  	v40 =	vld [tilespmem:s20+$0x1260]  }
0x22f: {  	v41 =	vld [tilespmem:s20+$0x1270]  }
0x230: {  	v42 =	vld [tilespmem:s20+$0x1600]  }
0x231: {  	v43 =	vld [tilespmem:s20+$0x1610]  }
0x232: {  	v44 =	vld [tilespmem:s20+$0x1620]  }
0x233: {  	v45 =	vld [tilespmem:s20+$0x1630]  }
0x234: {  	v46 =	vld [tilespmem:s20+$0x1640]  }
0x235: {  	v47 =	vld [tilespmem:s20+$0x1650]  }
0x236: {  	v48 =	vld [tilespmem:s20+$0x1660]  }
0x237: {  	v49 =	vld [tilespmem:s20+$0x1670]  }
0x238: {  	v50 =	vld [tilespmem:s20+$0x1A00]  }
0x239: {  	v51 =	vld [tilespmem:s20+$0x1A10]  }
0x23a: {  	v52 =	vld [tilespmem:s20+$0x1A20]  }
0x23b: {  	v53 =	vld [tilespmem:s20+$0x1A30]  }
0x23c: {  	v54 =	vld [tilespmem:s20+$0x1A40]  }
0x23d: {  	v55 =	vld [tilespmem:s20+$0x1A50]  }
0x23e: {  	v56 =	vld [tilespmem:s20+$0x1A60]  }
0x23f: {  	v57 =	vld [tilespmem:s20+$0x1A70]  }
0x240: {  	v58 =	vld [tilespmem:s20+$0x1E00]  }
0x241: {  	v59 =	vld [tilespmem:s20+$0x1E10]  }
0x242: {  	v60 =	vld [tilespmem:s20+$0x1E20]  }
0x243: {  	v61 =	vld [tilespmem:s20+$0x1E30]  }
0x244: {  	v62 =	vld [tilespmem:s20+$0x1E40]  }
0x245: {  	v63 =	vld [tilespmem:s20+$0x1E50]  }
0x246: {  	v3 =	vld [tilespmem:s20+$0x1E60]  }
0x247: {  	[tilespmem:s20+$0x9E70] =	vst.add.f32.msk $0xffff, v0  }
0x248: {  	v0 =	vld [tilespmem:s20+$0x240]  }
0x249: {  	[tilespmem:s20+$0x8200] =	vst.add.f32.msk $0xffff, v2  }
0x24a: {  	[tilespmem:s20+$0x8210] =	vst.add.f32.msk $0xffff, v4  }
0x24b: {  	[tilespmem:s20+$0x8220] =	vst.add.f32.msk $0xffff, v5  }
0x24c: {  	[tilespmem:s20+$0x8230] =	vst.add.f32.msk $0xffff, v6  }
0x24d: {  	[tilespmem:s20+$0x8250] =	vst.add.f32.msk $0xffff, v7  }
0x24e: {  	[tilespmem:s20+$0x8260] =	vst.add.f32.msk $0xffff, v8  }
0x24f: {  	[tilespmem:s20+$0x8270] =	vst.add.f32.msk $0xffff, v9  }
0x250: {  	[tilespmem:s20+$0x8600] =	vst.add.f32.msk $0xffff, v10  }
0x251: {  	[tilespmem:s20+$0x8610] =	vst.add.f32.msk $0xffff, v11  }
0x252: {  	[tilespmem:s20+$0x8620] =	vst.add.f32.msk $0xffff, v12  }
0x253: {  	[tilespmem:s20+$0x8630] =	vst.add.f32.msk $0xffff, v13  }
0x254: {  	[tilespmem:s20+$0x8640] =	vst.add.f32.msk $0xffff, v14  }
0x255: {  	[tilespmem:s20+$0x8650] =	vst.add.f32.msk $0xffff, v15  }
0x256: {  	[tilespmem:s20+$0x8660] =	vst.add.f32.msk $0xffff, v16  }
0x257: {  	[tilespmem:s20+$0x8670] =	vst.add.f32.msk $0xffff, v17  }
0x258: {  	[tilespmem:s20+$0x8A00] =	vst.add.f32.msk $0xffff, v18  }
0x259: {  	[tilespmem:s20+$0x8A10] =	vst.add.f32.msk $0xffff, v19  }
0x25a: {  	[tilespmem:s20+$0x8A20] =	vst.add.f32.msk $0xffff, v20  }
0x25b: {  	[tilespmem:s20+$0x8A30] =	vst.add.f32.msk $0xffff, v21  }
0x25c: {  	[tilespmem:s20+$0x8A40] =	vst.add.f32.msk $0xffff, v22  }
0x25d: {  	[tilespmem:s20+$0x8A50] =	vst.add.f32.msk $0xffff, v23  }
0x25e: {  	[tilespmem:s20+$0x8A60] =	vst.add.f32.msk $0xffff, v24  }
0x25f: {  	[tilespmem:s20+$0x8A70] =	vst.add.f32.msk $0xffff, v25  }
0x260: {  	[tilespmem:s20+$0x8E00] =	vst.add.f32.msk $0xffff, v26  }
0x261: {  	[tilespmem:s20+$0x8E10] =	vst.add.f32.msk $0xffff, v27  }
0x262: {  	[tilespmem:s20+$0x8E20] =	vst.add.f32.msk $0xffff, v28  }
0x263: {  	[tilespmem:s20+$0x8E30] =	vst.add.f32.msk $0xffff, v29  }
0x264: {  	[tilespmem:s20+$0x8E40] =	vst.add.f32.msk $0xffff, v30  }
0x265: {  	[tilespmem:s20+$0x8E50] =	vst.add.f32.msk $0xffff, v31  }
0x266: {  	[tilespmem:s20+$0x8E60] =	vst.add.f32.msk $0xffff, v32  }
0x267: {  	[tilespmem:s20+$0x8E70] =	vst.add.f32.msk $0xffff, v33  }
0x268: {  	[tilespmem:s20+$0x9200] =	vst.add.f32.msk $0xffff, v34  }
0x269: {  	[tilespmem:s20+$0x9210] =	vst.add.f32.msk $0xffff, v35  }
0x26a: {  	[tilespmem:s20+$0x9220] =	vst.add.f32.msk $0xffff, v36  }
0x26b: {  	[tilespmem:s20+$0x9230] =	vst.add.f32.msk $0xffff, v37  }
0x26c: {  	[tilespmem:s20+$0x9240] =	vst.add.f32.msk $0xffff, v38  }
0x26d: {  	[tilespmem:s20+$0x9250] =	vst.add.f32.msk $0xffff, v39  }
0x26e: {  	[tilespmem:s20+$0x9260] =	vst.add.f32.msk $0xffff, v40  }
0x26f: {  	[tilespmem:s20+$0x9270] =	vst.add.f32.msk $0xffff, v41  }
0x270: {  	[tilespmem:s20+$0x9600] =	vst.add.f32.msk $0xffff, v42  }
0x271: {  	[tilespmem:s20+$0x9610] =	vst.add.f32.msk $0xffff, v43  }
0x272: {  	[tilespmem:s20+$0x9620] =	vst.add.f32.msk $0xffff, v44  }
0x273: {  	[tilespmem:s20+$0x9630] =	vst.add.f32.msk $0xffff, v45  }
0x274: {  	[tilespmem:s20+$0x9640] =	vst.add.f32.msk $0xffff, v46  }
0x275: {  	[tilespmem:s20+$0x9650] =	vst.add.f32.msk $0xffff, v47  }
0x276: {  	[tilespmem:s20+$0x9660] =	vst.add.f32.msk $0xffff, v48  }
0x277: {  	[tilespmem:s20+$0x9670] =	vst.add.f32.msk $0xffff, v49  }
0x278: {  	[tilespmem:s20+$0x9A00] =	vst.add.f32.msk $0xffff, v50  }
0x279: {  	[tilespmem:s20+$0x9A10] =	vst.add.f32.msk $0xffff, v51  }
0x27a: {  	[tilespmem:s20+$0x9A20] =	vst.add.f32.msk $0xffff, v52  }
0x27b: {  	[tilespmem:s20+$0x9A30] =	vst.add.f32.msk $0xffff, v53  }
0x27c: {  	[tilespmem:s20+$0x9A40] =	vst.add.f32.msk $0xffff, v54  }
0x27d: {  	[tilespmem:s20+$0x9A50] =	vst.add.f32.msk $0xffff, v55  }
0x27e: {  	[tilespmem:s20+$0x9A60] =	vst.add.f32.msk $0xffff, v56  }
0x27f: {  	[tilespmem:s20+$0x9A70] =	vst.add.f32.msk $0xffff, v57  }
0x280: {  	[tilespmem:s20+$0x9E00] =	vst.add.f32.msk $0xffff, v58  }
0x281: {  	[tilespmem:s20+$0x9E10] =	vst.add.f32.msk $0xffff, v59  }
0x282: {  	[tilespmem:s20+$0x9E20] =	vst.add.f32.msk $0xffff, v60  }
0x283: {  	[tilespmem:s20+$0x9E30] =	vst.add.f32.msk $0xffff, v61  }
0x284: {  	[tilespmem:s20+$0x9E40] =	vst.add.f32.msk $0xffff, v62  }
0x285: {  	s22 =	simm.s32 $0x400;
	s21 =	simm.s32 $0x80;
	[tilespmem:s20+$0x9E50] =	vst.add.f32.msk $0xffff, v63  }
0x286: {  	s8 =	sand.u32 $0x2000, s22;
	s22 =	simm.s32 $0x800;
	s9 =	sand.u32 $0x380, s21;
	[tilespmem:s20+$0x8240] =	vst.add.f32.msk $0xffff, v0  }
.LBB2_5:
0x287: {  	p0 =	sne.s32 s22, $0x3C00;
	[tilespmem:s20+$0x9E60] =	vst.add.f32.msk $0xffff, v3;
	s20 =	sor.u32 s9, s8  }
0x288: {  	v0 =	vld [tilespmem:s20+$0x1E70]  }
0x289: {  	v2 =	vld [tilespmem:s20+$0x200]  }
0x28a: {  	v5 =	vld [tilespmem:s20+$0x210]  }
0x28b: {  	v6 =	vld [tilespmem:s20+$0x220]  }
0x28c: {  	v7 =	vld [tilespmem:s20+$0x230]  }
0x28d: {  	[tilespmem:s20+$0x9E70] =	vst.add.f32.msk $0xffff, v0  }
0x28e: {  	v0 =	vld [tilespmem:s20+$0x240]  }
0x28f: {  	v8 =	vld [tilespmem:s20+$0x250]  }
0x290: {  	v9 =	vld [tilespmem:s20+$0x260]  }
0x291: {  	v10 =	vld [tilespmem:s20+$0x270]  }
0x292: {  	v11 =	vld [tilespmem:s20+$0x600]  }
0x293: {  	v12 =	vld [tilespmem:s20+$0x610]  }
0x294: {  	v13 =	vld [tilespmem:s20+$0x620]  }
0x295: {  	v14 =	vld [tilespmem:s20+$0x630]  }
0x296: {  	v15 =	vld [tilespmem:s20+$0x640]  }
0x297: {  	v16 =	vld [tilespmem:s20+$0x650]  }
0x298: {  	v17 =	vld [tilespmem:s20+$0x660]  }
0x299: {  	v18 =	vld [tilespmem:s20+$0x670]  }
0x29a: {  	v19 =	vld [tilespmem:s20+$0xA00]  }
0x29b: {  	v20 =	vld [tilespmem:s20+$0xA10]  }
0x29c: {  	v21 =	vld [tilespmem:s20+$0xA20]  }
0x29d: {  	v22 =	vld [tilespmem:s20+$0xA30]  }
0x29e: {  	v23 =	vld [tilespmem:s20+$0xA40]  }
0x29f: {  	v24 =	vld [tilespmem:s20+$0xA50]  }
0x2a0: {  	v25 =	vld [tilespmem:s20+$0xA60]  }
0x2a1: {  	v26 =	vld [tilespmem:s20+$0xA70]  }
0x2a2: {  	v27 =	vld [tilespmem:s20+$0xE00]  }
0x2a3: {  	v28 =	vld [tilespmem:s20+$0xE10]  }
0x2a4: {  	v29 =	vld [tilespmem:s20+$0xE20]  }
0x2a5: {  	v30 =	vld [tilespmem:s20+$0xE30]  }
0x2a6: {  	v31 =	vld [tilespmem:s20+$0xE40]  }
0x2a7: {  	v32 =	vld [tilespmem:s20+$0xE50]  }
0x2a8: {  	v33 =	vld [tilespmem:s20+$0xE60]  }
0x2a9: {  	v34 =	vld [tilespmem:s20+$0xE70]  }
0x2aa: {  	v35 =	vld [tilespmem:s20+$0x1200]  }
0x2ab: {  	v36 =	vld [tilespmem:s20+$0x1210]  }
0x2ac: {  	v37 =	vld [tilespmem:s20+$0x1220]  }
0x2ad: {  	v38 =	vld [tilespmem:s20+$0x1230]  }
0x2ae: {  	v39 =	vld [tilespmem:s20+$0x1240]  }
0x2af: {  	v40 =	vld [tilespmem:s20+$0x1250]  }
0x2b0: {  	v41 =	vld [tilespmem:s20+$0x1260]  }
0x2b1: {  	v42 =	vld [tilespmem:s20+$0x1270]  }
0x2b2: {  	v43 =	vld [tilespmem:s20+$0x1600]  }
0x2b3: {  	v44 =	vld [tilespmem:s20+$0x1610]  }
0x2b4: {  	v45 =	vld [tilespmem:s20+$0x1620]  }
0x2b5: {  	v46 =	vld [tilespmem:s20+$0x1630]  }
0x2b6: {  	v47 =	vld [tilespmem:s20+$0x1640]  }
0x2b7: {  	v48 =	vld [tilespmem:s20+$0x1650]  }
0x2b8: {  	v49 =	vld [tilespmem:s20+$0x1660]  }
0x2b9: {  	v50 =	vld [tilespmem:s20+$0x1670]  }
0x2ba: {  	v51 =	vld [tilespmem:s20+$0x1A00]  }
0x2bb: {  	v52 =	vld [tilespmem:s20+$0x1A10]  }
0x2bc: {  	v53 =	vld [tilespmem:s20+$0x1A20]  }
0x2bd: {  	v54 =	vld [tilespmem:s20+$0x1A30]  }
0x2be: {  	v55 =	vld [tilespmem:s20+$0x1A40]  }
0x2bf: {  	v56 =	vld [tilespmem:s20+$0x1A50]  }
0x2c0: {  	v57 =	vld [tilespmem:s20+$0x1A60]  }
0x2c1: {  	v58 =	vld [tilespmem:s20+$0x1A70]  }
0x2c2: {  	v59 =	vld [tilespmem:s20+$0x1E00]  }
0x2c3: {  	v60 =	vld [tilespmem:s20+$0x1E10]  }
0x2c4: {  	v61 =	vld [tilespmem:s20+$0x1E20]  }
0x2c5: {  	v62 =	vld [tilespmem:s20+$0x1E30]  }
0x2c6: {  	v63 =	vld [tilespmem:s20+$0x1E40]  }
0x2c7: {  	v4 =	vld [tilespmem:s20+$0x1E50]  }
0x2c8: {  	v3 =	vld [tilespmem:s20+$0x1E60]  }
0x2c9: {  	[tilespmem:s20+$0x8200] =	vst.add.f32.msk $0xffff, v2  }
0x2ca: {  	[tilespmem:s20+$0x8210] =	vst.add.f32.msk $0xffff, v5  }
0x2cb: {  	[tilespmem:s20+$0x8220] =	vst.add.f32.msk $0xffff, v6  }
0x2cc: {  	[tilespmem:s20+$0x8230] =	vst.add.f32.msk $0xffff, v7  }
0x2cd: {  	[tilespmem:s20+$0x8240] =	vst.add.f32.msk $0xffff, v0  }
0x2ce: {  	[tilespmem:s20+$0x8250] =	vst.add.f32.msk $0xffff, v8  }
0x2cf: {  	[tilespmem:s20+$0x8260] =	vst.add.f32.msk $0xffff, v9  }
0x2d0: {  	[tilespmem:s20+$0x8270] =	vst.add.f32.msk $0xffff, v10  }
0x2d1: {  	[tilespmem:s20+$0x8600] =	vst.add.f32.msk $0xffff, v11  }
0x2d2: {  	[tilespmem:s20+$0x8610] =	vst.add.f32.msk $0xffff, v12  }
0x2d3: {  	[tilespmem:s20+$0x8620] =	vst.add.f32.msk $0xffff, v13  }
0x2d4: {  	[tilespmem:s20+$0x8630] =	vst.add.f32.msk $0xffff, v14  }
0x2d5: {  	[tilespmem:s20+$0x8640] =	vst.add.f32.msk $0xffff, v15  }
0x2d6: {  	[tilespmem:s20+$0x8650] =	vst.add.f32.msk $0xffff, v16  }
0x2d7: {  	[tilespmem:s20+$0x8660] =	vst.add.f32.msk $0xffff, v17  }
0x2d8: {  	[tilespmem:s20+$0x8670] =	vst.add.f32.msk $0xffff, v18  }
0x2d9: {  	[tilespmem:s20+$0x8A00] =	vst.add.f32.msk $0xffff, v19  }
0x2da: {  	[tilespmem:s20+$0x8A10] =	vst.add.f32.msk $0xffff, v20  }
0x2db: {  	[tilespmem:s20+$0x8A20] =	vst.add.f32.msk $0xffff, v21  }
0x2dc: {  	[tilespmem:s20+$0x8A30] =	vst.add.f32.msk $0xffff, v22  }
0x2dd: {  	[tilespmem:s20+$0x8A40] =	vst.add.f32.msk $0xffff, v23  }
0x2de: {  	[tilespmem:s20+$0x8A50] =	vst.add.f32.msk $0xffff, v24  }
0x2df: {  	[tilespmem:s20+$0x8A60] =	vst.add.f32.msk $0xffff, v25  }
0x2e0: {  	[tilespmem:s20+$0x8A70] =	vst.add.f32.msk $0xffff, v26  }
0x2e1: {  	[tilespmem:s20+$0x8E00] =	vst.add.f32.msk $0xffff, v27  }
0x2e2: {  	[tilespmem:s20+$0x8E10] =	vst.add.f32.msk $0xffff, v28  }
0x2e3: {  	[tilespmem:s20+$0x8E20] =	vst.add.f32.msk $0xffff, v29  }
0x2e4: {  	[tilespmem:s20+$0x8E30] =	vst.add.f32.msk $0xffff, v30  }
0x2e5: {  	[tilespmem:s20+$0x8E40] =	vst.add.f32.msk $0xffff, v31  }
0x2e6: {  	[tilespmem:s20+$0x8E50] =	vst.add.f32.msk $0xffff, v32  }
0x2e7: {  	[tilespmem:s20+$0x8E60] =	vst.add.f32.msk $0xffff, v33  }
0x2e8: {  	[tilespmem:s20+$0x8E70] =	vst.add.f32.msk $0xffff, v34  }
0x2e9: {  	[tilespmem:s20+$0x9200] =	vst.add.f32.msk $0xffff, v35  }
0x2ea: {  	[tilespmem:s20+$0x9210] =	vst.add.f32.msk $0xffff, v36  }
0x2eb: {  	[tilespmem:s20+$0x9220] =	vst.add.f32.msk $0xffff, v37  }
0x2ec: {  	[tilespmem:s20+$0x9230] =	vst.add.f32.msk $0xffff, v38  }
0x2ed: {  	[tilespmem:s20+$0x9240] =	vst.add.f32.msk $0xffff, v39  }
0x2ee: {  	[tilespmem:s20+$0x9250] =	vst.add.f32.msk $0xffff, v40  }
0x2ef: {  	[tilespmem:s20+$0x9260] =	vst.add.f32.msk $0xffff, v41  }
0x2f0: {  	[tilespmem:s20+$0x9270] =	vst.add.f32.msk $0xffff, v42  }
0x2f1: {  	[tilespmem:s20+$0x9600] =	vst.add.f32.msk $0xffff, v43  }
0x2f2: {  	[tilespmem:s20+$0x9610] =	vst.add.f32.msk $0xffff, v44  }
0x2f3: {  	[tilespmem:s20+$0x9620] =	vst.add.f32.msk $0xffff, v45  }
0x2f4: {  	[tilespmem:s20+$0x9630] =	vst.add.f32.msk $0xffff, v46  }
0x2f5: {  	[tilespmem:s20+$0x9640] =	vst.add.f32.msk $0xffff, v47  }
0x2f6: {  	[tilespmem:s20+$0x9650] =	vst.add.f32.msk $0xffff, v48  }
0x2f7: {  	[tilespmem:s20+$0x9660] =	vst.add.f32.msk $0xffff, v49  }
0x2f8: {  	[tilespmem:s20+$0x9670] =	vst.add.f32.msk $0xffff, v50  }
0x2f9: {  	[tilespmem:s20+$0x9A00] =	vst.add.f32.msk $0xffff, v51  }
0x2fa: {  	[tilespmem:s20+$0x9A10] =	vst.add.f32.msk $0xffff, v52  }
0x2fb: {  	[tilespmem:s20+$0x9A20] =	vst.add.f32.msk $0xffff, v53  }
0x2fc: {  	[tilespmem:s20+$0x9A30] =	vst.add.f32.msk $0xffff, v54  }
0x2fd: {  	[tilespmem:s20+$0x9A40] =	vst.add.f32.msk $0xffff, v55  }
0x2fe: {  	[tilespmem:s20+$0x9A50] =	vst.add.f32.msk $0xffff, v56  }
0x2ff: {  	[tilespmem:s20+$0x9A60] =	vst.add.f32.msk $0xffff, v57  }
0x300: {  	[tilespmem:s20+$0x9A70] =	vst.add.f32.msk $0xffff, v58  }
0x301: {  	[tilespmem:s20+$0x9E00] =	vst.add.f32.msk $0xffff, v59  }
.Ltmp1:
0x302: {  	[tilespmem:s20+$0x9E10] =	vst.add.f32.msk $0xffff, v60;
	(pc) =	sbr.rel @p0 .LBB2_5-.Ltmp1, $4  }
0x303: {  	[tilespmem:s20+$0x9E20] =	vst.add.f32.msk $0xffff, v61  }
0x304: {  	[tilespmem:s20+$0x9E30] =	vst.add.f32.msk $0xffff, v62  }
0x305: {  	s21 =	sadd.s32 $0x80, s21;
	[tilespmem:s20+$0x9E40] =	vst.add.f32.msk $0xffff, v63  }
0x306: {  	s8 =	sand.u32 $0x2000, s22;
	s22 =	sadd.s32 $0x400, s22;
	s9 =	sand.u32 $0x380, s21;
	[tilespmem:s20+$0x9E50] =	vst.add.f32.msk $0xffff, v4  }
0x307: {  	s21 =	sor.u32 s9, s8;
	[tilespmem:s20+$0x9E60] =	vst.add.f32.msk $0xffff, v3  }
0x308: {  	v0 =	vld [tilespmem:s21+$0x1E70]  }
0x309: {  	v2 =	vld [tilespmem:s21+$0x200]  }
0x30a: {  	v3 =	vld [tilespmem:s21+$0x210]  }
0x30b: {  	v4 =	vld [tilespmem:s21+$0x220]  }
0x30c: {  	v5 =	vld [tilespmem:s21+$0x230]  }
0x30d: {  	v6 =	vld [tilespmem:s21+$0x250]  }
0x30e: {  	v7 =	vld [tilespmem:s21+$0x260]  }
0x30f: {  	v8 =	vld [tilespmem:s21+$0x270]  }
0x310: {  	v9 =	vld [tilespmem:s21+$0x600]  }
0x311: {  	v10 =	vld [tilespmem:s21+$0x610]  }
0x312: {  	v11 =	vld [tilespmem:s21+$0x620]  }
0x313: {  	v12 =	vld [tilespmem:s21+$0x630]  }
0x314: {  	v13 =	vld [tilespmem:s21+$0x640]  }
0x315: {  	v14 =	vld [tilespmem:s21+$0x650]  }
0x316: {  	v15 =	vld [tilespmem:s21+$0x660]  }
0x317: {  	v16 =	vld [tilespmem:s21+$0x670]  }
0x318: {  	v17 =	vld [tilespmem:s21+$0xA00]  }
0x319: {  	v18 =	vld [tilespmem:s21+$0xA10]  }
0x31a: {  	v19 =	vld [tilespmem:s21+$0xA20]  }
0x31b: {  	v20 =	vld [tilespmem:s21+$0xA30]  }
0x31c: {  	v21 =	vld [tilespmem:s21+$0xA40]  }
0x31d: {  	v22 =	vld [tilespmem:s21+$0xA50]  }
0x31e: {  	v23 =	vld [tilespmem:s21+$0xA60]  }
0x31f: {  	v24 =	vld [tilespmem:s21+$0xA70]  }
0x320: {  	v25 =	vld [tilespmem:s21+$0xE00]  }
0x321: {  	v26 =	vld [tilespmem:s21+$0xE10]  }
0x322: {  	v27 =	vld [tilespmem:s21+$0xE20]  }
0x323: {  	v28 =	vld [tilespmem:s21+$0xE30]  }
0x324: {  	v29 =	vld [tilespmem:s21+$0xE40]  }
0x325: {  	v30 =	vld [tilespmem:s21+$0xE50]  }
0x326: {  	v31 =	vld [tilespmem:s21+$0xE60]  }
0x327: {  	v32 =	vld [tilespmem:s21+$0xE70]  }
0x328: {  	v33 =	vld [tilespmem:s21+$0x1200]  }
0x329: {  	v34 =	vld [tilespmem:s21+$0x1210]  }
0x32a: {  	v35 =	vld [tilespmem:s21+$0x1220]  }
0x32b: {  	v36 =	vld [tilespmem:s21+$0x1230]  }
0x32c: {  	v37 =	vld [tilespmem:s21+$0x1240]  }
0x32d: {  	v38 =	vld [tilespmem:s21+$0x1250]  }
0x32e: {  	v39 =	vld [tilespmem:s21+$0x1260]  }
0x32f: {  	v40 =	vld [tilespmem:s21+$0x1270]  }
0x330: {  	v41 =	vld [tilespmem:s21+$0x1600]  }
0x331: {  	v42 =	vld [tilespmem:s21+$0x1610]  }
0x332: {  	v43 =	vld [tilespmem:s21+$0x1620]  }
0x333: {  	v44 =	vld [tilespmem:s21+$0x1630]  }
0x334: {  	v45 =	vld [tilespmem:s21+$0x1640]  }
0x335: {  	v46 =	vld [tilespmem:s21+$0x1650]  }
0x336: {  	v47 =	vld [tilespmem:s21+$0x1660]  }
0x337: {  	v48 =	vld [tilespmem:s21+$0x1670]  }
0x338: {  	v49 =	vld [tilespmem:s21+$0x1A00]  }
0x339: {  	v50 =	vld [tilespmem:s21+$0x1A10]  }
0x33a: {  	v51 =	vld [tilespmem:s21+$0x1A20]  }
0x33b: {  	v52 =	vld [tilespmem:s21+$0x1A30]  }
0x33c: {  	v53 =	vld [tilespmem:s21+$0x1A40]  }
0x33d: {  	v54 =	vld [tilespmem:s21+$0x1A50]  }
0x33e: {  	v55 =	vld [tilespmem:s21+$0x1A60]  }
0x33f: {  	v56 =	vld [tilespmem:s21+$0x1A70]  }
0x340: {  	v57 =	vld [tilespmem:s21+$0x1E00]  }
0x341: {  	v58 =	vld [tilespmem:s21+$0x1E10]  }
0x342: {  	v59 =	vld [tilespmem:s21+$0x1E20]  }
0x343: {  	v60 =	vld [tilespmem:s21+$0x1E30]  }
0x344: {  	v61 =	vld [tilespmem:s21+$0x1E40]  }
0x345: {  	v62 =	vld [tilespmem:s21+$0x1E50]  }
0x346: {  	v63 =	vld [tilespmem:s21+$0x1E60]  }
0x347: {  	[tilespmem:s21+$0x9E70] =	vst.add.f32.msk $0xffff, v0  }
0x348: {  	v0 =	vld [tilespmem:s21+$0x240]  }
0x349: {  	[tilespmem:s21+$0x8200] =	vst.add.f32.msk $0xffff, v2  }
0x34a: {  	[tilespmem:s21+$0x8210] =	vst.add.f32.msk $0xffff, v3  }
0x34b: {  	[tilespmem:s21+$0x8220] =	vst.add.f32.msk $0xffff, v4  }
0x34c: {  	[tilespmem:s21+$0x8230] =	vst.add.f32.msk $0xffff, v5  }
0x34d: {  	[tilespmem:s21+$0x8250] =	vst.add.f32.msk $0xffff, v6  }
0x34e: {  	[tilespmem:s21+$0x8260] =	vst.add.f32.msk $0xffff, v7  }
0x34f: {  	[tilespmem:s21+$0x8270] =	vst.add.f32.msk $0xffff, v8  }
0x350: {  	[tilespmem:s21+$0x8600] =	vst.add.f32.msk $0xffff, v9  }
0x351: {  	[tilespmem:s21+$0x8610] =	vst.add.f32.msk $0xffff, v10  }
0x352: {  	[tilespmem:s21+$0x8620] =	vst.add.f32.msk $0xffff, v11  }
0x353: {  	[tilespmem:s21+$0x8630] =	vst.add.f32.msk $0xffff, v12  }
0x354: {  	[tilespmem:s21+$0x8640] =	vst.add.f32.msk $0xffff, v13  }
0x355: {  	[tilespmem:s21+$0x8650] =	vst.add.f32.msk $0xffff, v14  }
0x356: {  	[tilespmem:s21+$0x8660] =	vst.add.f32.msk $0xffff, v15  }
0x357: {  	[tilespmem:s21+$0x8670] =	vst.add.f32.msk $0xffff, v16  }
0x358: {  	[tilespmem:s21+$0x8A00] =	vst.add.f32.msk $0xffff, v17  }
0x359: {  	[tilespmem:s21+$0x8A10] =	vst.add.f32.msk $0xffff, v18  }
0x35a: {  	[tilespmem:s21+$0x8A20] =	vst.add.f32.msk $0xffff, v19  }
0x35b: {  	[tilespmem:s21+$0x8A30] =	vst.add.f32.msk $0xffff, v20  }
0x35c: {  	[tilespmem:s21+$0x8A40] =	vst.add.f32.msk $0xffff, v21  }
0x35d: {  	[tilespmem:s21+$0x8A50] =	vst.add.f32.msk $0xffff, v22  }
0x35e: {  	[tilespmem:s21+$0x8A60] =	vst.add.f32.msk $0xffff, v23  }
0x35f: {  	[tilespmem:s21+$0x8A70] =	vst.add.f32.msk $0xffff, v24  }
0x360: {  	[tilespmem:s21+$0x8E00] =	vst.add.f32.msk $0xffff, v25  }
0x361: {  	[tilespmem:s21+$0x8E10] =	vst.add.f32.msk $0xffff, v26  }
0x362: {  	[tilespmem:s21+$0x8E20] =	vst.add.f32.msk $0xffff, v27  }
0x363: {  	[tilespmem:s21+$0x8E30] =	vst.add.f32.msk $0xffff, v28  }
0x364: {  	[tilespmem:s21+$0x8E40] =	vst.add.f32.msk $0xffff, v29  }
0x365: {  	[tilespmem:s21+$0x8E50] =	vst.add.f32.msk $0xffff, v30  }
0x366: {  	[tilespmem:s21+$0x8E60] =	vst.add.f32.msk $0xffff, v31  }
0x367: {  	[tilespmem:s21+$0x8E70] =	vst.add.f32.msk $0xffff, v32  }
0x368: {  	[tilespmem:s21+$0x9200] =	vst.add.f32.msk $0xffff, v33  }
0x369: {  	[tilespmem:s21+$0x9210] =	vst.add.f32.msk $0xffff, v34  }
0x36a: {  	[tilespmem:s21+$0x9220] =	vst.add.f32.msk $0xffff, v35  }
0x36b: {  	[tilespmem:s21+$0x9230] =	vst.add.f32.msk $0xffff, v36  }
0x36c: {  	[tilespmem:s21+$0x9240] =	vst.add.f32.msk $0xffff, v37  }
0x36d: {  	[tilespmem:s21+$0x9250] =	vst.add.f32.msk $0xffff, v38  }
0x36e: {  	[tilespmem:s21+$0x9260] =	vst.add.f32.msk $0xffff, v39  }
0x36f: {  	[tilespmem:s21+$0x9270] =	vst.add.f32.msk $0xffff, v40  }
0x370: {  	[tilespmem:s21+$0x9600] =	vst.add.f32.msk $0xffff, v41  }
0x371: {  	[tilespmem:s21+$0x9610] =	vst.add.f32.msk $0xffff, v42  }
0x372: {  	[tilespmem:s21+$0x9620] =	vst.add.f32.msk $0xffff, v43  }
0x373: {  	[tilespmem:s21+$0x9630] =	vst.add.f32.msk $0xffff, v44  }
0x374: {  	[tilespmem:s21+$0x9640] =	vst.add.f32.msk $0xffff, v45  }
0x375: {  	[tilespmem:s21+$0x9650] =	vst.add.f32.msk $0xffff, v46  }
0x376: {  	[tilespmem:s21+$0x9660] =	vst.add.f32.msk $0xffff, v47  }
0x377: {  	[tilespmem:s21+$0x9670] =	vst.add.f32.msk $0xffff, v48  }
0x378: {  	[tilespmem:s21+$0x9A00] =	vst.add.f32.msk $0xffff, v49  }
0x379: {  	[tilespmem:s21+$0x9A10] =	vst.add.f32.msk $0xffff, v50  }
0x37a: {  	[tilespmem:s21+$0x9A20] =	vst.add.f32.msk $0xffff, v51  }
0x37b: {  	[tilespmem:s21+$0x9A30] =	vst.add.f32.msk $0xffff, v52  }
0x37c: {  	[tilespmem:s21+$0x9A40] =	vst.add.f32.msk $0xffff, v53  }
0x37d: {  	[tilespmem:s21+$0x9A50] =	vst.add.f32.msk $0xffff, v54  }
0x37e: {  	[tilespmem:s21+$0x9A60] =	vst.add.f32.msk $0xffff, v55  }
0x37f: {  	[tilespmem:s21+$0x9A70] =	vst.add.f32.msk $0xffff, v56  }
0x380: {  	[tilespmem:s21+$0x9E00] =	vst.add.f32.msk $0xffff, v57  }
0x381: {  	[tilespmem:s21+$0x9E10] =	vst.add.f32.msk $0xffff, v58  }
0x382: {  	[tilespmem:s21+$0x9E20] =	vst.add.f32.msk $0xffff, v59  }
0x383: {  	[tilespmem:s21+$0x9E30] =	vst.add.f32.msk $0xffff, v60  }
0x384: {  	[tilespmem:s21+$0x9E40] =	vst.add.f32.msk $0xffff, v61  }
0x385: {  	s9 =	sadd.s32 s7, s0;
	[tilespmem:s21+$0x9E50] =	vst.add.f32.msk $0xffff, v62  }
0x386: {  	s8 =	sshll.u32 s9, $0x7;
	[tilespmem:s21+$0x9E60] =	vst.add.f32.msk $0xffff, v63  }
0x387: {  	s20 =	simm.s32 $0x0;
	s8 =	sadd.s32 s2, s8;
	[tilespmem:s21+$0x8240] =	vst.add.f32.msk $0xffff, v0  }
0x388: {  	[hbm4b:s8+s20] =	stream.linear.scatter [tilespmem:s3], [sflag:$0x6], $0x4000, $0x38;
	[tilespmem:$0x14200] =	vst v63  }
0x389: {  	_ =	swait.ge [sflag:s19], $0x4000  }
0x38a: {  	s9 =	sand.u32 $0x380, s20;
	s21 =	sand.u32 $0x2000, s20;
	[sflag:s19] =	ssyncset.done $0x0  }
0x38b: {  	s20 =	sor.u32 s9, s21;
	[sflag:s19] =	ssyncadd.s32 $0xFFFFC000  }
0x38c: {  	v0 =	vld [tilespmem:s20+$0x1E70]  }
0x38d: {  	v2 =	vld [tilespmem:s20+$0x200]  }
0x38e: {  	v4 =	vld [tilespmem:s20+$0x210]  }
0x38f: {  	v5 =	vld [tilespmem:s20+$0x220]  }
0x390: {  	v6 =	vld [tilespmem:s20+$0x230]  }
0x391: {  	v7 =	vld [tilespmem:s20+$0x250]  }
0x392: {  	v8 =	vld [tilespmem:s20+$0x260]  }
0x393: {  	v9 =	vld [tilespmem:s20+$0x270]  }
0x394: {  	v10 =	vld [tilespmem:s20+$0x600]  }
0x395: {  	v11 =	vld [tilespmem:s20+$0x610]  }
0x396: {  	v12 =	vld [tilespmem:s20+$0x620]  }
0x397: {  	v13 =	vld [tilespmem:s20+$0x630]  }
0x398: {  	v14 =	vld [tilespmem:s20+$0x640]  }
0x399: {  	v15 =	vld [tilespmem:s20+$0x650]  }
0x39a: {  	v16 =	vld [tilespmem:s20+$0x660]  }
0x39b: {  	v17 =	vld [tilespmem:s20+$0x670]  }
0x39c: {  	v18 =	vld [tilespmem:s20+$0xA00]  }
0x39d: {  	v19 =	vld [tilespmem:s20+$0xA10]  }
0x39e: {  	v20 =	vld [tilespmem:s20+$0xA20]  }
0x39f: {  	v21 =	vld [tilespmem:s20+$0xA30]  }
0x3a0: {  	v22 =	vld [tilespmem:s20+$0xA40]  }
0x3a1: {  	v23 =	vld [tilespmem:s20+$0xA50]  }
0x3a2: {  	v24 =	vld [tilespmem:s20+$0xA60]  }
0x3a3: {  	v25 =	vld [tilespmem:s20+$0xA70]  }
0x3a4: {  	v26 =	vld [tilespmem:s20+$0xE00]  }
0x3a5: {  	v27 =	vld [tilespmem:s20+$0xE10]  }
0x3a6: {  	v28 =	vld [tilespmem:s20+$0xE20]  }
0x3a7: {  	v29 =	vld [tilespmem:s20+$0xE30]  }
0x3a8: {  	v30 =	vld [tilespmem:s20+$0xE40]  }
0x3a9: {  	v31 =	vld [tilespmem:s20+$0xE50]  }
0x3aa: {  	v32 =	vld [tilespmem:s20+$0xE60]  }
0x3ab: {  	v33 =	vld [tilespmem:s20+$0xE70]  }
0x3ac: {  	v34 =	vld [tilespmem:s20+$0x1200]  }
0x3ad: {  	v35 =	vld [tilespmem:s20+$0x1210]  }
0x3ae: {  	v36 =	vld [tilespmem:s20+$0x1220]  }
0x3af: {  	v37 =	vld [tilespmem:s20+$0x1230]  }
0x3b0: {  	v38 =	vld [tilespmem:s20+$0x1240]  }
0x3b1: {  	v39 =	vld [tilespmem:s20+$0x1250]  }
0x3b2: {  	v40 =	vld [tilespmem:s20+$0x1260]  }
0x3b3: {  	v41 =	vld [tilespmem:s20+$0x1270]  }
0x3b4: {  	v42 =	vld [tilespmem:s20+$0x1600]  }
0x3b5: {  	v43 =	vld [tilespmem:s20+$0x1610]  }
0x3b6: {  	v44 =	vld [tilespmem:s20+$0x1620]  }
0x3b7: {  	v45 =	vld [tilespmem:s20+$0x1630]  }
0x3b8: {  	v46 =	vld [tilespmem:s20+$0x1640]  }
0x3b9: {  	v47 =	vld [tilespmem:s20+$0x1650]  }
0x3ba: {  	v48 =	vld [tilespmem:s20+$0x1660]  }
0x3bb: {  	v49 =	vld [tilespmem:s20+$0x1670]  }
0x3bc: {  	v50 =	vld [tilespmem:s20+$0x1A00]  }
0x3bd: {  	v51 =	vld [tilespmem:s20+$0x1A10]  }
0x3be: {  	v52 =	vld [tilespmem:s20+$0x1A20]  }
0x3bf: {  	v53 =	vld [tilespmem:s20+$0x1A30]  }
0x3c0: {  	v54 =	vld [tilespmem:s20+$0x1A40]  }
0x3c1: {  	v55 =	vld [tilespmem:s20+$0x1A50]  }
0x3c2: {  	v56 =	vld [tilespmem:s20+$0x1A60]  }
0x3c3: {  	v57 =	vld [tilespmem:s20+$0x1A70]  }
0x3c4: {  	v58 =	vld [tilespmem:s20+$0x1E00]  }
0x3c5: {  	v59 =	vld [tilespmem:s20+$0x1E10]  }
0x3c6: {  	v60 =	vld [tilespmem:s20+$0x1E20]  }
0x3c7: {  	v61 =	vld [tilespmem:s20+$0x1E30]  }
0x3c8: {  	v62 =	vld [tilespmem:s20+$0x1E40]  }
0x3c9: {  	v63 =	vld [tilespmem:s20+$0x1E50]  }
0x3ca: {  	v3 =	vld [tilespmem:s20+$0x1E60]  }
0x3cb: {  	[tilespmem:s20+$0xDE70] =	vst.add.f32.msk $0xffff, v0  }
0x3cc: {  	v0 =	vld [tilespmem:s20+$0x240]  }
0x3cd: {  	[tilespmem:s20+$0xC200] =	vst.add.f32.msk $0xffff, v2  }
0x3ce: {  	[tilespmem:s20+$0xC210] =	vst.add.f32.msk $0xffff, v4  }
0x3cf: {  	[tilespmem:s20+$0xC220] =	vst.add.f32.msk $0xffff, v5  }
0x3d0: {  	[tilespmem:s20+$0xC230] =	vst.add.f32.msk $0xffff, v6  }
0x3d1: {  	[tilespmem:s20+$0xC250] =	vst.add.f32.msk $0xffff, v7  }
0x3d2: {  	[tilespmem:s20+$0xC260] =	vst.add.f32.msk $0xffff, v8  }
0x3d3: {  	[tilespmem:s20+$0xC270] =	vst.add.f32.msk $0xffff, v9  }
0x3d4: {  	[tilespmem:s20+$0xC600] =	vst.add.f32.msk $0xffff, v10  }
0x3d5: {  	[tilespmem:s20+$0xC610] =	vst.add.f32.msk $0xffff, v11  }
0x3d6: {  	[tilespmem:s20+$0xC620] =	vst.add.f32.msk $0xffff, v12  }
0x3d7: {  	[tilespmem:s20+$0xC630] =	vst.add.f32.msk $0xffff, v13  }
0x3d8: {  	[tilespmem:s20+$0xC640] =	vst.add.f32.msk $0xffff, v14  }
0x3d9: {  	[tilespmem:s20+$0xC650] =	vst.add.f32.msk $0xffff, v15  }
0x3da: {  	[tilespmem:s20+$0xC660] =	vst.add.f32.msk $0xffff, v16  }
0x3db: {  	[tilespmem:s20+$0xC670] =	vst.add.f32.msk $0xffff, v17  }
0x3dc: {  	[tilespmem:s20+$0xCA00] =	vst.add.f32.msk $0xffff, v18  }
0x3dd: {  	[tilespmem:s20+$0xCA10] =	vst.add.f32.msk $0xffff, v19  }
0x3de: {  	[tilespmem:s20+$0xCA20] =	vst.add.f32.msk $0xffff, v20  }
0x3df: {  	[tilespmem:s20+$0xCA30] =	vst.add.f32.msk $0xffff, v21  }
0x3e0: {  	[tilespmem:s20+$0xCA40] =	vst.add.f32.msk $0xffff, v22  }
0x3e1: {  	[tilespmem:s20+$0xCA50] =	vst.add.f32.msk $0xffff, v23  }
0x3e2: {  	[tilespmem:s20+$0xCA60] =	vst.add.f32.msk $0xffff, v24  }
0x3e3: {  	[tilespmem:s20+$0xCA70] =	vst.add.f32.msk $0xffff, v25  }
0x3e4: {  	[tilespmem:s20+$0xCE00] =	vst.add.f32.msk $0xffff, v26  }
0x3e5: {  	[tilespmem:s20+$0xCE10] =	vst.add.f32.msk $0xffff, v27  }
0x3e6: {  	[tilespmem:s20+$0xCE20] =	vst.add.f32.msk $0xffff, v28  }
0x3e7: {  	[tilespmem:s20+$0xCE30] =	vst.add.f32.msk $0xffff, v29  }
0x3e8: {  	[tilespmem:s20+$0xCE40] =	vst.add.f32.msk $0xffff, v30  }
0x3e9: {  	[tilespmem:s20+$0xCE50] =	vst.add.f32.msk $0xffff, v31  }
0x3ea: {  	[tilespmem:s20+$0xCE60] =	vst.add.f32.msk $0xffff, v32  }
0x3eb: {  	[tilespmem:s20+$0xCE70] =	vst.add.f32.msk $0xffff, v33  }
0x3ec: {  	[tilespmem:s20+$0xD200] =	vst.add.f32.msk $0xffff, v34  }
0x3ed: {  	[tilespmem:s20+$0xD210] =	vst.add.f32.msk $0xffff, v35  }
0x3ee: {  	[tilespmem:s20+$0xD220] =	vst.add.f32.msk $0xffff, v36  }
0x3ef: {  	[tilespmem:s20+$0xD230] =	vst.add.f32.msk $0xffff, v37  }
0x3f0: {  	[tilespmem:s20+$0xD240] =	vst.add.f32.msk $0xffff, v38  }
0x3f1: {  	[tilespmem:s20+$0xD250] =	vst.add.f32.msk $0xffff, v39  }
0x3f2: {  	[tilespmem:s20+$0xD260] =	vst.add.f32.msk $0xffff, v40  }
0x3f3: {  	[tilespmem:s20+$0xD270] =	vst.add.f32.msk $0xffff, v41  }
0x3f4: {  	[tilespmem:s20+$0xD600] =	vst.add.f32.msk $0xffff, v42  }
0x3f5: {  	[tilespmem:s20+$0xD610] =	vst.add.f32.msk $0xffff, v43  }
0x3f6: {  	[tilespmem:s20+$0xD620] =	vst.add.f32.msk $0xffff, v44  }
0x3f7: {  	[tilespmem:s20+$0xD630] =	vst.add.f32.msk $0xffff, v45  }
0x3f8: {  	[tilespmem:s20+$0xD640] =	vst.add.f32.msk $0xffff, v46  }
0x3f9: {  	[tilespmem:s20+$0xD650] =	vst.add.f32.msk $0xffff, v47  }
0x3fa: {  	[tilespmem:s20+$0xD660] =	vst.add.f32.msk $0xffff, v48  }
0x3fb: {  	[tilespmem:s20+$0xD670] =	vst.add.f32.msk $0xffff, v49  }
0x3fc: {  	[tilespmem:s20+$0xDA00] =	vst.add.f32.msk $0xffff, v50  }
0x3fd: {  	[tilespmem:s20+$0xDA10] =	vst.add.f32.msk $0xffff, v51  }
0x3fe: {  	[tilespmem:s20+$0xDA20] =	vst.add.f32.msk $0xffff, v52  }
0x3ff: {  	[tilespmem:s20+$0xDA30] =	vst.add.f32.msk $0xffff, v53  }
0x400: {  	[tilespmem:s20+$0xDA40] =	vst.add.f32.msk $0xffff, v54  }
0x401: {  	[tilespmem:s20+$0xDA50] =	vst.add.f32.msk $0xffff, v55  }
0x402: {  	[tilespmem:s20+$0xDA60] =	vst.add.f32.msk $0xffff, v56  }
0x403: {  	[tilespmem:s20+$0xDA70] =	vst.add.f32.msk $0xffff, v57  }
0x404: {  	[tilespmem:s20+$0xDE00] =	vst.add.f32.msk $0xffff, v58  }
0x405: {  	[tilespmem:s20+$0xDE10] =	vst.add.f32.msk $0xffff, v59  }
0x406: {  	[tilespmem:s20+$0xDE20] =	vst.add.f32.msk $0xffff, v60  }
0x407: {  	[tilespmem:s20+$0xDE30] =	vst.add.f32.msk $0xffff, v61  }
0x408: {  	[tilespmem:s20+$0xDE40] =	vst.add.f32.msk $0xffff, v62  }
0x409: {  	s22 =	simm.s32 $0x400;
	s21 =	simm.s32 $0x80;
	[tilespmem:s20+$0xDE50] =	vst.add.f32.msk $0xffff, v63  }
0x40a: {  	s8 =	sand.u32 $0x2000, s22;
	s22 =	simm.s32 $0x800;
	s9 =	sand.u32 $0x380, s21;
	[tilespmem:s20+$0xC240] =	vst.add.f32.msk $0xffff, v0  }
.LBB2_7:
0x40b: {  	p0 =	sne.s32 s22, $0x3C00;
	[tilespmem:s20+$0xDE60] =	vst.add.f32.msk $0xffff, v3;
	s20 =	sor.u32 s9, s8  }
0x40c: {  	v0 =	vld [tilespmem:s20+$0x1E70]  }
0x40d: {  	v2 =	vld [tilespmem:s20+$0x200]  }
0x40e: {  	v5 =	vld [tilespmem:s20+$0x210]  }
0x40f: {  	v6 =	vld [tilespmem:s20+$0x220]  }
0x410: {  	v7 =	vld [tilespmem:s20+$0x230]  }
0x411: {  	[tilespmem:s20+$0xDE70] =	vst.add.f32.msk $0xffff, v0  }
0x412: {  	v0 =	vld [tilespmem:s20+$0x240]  }
0x413: {  	v8 =	vld [tilespmem:s20+$0x250]  }
0x414: {  	v9 =	vld [tilespmem:s20+$0x260]  }
0x415: {  	v10 =	vld [tilespmem:s20+$0x270]  }
0x416: {  	v11 =	vld [tilespmem:s20+$0x600]  }
0x417: {  	v12 =	vld [tilespmem:s20+$0x610]  }
0x418: {  	v13 =	vld [tilespmem:s20+$0x620]  }
0x419: {  	v14 =	vld [tilespmem:s20+$0x630]  }
0x41a: {  	v15 =	vld [tilespmem:s20+$0x640]  }
0x41b: {  	v16 =	vld [tilespmem:s20+$0x650]  }
0x41c: {  	v17 =	vld [tilespmem:s20+$0x660]  }
0x41d: {  	v18 =	vld [tilespmem:s20+$0x670]  }
0x41e: {  	v19 =	vld [tilespmem:s20+$0xA00]  }
0x41f: {  	v20 =	vld [tilespmem:s20+$0xA10]  }
0x420: {  	v21 =	vld [tilespmem:s20+$0xA20]  }
0x421: {  	v22 =	vld [tilespmem:s20+$0xA30]  }
0x422: {  	v23 =	vld [tilespmem:s20+$0xA40]  }
0x423: {  	v24 =	vld [tilespmem:s20+$0xA50]  }
0x424: {  	v25 =	vld [tilespmem:s20+$0xA60]  }
0x425: {  	v26 =	vld [tilespmem:s20+$0xA70]  }
0x426: {  	v27 =	vld [tilespmem:s20+$0xE00]  }
0x427: {  	v28 =	vld [tilespmem:s20+$0xE10]  }
0x428: {  	v29 =	vld [tilespmem:s20+$0xE20]  }
0x429: {  	v30 =	vld [tilespmem:s20+$0xE30]  }
0x42a: {  	v31 =	vld [tilespmem:s20+$0xE40]  }
0x42b: {  	v32 =	vld [tilespmem:s20+$0xE50]  }
0x42c: {  	v33 =	vld [tilespmem:s20+$0xE60]  }
0x42d: {  	v34 =	vld [tilespmem:s20+$0xE70]  }
0x42e: {  	v35 =	vld [tilespmem:s20+$0x1200]  }
0x42f: {  	v36 =	vld [tilespmem:s20+$0x1210]  }
0x430: {  	v37 =	vld [tilespmem:s20+$0x1220]  }
0x431: {  	v38 =	vld [tilespmem:s20+$0x1230]  }
0x432: {  	v39 =	vld [tilespmem:s20+$0x1240]  }
0x433: {  	v40 =	vld [tilespmem:s20+$0x1250]  }
0x434: {  	v41 =	vld [tilespmem:s20+$0x1260]  }
0x435: {  	v42 =	vld [tilespmem:s20+$0x1270]  }
0x436: {  	v43 =	vld [tilespmem:s20+$0x1600]  }
0x437: {  	v44 =	vld [tilespmem:s20+$0x1610]  }
0x438: {  	v45 =	vld [tilespmem:s20+$0x1620]  }
0x439: {  	v46 =	vld [tilespmem:s20+$0x1630]  }
0x43a: {  	v47 =	vld [tilespmem:s20+$0x1640]  }
0x43b: {  	v48 =	vld [tilespmem:s20+$0x1650]  }
0x43c: {  	v49 =	vld [tilespmem:s20+$0x1660]  }
0x43d: {  	v50 =	vld [tilespmem:s20+$0x1670]  }
0x43e: {  	v51 =	vld [tilespmem:s20+$0x1A00]  }
0x43f: {  	v52 =	vld [tilespmem:s20+$0x1A10]  }
0x440: {  	v53 =	vld [tilespmem:s20+$0x1A20]  }
0x441: {  	v54 =	vld [tilespmem:s20+$0x1A30]  }
0x442: {  	v55 =	vld [tilespmem:s20+$0x1A40]  }
0x443: {  	v56 =	vld [tilespmem:s20+$0x1A50]  }
0x444: {  	v57 =	vld [tilespmem:s20+$0x1A60]  }
0x445: {  	v58 =	vld [tilespmem:s20+$0x1A70]  }
0x446: {  	v59 =	vld [tilespmem:s20+$0x1E00]  }
0x447: {  	v60 =	vld [tilespmem:s20+$0x1E10]  }
0x448: {  	v61 =	vld [tilespmem:s20+$0x1E20]  }
0x449: {  	v62 =	vld [tilespmem:s20+$0x1E30]  }
0x44a: {  	v63 =	vld [tilespmem:s20+$0x1E40]  }
0x44b: {  	v4 =	vld [tilespmem:s20+$0x1E50]  }
0x44c: {  	v3 =	vld [tilespmem:s20+$0x1E60]  }
0x44d: {  	[tilespmem:s20+$0xC200] =	vst.add.f32.msk $0xffff, v2  }
0x44e: {  	[tilespmem:s20+$0xC210] =	vst.add.f32.msk $0xffff, v5  }
0x44f: {  	[tilespmem:s20+$0xC220] =	vst.add.f32.msk $0xffff, v6  }
0x450: {  	[tilespmem:s20+$0xC230] =	vst.add.f32.msk $0xffff, v7  }
0x451: {  	[tilespmem:s20+$0xC240] =	vst.add.f32.msk $0xffff, v0  }
0x452: {  	[tilespmem:s20+$0xC250] =	vst.add.f32.msk $0xffff, v8  }
0x453: {  	[tilespmem:s20+$0xC260] =	vst.add.f32.msk $0xffff, v9  }
0x454: {  	[tilespmem:s20+$0xC270] =	vst.add.f32.msk $0xffff, v10  }
0x455: {  	[tilespmem:s20+$0xC600] =	vst.add.f32.msk $0xffff, v11  }
0x456: {  	[tilespmem:s20+$0xC610] =	vst.add.f32.msk $0xffff, v12  }
0x457: {  	[tilespmem:s20+$0xC620] =	vst.add.f32.msk $0xffff, v13  }
0x458: {  	[tilespmem:s20+$0xC630] =	vst.add.f32.msk $0xffff, v14  }
0x459: {  	[tilespmem:s20+$0xC640] =	vst.add.f32.msk $0xffff, v15  }
0x45a: {  	[tilespmem:s20+$0xC650] =	vst.add.f32.msk $0xffff, v16  }
0x45b: {  	[tilespmem:s20+$0xC660] =	vst.add.f32.msk $0xffff, v17  }
0x45c: {  	[tilespmem:s20+$0xC670] =	vst.add.f32.msk $0xffff, v18  }
0x45d: {  	[tilespmem:s20+$0xCA00] =	vst.add.f32.msk $0xffff, v19  }
0x45e: {  	[tilespmem:s20+$0xCA10] =	vst.add.f32.msk $0xffff, v20  }
0x45f: {  	[tilespmem:s20+$0xCA20] =	vst.add.f32.msk $0xffff, v21  }
0x460: {  	[tilespmem:s20+$0xCA30] =	vst.add.f32.msk $0xffff, v22  }
0x461: {  	[tilespmem:s20+$0xCA40] =	vst.add.f32.msk $0xffff, v23  }
0x462: {  	[tilespmem:s20+$0xCA50] =	vst.add.f32.msk $0xffff, v24  }
0x463: {  	[tilespmem:s20+$0xCA60] =	vst.add.f32.msk $0xffff, v25  }
0x464: {  	[tilespmem:s20+$0xCA70] =	vst.add.f32.msk $0xffff, v26  }
0x465: {  	[tilespmem:s20+$0xCE00] =	vst.add.f32.msk $0xffff, v27  }
0x466: {  	[tilespmem:s20+$0xCE10] =	vst.add.f32.msk $0xffff, v28  }
0x467: {  	[tilespmem:s20+$0xCE20] =	vst.add.f32.msk $0xffff, v29  }
0x468: {  	[tilespmem:s20+$0xCE30] =	vst.add.f32.msk $0xffff, v30  }
0x469: {  	[tilespmem:s20+$0xCE40] =	vst.add.f32.msk $0xffff, v31  }
0x46a: {  	[tilespmem:s20+$0xCE50] =	vst.add.f32.msk $0xffff, v32  }
0x46b: {  	[tilespmem:s20+$0xCE60] =	vst.add.f32.msk $0xffff, v33  }
0x46c: {  	[tilespmem:s20+$0xCE70] =	vst.add.f32.msk $0xffff, v34  }
0x46d: {  	[tilespmem:s20+$0xD200] =	vst.add.f32.msk $0xffff, v35  }
0x46e: {  	[tilespmem:s20+$0xD210] =	vst.add.f32.msk $0xffff, v36  }
0x46f: {  	[tilespmem:s20+$0xD220] =	vst.add.f32.msk $0xffff, v37  }
0x470: {  	[tilespmem:s20+$0xD230] =	vst.add.f32.msk $0xffff, v38  }
0x471: {  	[tilespmem:s20+$0xD240] =	vst.add.f32.msk $0xffff, v39  }
0x472: {  	[tilespmem:s20+$0xD250] =	vst.add.f32.msk $0xffff, v40  }
0x473: {  	[tilespmem:s20+$0xD260] =	vst.add.f32.msk $0xffff, v41  }
0x474: {  	[tilespmem:s20+$0xD270] =	vst.add.f32.msk $0xffff, v42  }
0x475: {  	[tilespmem:s20+$0xD600] =	vst.add.f32.msk $0xffff, v43  }
0x476: {  	[tilespmem:s20+$0xD610] =	vst.add.f32.msk $0xffff, v44  }
0x477: {  	[tilespmem:s20+$0xD620] =	vst.add.f32.msk $0xffff, v45  }
0x478: {  	[tilespmem:s20+$0xD630] =	vst.add.f32.msk $0xffff, v46  }
0x479: {  	[tilespmem:s20+$0xD640] =	vst.add.f32.msk $0xffff, v47  }
0x47a: {  	[tilespmem:s20+$0xD650] =	vst.add.f32.msk $0xffff, v48  }
0x47b: {  	[tilespmem:s20+$0xD660] =	vst.add.f32.msk $0xffff, v49  }
0x47c: {  	[tilespmem:s20+$0xD670] =	vst.add.f32.msk $0xffff, v50  }
0x47d: {  	[tilespmem:s20+$0xDA00] =	vst.add.f32.msk $0xffff, v51  }
0x47e: {  	[tilespmem:s20+$0xDA10] =	vst.add.f32.msk $0xffff, v52  }
0x47f: {  	[tilespmem:s20+$0xDA20] =	vst.add.f32.msk $0xffff, v53  }
0x480: {  	[tilespmem:s20+$0xDA30] =	vst.add.f32.msk $0xffff, v54  }
0x481: {  	[tilespmem:s20+$0xDA40] =	vst.add.f32.msk $0xffff, v55  }
0x482: {  	[tilespmem:s20+$0xDA50] =	vst.add.f32.msk $0xffff, v56  }
0x483: {  	[tilespmem:s20+$0xDA60] =	vst.add.f32.msk $0xffff, v57  }
0x484: {  	[tilespmem:s20+$0xDA70] =	vst.add.f32.msk $0xffff, v58  }
0x485: {  	[tilespmem:s20+$0xDE00] =	vst.add.f32.msk $0xffff, v59  }
.Ltmp2:
0x486: {  	[tilespmem:s20+$0xDE10] =	vst.add.f32.msk $0xffff, v60;
	(pc) =	sbr.rel @p0 .LBB2_7-.Ltmp2, $4  }
0x487: {  	[tilespmem:s20+$0xDE20] =	vst.add.f32.msk $0xffff, v61  }
0x488: {  	[tilespmem:s20+$0xDE30] =	vst.add.f32.msk $0xffff, v62  }
0x489: {  	s21 =	sadd.s32 $0x80, s21;
	[tilespmem:s20+$0xDE40] =	vst.add.f32.msk $0xffff, v63  }
0x48a: {  	s8 =	sand.u32 $0x2000, s22;
	s22 =	sadd.s32 $0x400, s22;
	s9 =	sand.u32 $0x380, s21;
	[tilespmem:s20+$0xDE50] =	vst.add.f32.msk $0xffff, v4  }
0x48b: {  	s21 =	sor.u32 s9, s8;
	[tilespmem:s20+$0xDE60] =	vst.add.f32.msk $0xffff, v3  }
0x48c: {  	v0 =	vld [tilespmem:s21+$0x1E70]  }
0x48d: {  	v2 =	vld [tilespmem:s21+$0x200]  }
0x48e: {  	v3 =	vld [tilespmem:s21+$0x210]  }
0x48f: {  	v4 =	vld [tilespmem:s21+$0x220]  }
0x490: {  	v5 =	vld [tilespmem:s21+$0x230]  }
0x491: {  	v6 =	vld [tilespmem:s21+$0x250]  }
0x492: {  	v7 =	vld [tilespmem:s21+$0x260]  }
0x493: {  	v8 =	vld [tilespmem:s21+$0x270]  }
0x494: {  	v9 =	vld [tilespmem:s21+$0x600]  }
0x495: {  	v10 =	vld [tilespmem:s21+$0x610]  }
0x496: {  	v11 =	vld [tilespmem:s21+$0x620]  }
0x497: {  	v12 =	vld [tilespmem:s21+$0x630]  }
0x498: {  	v13 =	vld [tilespmem:s21+$0x640]  }
0x499: {  	v14 =	vld [tilespmem:s21+$0x650]  }
0x49a: {  	v15 =	vld [tilespmem:s21+$0x660]  }
0x49b: {  	v16 =	vld [tilespmem:s21+$0x670]  }
0x49c: {  	v17 =	vld [tilespmem:s21+$0xA00]  }
0x49d: {  	v18 =	vld [tilespmem:s21+$0xA10]  }
0x49e: {  	v19 =	vld [tilespmem:s21+$0xA20]  }
0x49f: {  	v20 =	vld [tilespmem:s21+$0xA30]  }
0x4a0: {  	v21 =	vld [tilespmem:s21+$0xA40]  }
0x4a1: {  	v22 =	vld [tilespmem:s21+$0xA50]  }
0x4a2: {  	v23 =	vld [tilespmem:s21+$0xA60]  }
0x4a3: {  	v24 =	vld [tilespmem:s21+$0xA70]  }
0x4a4: {  	v25 =	vld [tilespmem:s21+$0xE00]  }
0x4a5: {  	v26 =	vld [tilespmem:s21+$0xE10]  }
0x4a6: {  	v27 =	vld [tilespmem:s21+$0xE20]  }
0x4a7: {  	v28 =	vld [tilespmem:s21+$0xE30]  }
0x4a8: {  	v29 =	vld [tilespmem:s21+$0xE40]  }
0x4a9: {  	v30 =	vld [tilespmem:s21+$0xE50]  }
0x4aa: {  	v31 =	vld [tilespmem:s21+$0xE60]  }
0x4ab: {  	v32 =	vld [tilespmem:s21+$0xE70]  }
0x4ac: {  	v33 =	vld [tilespmem:s21+$0x1200]  }
0x4ad: {  	v34 =	vld [tilespmem:s21+$0x1210]  }
0x4ae: {  	v35 =	vld [tilespmem:s21+$0x1220]  }
0x4af: {  	v36 =	vld [tilespmem:s21+$0x1230]  }
0x4b0: {  	v37 =	vld [tilespmem:s21+$0x1240]  }
0x4b1: {  	v38 =	vld [tilespmem:s21+$0x1250]  }
0x4b2: {  	v39 =	vld [tilespmem:s21+$0x1260]  }
0x4b3: {  	v40 =	vld [tilespmem:s21+$0x1270]  }
0x4b4: {  	v41 =	vld [tilespmem:s21+$0x1600]  }
0x4b5: {  	v42 =	vld [tilespmem:s21+$0x1610]  }
0x4b6: {  	v43 =	vld [tilespmem:s21+$0x1620]  }
0x4b7: {  	v44 =	vld [tilespmem:s21+$0x1630]  }
0x4b8: {  	v45 =	vld [tilespmem:s21+$0x1640]  }
0x4b9: {  	v46 =	vld [tilespmem:s21+$0x1650]  }
0x4ba: {  	v47 =	vld [tilespmem:s21+$0x1660]  }
0x4bb: {  	v48 =	vld [tilespmem:s21+$0x1670]  }
0x4bc: {  	v49 =	vld [tilespmem:s21+$0x1A00]  }
0x4bd: {  	v50 =	vld [tilespmem:s21+$0x1A10]  }
0x4be: {  	v51 =	vld [tilespmem:s21+$0x1A20]  }
0x4bf: {  	v52 =	vld [tilespmem:s21+$0x1A30]  }
0x4c0: {  	v53 =	vld [tilespmem:s21+$0x1A40]  }
0x4c1: {  	v54 =	vld [tilespmem:s21+$0x1A50]  }
0x4c2: {  	v55 =	vld [tilespmem:s21+$0x1A60]  }
0x4c3: {  	v56 =	vld [tilespmem:s21+$0x1A70]  }
0x4c4: {  	v57 =	vld [tilespmem:s21+$0x1E00]  }
0x4c5: {  	v58 =	vld [tilespmem:s21+$0x1E10]  }
0x4c6: {  	v59 =	vld [tilespmem:s21+$0x1E20]  }
0x4c7: {  	v60 =	vld [tilespmem:s21+$0x1E30]  }
0x4c8: {  	v61 =	vld [tilespmem:s21+$0x1E40]  }
0x4c9: {  	v62 =	vld [tilespmem:s21+$0x1E50]  }
0x4ca: {  	v63 =	vld [tilespmem:s21+$0x1E60]  }
0x4cb: {  	[tilespmem:s21+$0xDE70] =	vst.add.f32.msk $0xffff, v0  }
0x4cc: {  	v0 =	vld [tilespmem:s21+$0x240]  }
0x4cd: {  	[tilespmem:s21+$0xC200] =	vst.add.f32.msk $0xffff, v2  }
0x4ce: {  	[tilespmem:s21+$0xC210] =	vst.add.f32.msk $0xffff, v3  }
0x4cf: {  	[tilespmem:s21+$0xC220] =	vst.add.f32.msk $0xffff, v4  }
0x4d0: {  	[tilespmem:s21+$0xC230] =	vst.add.f32.msk $0xffff, v5  }
0x4d1: {  	[tilespmem:s21+$0xC250] =	vst.add.f32.msk $0xffff, v6  }
0x4d2: {  	[tilespmem:s21+$0xC260] =	vst.add.f32.msk $0xffff, v7  }
0x4d3: {  	[tilespmem:s21+$0xC270] =	vst.add.f32.msk $0xffff, v8  }
0x4d4: {  	[tilespmem:s21+$0xC600] =	vst.add.f32.msk $0xffff, v9  }
0x4d5: {  	[tilespmem:s21+$0xC610] =	vst.add.f32.msk $0xffff, v10  }
0x4d6: {  	[tilespmem:s21+$0xC620] =	vst.add.f32.msk $0xffff, v11  }
0x4d7: {  	[tilespmem:s21+$0xC630] =	vst.add.f32.msk $0xffff, v12  }
0x4d8: {  	[tilespmem:s21+$0xC640] =	vst.add.f32.msk $0xffff, v13  }
0x4d9: {  	[tilespmem:s21+$0xC650] =	vst.add.f32.msk $0xffff, v14  }
0x4da: {  	[tilespmem:s21+$0xC660] =	vst.add.f32.msk $0xffff, v15  }
0x4db: {  	[tilespmem:s21+$0xC670] =	vst.add.f32.msk $0xffff, v16  }
0x4dc: {  	[tilespmem:s21+$0xCA00] =	vst.add.f32.msk $0xffff, v17  }
0x4dd: {  	[tilespmem:s21+$0xCA10] =	vst.add.f32.msk $0xffff, v18  }
0x4de: {  	[tilespmem:s21+$0xCA20] =	vst.add.f32.msk $0xffff, v19  }
0x4df: {  	[tilespmem:s21+$0xCA30] =	vst.add.f32.msk $0xffff, v20  }
0x4e0: {  	[tilespmem:s21+$0xCA40] =	vst.add.f32.msk $0xffff, v21  }
0x4e1: {  	[tilespmem:s21+$0xCA50] =	vst.add.f32.msk $0xffff, v22  }
0x4e2: {  	[tilespmem:s21+$0xCA60] =	vst.add.f32.msk $0xffff, v23  }
0x4e3: {  	[tilespmem:s21+$0xCA70] =	vst.add.f32.msk $0xffff, v24  }
0x4e4: {  	[tilespmem:s21+$0xCE00] =	vst.add.f32.msk $0xffff, v25  }
0x4e5: {  	[tilespmem:s21+$0xCE10] =	vst.add.f32.msk $0xffff, v26  }
0x4e6: {  	[tilespmem:s21+$0xCE20] =	vst.add.f32.msk $0xffff, v27  }
0x4e7: {  	[tilespmem:s21+$0xCE30] =	vst.add.f32.msk $0xffff, v28  }
0x4e8: {  	[tilespmem:s21+$0xCE40] =	vst.add.f32.msk $0xffff, v29  }
0x4e9: {  	[tilespmem:s21+$0xCE50] =	vst.add.f32.msk $0xffff, v30  }
0x4ea: {  	[tilespmem:s21+$0xCE60] =	vst.add.f32.msk $0xffff, v31  }
0x4eb: {  	[tilespmem:s21+$0xCE70] =	vst.add.f32.msk $0xffff, v32  }
0x4ec: {  	[tilespmem:s21+$0xD200] =	vst.add.f32.msk $0xffff, v33  }
0x4ed: {  	[tilespmem:s21+$0xD210] =	vst.add.f32.msk $0xffff, v34  }
0x4ee: {  	[tilespmem:s21+$0xD220] =	vst.add.f32.msk $0xffff, v35  }
0x4ef: {  	[tilespmem:s21+$0xD230] =	vst.add.f32.msk $0xffff, v36  }
0x4f0: {  	[tilespmem:s21+$0xD240] =	vst.add.f32.msk $0xffff, v37  }
0x4f1: {  	[tilespmem:s21+$0xD250] =	vst.add.f32.msk $0xffff, v38  }
0x4f2: {  	[tilespmem:s21+$0xD260] =	vst.add.f32.msk $0xffff, v39  }
0x4f3: {  	[tilespmem:s21+$0xD270] =	vst.add.f32.msk $0xffff, v40  }
0x4f4: {  	[tilespmem:s21+$0xD600] =	vst.add.f32.msk $0xffff, v41  }
0x4f5: {  	[tilespmem:s21+$0xD610] =	vst.add.f32.msk $0xffff, v42  }
0x4f6: {  	[tilespmem:s21+$0xD620] =	vst.add.f32.msk $0xffff, v43  }
0x4f7: {  	[tilespmem:s21+$0xD630] =	vst.add.f32.msk $0xffff, v44  }
0x4f8: {  	[tilespmem:s21+$0xD640] =	vst.add.f32.msk $0xffff, v45  }
0x4f9: {  	[tilespmem:s21+$0xD650] =	vst.add.f32.msk $0xffff, v46  }
0x4fa: {  	[tilespmem:s21+$0xD660] =	vst.add.f32.msk $0xffff, v47  }
0x4fb: {  	[tilespmem:s21+$0xD670] =	vst.add.f32.msk $0xffff, v48  }
0x4fc: {  	[tilespmem:s21+$0xDA00] =	vst.add.f32.msk $0xffff, v49  }
0x4fd: {  	[tilespmem:s21+$0xDA10] =	vst.add.f32.msk $0xffff, v50  }
0x4fe: {  	[tilespmem:s21+$0xDA20] =	vst.add.f32.msk $0xffff, v51  }
0x4ff: {  	[tilespmem:s21+$0xDA30] =	vst.add.f32.msk $0xffff, v52  }
0x500: {  	[tilespmem:s21+$0xDA40] =	vst.add.f32.msk $0xffff, v53  }
0x501: {  	[tilespmem:s21+$0xDA50] =	vst.add.f32.msk $0xffff, v54  }
0x502: {  	[tilespmem:s21+$0xDA60] =	vst.add.f32.msk $0xffff, v55  }
0x503: {  	[tilespmem:s21+$0xDA70] =	vst.add.f32.msk $0xffff, v56  }
0x504: {  	[tilespmem:s21+$0xDE00] =	vst.add.f32.msk $0xffff, v57  }
0x505: {  	[tilespmem:s21+$0xDE10] =	vst.add.f32.msk $0xffff, v58  }
0x506: {  	[tilespmem:s21+$0xDE20] =	vst.add.f32.msk $0xffff, v59  }
0x507: {  	[tilespmem:s21+$0xDE30] =	vst.add.f32.msk $0xffff, v60  }
0x508: {  	[tilespmem:s21+$0xDE40] =	vst.add.f32.msk $0xffff, v61  }
0x509: {  	s9 =	sadd.s32 s10, s0;
	[tilespmem:s21+$0xDE50] =	vst.add.f32.msk $0xffff, v62  }
0x50a: {  	s8 =	sshll.u32 s9, $0x7;
	[tilespmem:s21+$0xDE60] =	vst.add.f32.msk $0xffff, v63  }
0x50b: {  	s20 =	simm.s32 $0x0;
	s8 =	sadd.s32 s2, s8;
	[tilespmem:s21+$0xC240] =	vst.add.f32.msk $0xffff, v0  }
0x50c: {  	[hbm4b:s8+s20] =	stream.linear.scatter [tilespmem:s14], [sflag:$0x7], $0x4000, $0x38;
	[tilespmem:$0x14200] =	vst v63  }
0x50d: {  	_ =	swait.ge [sflag:s23], $0x4000  }
0x50e: {  	s9 =	sand.u32 $0x380, s20;
	s21 =	sand.u32 $0x2000, s20;
	[sflag:s23] =	ssyncset.done $0x0  }
0x50f: {  	s20 =	sor.u32 s9, s21;
	[sflag:s23] =	ssyncadd.s32 $0xFFFFC000  }
0x510: {  	v0 =	vld [tilespmem:s20+$0x1E70]  }
0x511: {  	v2 =	vld [tilespmem:s20+$0x200]  }
0x512: {  	v4 =	vld [tilespmem:s20+$0x210]  }
0x513: {  	v5 =	vld [tilespmem:s20+$0x220]  }
0x514: {  	v6 =	vld [tilespmem:s20+$0x230]  }
0x515: {  	v7 =	vld [tilespmem:s20+$0x250]  }
0x516: {  	v8 =	vld [tilespmem:s20+$0x260]  }
0x517: {  	v9 =	vld [tilespmem:s20+$0x270]  }
0x518: {  	v10 =	vld [tilespmem:s20+$0x600]  }
0x519: {  	v11 =	vld [tilespmem:s20+$0x610]  }
0x51a: {  	v12 =	vld [tilespmem:s20+$0x620]  }
0x51b: {  	v13 =	vld [tilespmem:s20+$0x630]  }
0x51c: {  	v14 =	vld [tilespmem:s20+$0x640]  }
0x51d: {  	v15 =	vld [tilespmem:s20+$0x650]  }
0x51e: {  	v16 =	vld [tilespmem:s20+$0x660]  }
0x51f: {  	v17 =	vld [tilespmem:s20+$0x670]  }
0x520: {  	v18 =	vld [tilespmem:s20+$0xA00]  }
0x521: {  	v19 =	vld [tilespmem:s20+$0xA10]  }
0x522: {  	v20 =	vld [tilespmem:s20+$0xA20]  }
0x523: {  	v21 =	vld [tilespmem:s20+$0xA30]  }
0x524: {  	v22 =	vld [tilespmem:s20+$0xA40]  }
0x525: {  	v23 =	vld [tilespmem:s20+$0xA50]  }
0x526: {  	v24 =	vld [tilespmem:s20+$0xA60]  }
0x527: {  	v25 =	vld [tilespmem:s20+$0xA70]  }
0x528: {  	v26 =	vld [tilespmem:s20+$0xE00]  }
0x529: {  	v27 =	vld [tilespmem:s20+$0xE10]  }
0x52a: {  	v28 =	vld [tilespmem:s20+$0xE20]  }
0x52b: {  	v29 =	vld [tilespmem:s20+$0xE30]  }
0x52c: {  	v30 =	vld [tilespmem:s20+$0xE40]  }
0x52d: {  	v31 =	vld [tilespmem:s20+$0xE50]  }
0x52e: {  	v32 =	vld [tilespmem:s20+$0xE60]  }
0x52f: {  	v33 =	vld [tilespmem:s20+$0xE70]  }
0x530: {  	v34 =	vld [tilespmem:s20+$0x1200]  }
0x531: {  	v35 =	vld [tilespmem:s20+$0x1210]  }
0x532: {  	v36 =	vld [tilespmem:s20+$0x1220]  }
0x533: {  	v37 =	vld [tilespmem:s20+$0x1230]  }
0x534: {  	v38 =	vld [tilespmem:s20+$0x1240]  }
0x535: {  	v39 =	vld [tilespmem:s20+$0x1250]  }
0x536: {  	v40 =	vld [tilespmem:s20+$0x1260]  }
0x537: {  	v41 =	vld [tilespmem:s20+$0x1270]  }
0x538: {  	v42 =	vld [tilespmem:s20+$0x1600]  }
0x539: {  	v43 =	vld [tilespmem:s20+$0x1610]  }
0x53a: {  	v44 =	vld [tilespmem:s20+$0x1620]  }
0x53b: {  	v45 =	vld [tilespmem:s20+$0x1630]  }
0x53c: {  	v46 =	vld [tilespmem:s20+$0x1640]  }
0x53d: {  	v47 =	vld [tilespmem:s20+$0x1650]  }
0x53e: {  	v48 =	vld [tilespmem:s20+$0x1660]  }
0x53f: {  	v49 =	vld [tilespmem:s20+$0x1670]  }
0x540: {  	v50 =	vld [tilespmem:s20+$0x1A00]  }
0x541: {  	v51 =	vld [tilespmem:s20+$0x1A10]  }
0x542: {  	v52 =	vld [tilespmem:s20+$0x1A20]  }
0x543: {  	v53 =	vld [tilespmem:s20+$0x1A30]  }
0x544: {  	v54 =	vld [tilespmem:s20+$0x1A40]  }
0x545: {  	v55 =	vld [tilespmem:s20+$0x1A50]  }
0x546: {  	v56 =	vld [tilespmem:s20+$0x1A60]  }
0x547: {  	v57 =	vld [tilespmem:s20+$0x1A70]  }
0x548: {  	v58 =	vld [tilespmem:s20+$0x1E00]  }
0x549: {  	v59 =	vld [tilespmem:s20+$0x1E10]  }
0x54a: {  	v60 =	vld [tilespmem:s20+$0x1E20]  }
0x54b: {  	v61 =	vld [tilespmem:s20+$0x1E30]  }
0x54c: {  	v62 =	vld [tilespmem:s20+$0x1E40]  }
0x54d: {  	v63 =	vld [tilespmem:s20+$0x1E50]  }
0x54e: {  	v3 =	vld [tilespmem:s20+$0x1E60]  }
0x54f: {  	[tilespmem:s20+$0x11E70] =	vst.add.f32.msk $0xffff, v0  }
0x550: {  	v0 =	vld [tilespmem:s20+$0x240]  }
0x551: {  	[tilespmem:s20+$0x10200] =	vst.add.f32.msk $0xffff, v2  }
0x552: {  	[tilespmem:s20+$0x10210] =	vst.add.f32.msk $0xffff, v4  }
0x553: {  	[tilespmem:s20+$0x10220] =	vst.add.f32.msk $0xffff, v5  }
0x554: {  	[tilespmem:s20+$0x10230] =	vst.add.f32.msk $0xffff, v6  }
0x555: {  	[tilespmem:s20+$0x10250] =	vst.add.f32.msk $0xffff, v7  }
0x556: {  	[tilespmem:s20+$0x10260] =	vst.add.f32.msk $0xffff, v8  }
0x557: {  	[tilespmem:s20+$0x10270] =	vst.add.f32.msk $0xffff, v9  }
0x558: {  	[tilespmem:s20+$0x10600] =	vst.add.f32.msk $0xffff, v10  }
0x559: {  	[tilespmem:s20+$0x10610] =	vst.add.f32.msk $0xffff, v11  }
0x55a: {  	[tilespmem:s20+$0x10620] =	vst.add.f32.msk $0xffff, v12  }
0x55b: {  	[tilespmem:s20+$0x10630] =	vst.add.f32.msk $0xffff, v13  }
0x55c: {  	[tilespmem:s20+$0x10640] =	vst.add.f32.msk $0xffff, v14  }
0x55d: {  	[tilespmem:s20+$0x10650] =	vst.add.f32.msk $0xffff, v15  }
0x55e: {  	[tilespmem:s20+$0x10660] =	vst.add.f32.msk $0xffff, v16  }
0x55f: {  	[tilespmem:s20+$0x10670] =	vst.add.f32.msk $0xffff, v17  }
0x560: {  	[tilespmem:s20+$0x10A00] =	vst.add.f32.msk $0xffff, v18  }
0x561: {  	[tilespmem:s20+$0x10A10] =	vst.add.f32.msk $0xffff, v19  }
0x562: {  	[tilespmem:s20+$0x10A20] =	vst.add.f32.msk $0xffff, v20  }
0x563: {  	[tilespmem:s20+$0x10A30] =	vst.add.f32.msk $0xffff, v21  }
0x564: {  	[tilespmem:s20+$0x10A40] =	vst.add.f32.msk $0xffff, v22  }
0x565: {  	[tilespmem:s20+$0x10A50] =	vst.add.f32.msk $0xffff, v23  }
0x566: {  	[tilespmem:s20+$0x10A60] =	vst.add.f32.msk $0xffff, v24  }
0x567: {  	[tilespmem:s20+$0x10A70] =	vst.add.f32.msk $0xffff, v25  }
0x568: {  	[tilespmem:s20+$0x10E00] =	vst.add.f32.msk $0xffff, v26  }
0x569: {  	[tilespmem:s20+$0x10E10] =	vst.add.f32.msk $0xffff, v27  }
0x56a: {  	[tilespmem:s20+$0x10E20] =	vst.add.f32.msk $0xffff, v28  }
0x56b: {  	[tilespmem:s20+$0x10E30] =	vst.add.f32.msk $0xffff, v29  }
0x56c: {  	[tilespmem:s20+$0x10E40] =	vst.add.f32.msk $0xffff, v30  }
0x56d: {  	[tilespmem:s20+$0x10E50] =	vst.add.f32.msk $0xffff, v31  }
0x56e: {  	[tilespmem:s20+$0x10E60] =	vst.add.f32.msk $0xffff, v32  }
0x56f: {  	[tilespmem:s20+$0x10E70] =	vst.add.f32.msk $0xffff, v33  }
0x570: {  	[tilespmem:s20+$0x11200] =	vst.add.f32.msk $0xffff, v34  }
0x571: {  	[tilespmem:s20+$0x11210] =	vst.add.f32.msk $0xffff, v35  }
0x572: {  	[tilespmem:s20+$0x11220] =	vst.add.f32.msk $0xffff, v36  }
0x573: {  	[tilespmem:s20+$0x11230] =	vst.add.f32.msk $0xffff, v37  }
0x574: {  	[tilespmem:s20+$0x11240] =	vst.add.f32.msk $0xffff, v38  }
0x575: {  	[tilespmem:s20+$0x11250] =	vst.add.f32.msk $0xffff, v39  }
0x576: {  	[tilespmem:s20+$0x11260] =	vst.add.f32.msk $0xffff, v40  }
0x577: {  	[tilespmem:s20+$0x11270] =	vst.add.f32.msk $0xffff, v41  }
0x578: {  	[tilespmem:s20+$0x11600] =	vst.add.f32.msk $0xffff, v42  }
0x579: {  	[tilespmem:s20+$0x11610] =	vst.add.f32.msk $0xffff, v43  }
0x57a: {  	[tilespmem:s20+$0x11620] =	vst.add.f32.msk $0xffff, v44  }
0x57b: {  	[tilespmem:s20+$0x11630] =	vst.add.f32.msk $0xffff, v45  }
0x57c: {  	[tilespmem:s20+$0x11640] =	vst.add.f32.msk $0xffff, v46  }
0x57d: {  	[tilespmem:s20+$0x11650] =	vst.add.f32.msk $0xffff, v47  }
0x57e: {  	[tilespmem:s20+$0x11660] =	vst.add.f32.msk $0xffff, v48  }
0x57f: {  	[tilespmem:s20+$0x11670] =	vst.add.f32.msk $0xffff, v49  }
0x580: {  	[tilespmem:s20+$0x11A00] =	vst.add.f32.msk $0xffff, v50  }
0x581: {  	[tilespmem:s20+$0x11A10] =	vst.add.f32.msk $0xffff, v51  }
0x582: {  	[tilespmem:s20+$0x11A20] =	vst.add.f32.msk $0xffff, v52  }
0x583: {  	[tilespmem:s20+$0x11A30] =	vst.add.f32.msk $0xffff, v53  }
0x584: {  	[tilespmem:s20+$0x11A40] =	vst.add.f32.msk $0xffff, v54  }
0x585: {  	[tilespmem:s20+$0x11A50] =	vst.add.f32.msk $0xffff, v55  }
0x586: {  	[tilespmem:s20+$0x11A60] =	vst.add.f32.msk $0xffff, v56  }
0x587: {  	[tilespmem:s20+$0x11A70] =	vst.add.f32.msk $0xffff, v57  }
0x588: {  	[tilespmem:s20+$0x11E00] =	vst.add.f32.msk $0xffff, v58  }
0x589: {  	[tilespmem:s20+$0x11E10] =	vst.add.f32.msk $0xffff, v59  }
0x58a: {  	[tilespmem:s20+$0x11E20] =	vst.add.f32.msk $0xffff, v60  }
0x58b: {  	[tilespmem:s20+$0x11E30] =	vst.add.f32.msk $0xffff, v61  }
0x58c: {  	[tilespmem:s20+$0x11E40] =	vst.add.f32.msk $0xffff, v62  }
0x58d: {  	s22 =	simm.s32 $0x400;
	s21 =	simm.s32 $0x80;
	[tilespmem:s20+$0x11E50] =	vst.add.f32.msk $0xffff, v63  }
0x58e: {  	s8 =	sand.u32 $0x2000, s22;
	s22 =	simm.s32 $0x800;
	s9 =	sand.u32 $0x380, s21;
	[tilespmem:s20+$0x10240] =	vst.add.f32.msk $0xffff, v0  }
.LBB2_9:
0x58f: {  	p0 =	sne.s32 s22, $0x3C00;
	[tilespmem:s20+$0x11E60] =	vst.add.f32.msk $0xffff, v3;
	s20 =	sor.u32 s9, s8  }
0x590: {  	v0 =	vld [tilespmem:s20+$0x1E70]  }
0x591: {  	v2 =	vld [tilespmem:s20+$0x200]  }
0x592: {  	v5 =	vld [tilespmem:s20+$0x210]  }
0x593: {  	v6 =	vld [tilespmem:s20+$0x220]  }
0x594: {  	v7 =	vld [tilespmem:s20+$0x230]  }
0x595: {  	[tilespmem:s20+$0x11E70] =	vst.add.f32.msk $0xffff, v0  }
0x596: {  	v0 =	vld [tilespmem:s20+$0x240]  }
0x597: {  	v8 =	vld [tilespmem:s20+$0x250]  }
0x598: {  	v9 =	vld [tilespmem:s20+$0x260]  }
0x599: {  	v10 =	vld [tilespmem:s20+$0x270]  }
0x59a: {  	v11 =	vld [tilespmem:s20+$0x600]  }
0x59b: {  	v12 =	vld [tilespmem:s20+$0x610]  }
0x59c: {  	v13 =	vld [tilespmem:s20+$0x620]  }
0x59d: {  	v14 =	vld [tilespmem:s20+$0x630]  }
0x59e: {  	v15 =	vld [tilespmem:s20+$0x640]  }
0x59f: {  	v16 =	vld [tilespmem:s20+$0x650]  }
0x5a0: {  	v17 =	vld [tilespmem:s20+$0x660]  }
0x5a1: {  	v18 =	vld [tilespmem:s20+$0x670]  }
0x5a2: {  	v19 =	vld [tilespmem:s20+$0xA00]  }
0x5a3: {  	v20 =	vld [tilespmem:s20+$0xA10]  }
0x5a4: {  	v21 =	vld [tilespmem:s20+$0xA20]  }
0x5a5: {  	v22 =	vld [tilespmem:s20+$0xA30]  }
0x5a6: {  	v23 =	vld [tilespmem:s20+$0xA40]  }
0x5a7: {  	v24 =	vld [tilespmem:s20+$0xA50]  }
0x5a8: {  	v25 =	vld [tilespmem:s20+$0xA60]  }
0x5a9: {  	v26 =	vld [tilespmem:s20+$0xA70]  }
0x5aa: {  	v27 =	vld [tilespmem:s20+$0xE00]  }
0x5ab: {  	v28 =	vld [tilespmem:s20+$0xE10]  }
0x5ac: {  	v29 =	vld [tilespmem:s20+$0xE20]  }
0x5ad: {  	v30 =	vld [tilespmem:s20+$0xE30]  }
0x5ae: {  	v31 =	vld [tilespmem:s20+$0xE40]  }
0x5af: {  	v32 =	vld [tilespmem:s20+$0xE50]  }
0x5b0: {  	v33 =	vld [tilespmem:s20+$0xE60]  }
0x5b1: {  	v34 =	vld [tilespmem:s20+$0xE70]  }
0x5b2: {  	v35 =	vld [tilespmem:s20+$0x1200]  }
0x5b3: {  	v36 =	vld [tilespmem:s20+$0x1210]  }
0x5b4: {  	v37 =	vld [tilespmem:s20+$0x1220]  }
0x5b5: {  	v38 =	vld [tilespmem:s20+$0x1230]  }
0x5b6: {  	v39 =	vld [tilespmem:s20+$0x1240]  }
0x5b7: {  	v40 =	vld [tilespmem:s20+$0x1250]  }
0x5b8: {  	v41 =	vld [tilespmem:s20+$0x1260]  }
0x5b9: {  	v42 =	vld [tilespmem:s20+$0x1270]  }
0x5ba: {  	v43 =	vld [tilespmem:s20+$0x1600]  }
0x5bb: {  	v44 =	vld [tilespmem:s20+$0x1610]  }
0x5bc: {  	v45 =	vld [tilespmem:s20+$0x1620]  }
0x5bd: {  	v46 =	vld [tilespmem:s20+$0x1630]  }
0x5be: {  	v47 =	vld [tilespmem:s20+$0x1640]  }
0x5bf: {  	v48 =	vld [tilespmem:s20+$0x1650]  }
0x5c0: {  	v49 =	vld [tilespmem:s20+$0x1660]  }
0x5c1: {  	v50 =	vld [tilespmem:s20+$0x1670]  }
0x5c2: {  	v51 =	vld [tilespmem:s20+$0x1A00]  }
0x5c3: {  	v52 =	vld [tilespmem:s20+$0x1A10]  }
0x5c4: {  	v53 =	vld [tilespmem:s20+$0x1A20]  }
0x5c5: {  	v54 =	vld [tilespmem:s20+$0x1A30]  }
0x5c6: {  	v55 =	vld [tilespmem:s20+$0x1A40]  }
0x5c7: {  	v56 =	vld [tilespmem:s20+$0x1A50]  }
0x5c8: {  	v57 =	vld [tilespmem:s20+$0x1A60]  }
0x5c9: {  	v58 =	vld [tilespmem:s20+$0x1A70]  }
0x5ca: {  	v59 =	vld [tilespmem:s20+$0x1E00]  }
0x5cb: {  	v60 =	vld [tilespmem:s20+$0x1E10]  }
0x5cc: {  	v61 =	vld [tilespmem:s20+$0x1E20]  }
0x5cd: {  	v62 =	vld [tilespmem:s20+$0x1E30]  }
0x5ce: {  	v63 =	vld [tilespmem:s20+$0x1E40]  }
0x5cf: {  	v4 =	vld [tilespmem:s20+$0x1E50]  }
0x5d0: {  	v3 =	vld [tilespmem:s20+$0x1E60]  }
0x5d1: {  	[tilespmem:s20+$0x10200] =	vst.add.f32.msk $0xffff, v2  }
0x5d2: {  	[tilespmem:s20+$0x10210] =	vst.add.f32.msk $0xffff, v5  }
0x5d3: {  	[tilespmem:s20+$0x10220] =	vst.add.f32.msk $0xffff, v6  }
0x5d4: {  	[tilespmem:s20+$0x10230] =	vst.add.f32.msk $0xffff, v7  }
0x5d5: {  	[tilespmem:s20+$0x10240] =	vst.add.f32.msk $0xffff, v0  }
0x5d6: {  	[tilespmem:s20+$0x10250] =	vst.add.f32.msk $0xffff, v8  }
0x5d7: {  	[tilespmem:s20+$0x10260] =	vst.add.f32.msk $0xffff, v9  }
0x5d8: {  	[tilespmem:s20+$0x10270] =	vst.add.f32.msk $0xffff, v10  }
0x5d9: {  	[tilespmem:s20+$0x10600] =	vst.add.f32.msk $0xffff, v11  }
0x5da: {  	[tilespmem:s20+$0x10610] =	vst.add.f32.msk $0xffff, v12  }
0x5db: {  	[tilespmem:s20+$0x10620] =	vst.add.f32.msk $0xffff, v13  }
0x5dc: {  	[tilespmem:s20+$0x10630] =	vst.add.f32.msk $0xffff, v14  }
0x5dd: {  	[tilespmem:s20+$0x10640] =	vst.add.f32.msk $0xffff, v15  }
0x5de: {  	[tilespmem:s20+$0x10650] =	vst.add.f32.msk $0xffff, v16  }
0x5df: {  	[tilespmem:s20+$0x10660] =	vst.add.f32.msk $0xffff, v17  }
0x5e0: {  	[tilespmem:s20+$0x10670] =	vst.add.f32.msk $0xffff, v18  }
0x5e1: {  	[tilespmem:s20+$0x10A00] =	vst.add.f32.msk $0xffff, v19  }
0x5e2: {  	[tilespmem:s20+$0x10A10] =	vst.add.f32.msk $0xffff, v20  }
0x5e3: {  	[tilespmem:s20+$0x10A20] =	vst.add.f32.msk $0xffff, v21  }
0x5e4: {  	[tilespmem:s20+$0x10A30] =	vst.add.f32.msk $0xffff, v22  }
0x5e5: {  	[tilespmem:s20+$0x10A40] =	vst.add.f32.msk $0xffff, v23  }
0x5e6: {  	[tilespmem:s20+$0x10A50] =	vst.add.f32.msk $0xffff, v24  }
0x5e7: {  	[tilespmem:s20+$0x10A60] =	vst.add.f32.msk $0xffff, v25  }
0x5e8: {  	[tilespmem:s20+$0x10A70] =	vst.add.f32.msk $0xffff, v26  }
0x5e9: {  	[tilespmem:s20+$0x10E00] =	vst.add.f32.msk $0xffff, v27  }
0x5ea: {  	[tilespmem:s20+$0x10E10] =	vst.add.f32.msk $0xffff, v28  }
0x5eb: {  	[tilespmem:s20+$0x10E20] =	vst.add.f32.msk $0xffff, v29  }
0x5ec: {  	[tilespmem:s20+$0x10E30] =	vst.add.f32.msk $0xffff, v30  }
0x5ed: {  	[tilespmem:s20+$0x10E40] =	vst.add.f32.msk $0xffff, v31  }
0x5ee: {  	[tilespmem:s20+$0x10E50] =	vst.add.f32.msk $0xffff, v32  }
0x5ef: {  	[tilespmem:s20+$0x10E60] =	vst.add.f32.msk $0xffff, v33  }
0x5f0: {  	[tilespmem:s20+$0x10E70] =	vst.add.f32.msk $0xffff, v34  }
0x5f1: {  	[tilespmem:s20+$0x11200] =	vst.add.f32.msk $0xffff, v35  }
0x5f2: {  	[tilespmem:s20+$0x11210] =	vst.add.f32.msk $0xffff, v36  }
0x5f3: {  	[tilespmem:s20+$0x11220] =	vst.add.f32.msk $0xffff, v37  }
0x5f4: {  	[tilespmem:s20+$0x11230] =	vst.add.f32.msk $0xffff, v38  }
0x5f5: {  	[tilespmem:s20+$0x11240] =	vst.add.f32.msk $0xffff, v39  }
0x5f6: {  	[tilespmem:s20+$0x11250] =	vst.add.f32.msk $0xffff, v40  }
0x5f7: {  	[tilespmem:s20+$0x11260] =	vst.add.f32.msk $0xffff, v41  }
0x5f8: {  	[tilespmem:s20+$0x11270] =	vst.add.f32.msk $0xffff, v42  }
0x5f9: {  	[tilespmem:s20+$0x11600] =	vst.add.f32.msk $0xffff, v43  }
0x5fa: {  	[tilespmem:s20+$0x11610] =	vst.add.f32.msk $0xffff, v44  }
0x5fb: {  	[tilespmem:s20+$0x11620] =	vst.add.f32.msk $0xffff, v45  }
0x5fc: {  	[tilespmem:s20+$0x11630] =	vst.add.f32.msk $0xffff, v46  }
0x5fd: {  	[tilespmem:s20+$0x11640] =	vst.add.f32.msk $0xffff, v47  }
0x5fe: {  	[tilespmem:s20+$0x11650] =	vst.add.f32.msk $0xffff, v48  }
0x5ff: {  	[tilespmem:s20+$0x11660] =	vst.add.f32.msk $0xffff, v49  }
0x600: {  	[tilespmem:s20+$0x11670] =	vst.add.f32.msk $0xffff, v50  }
0x601: {  	[tilespmem:s20+$0x11A00] =	vst.add.f32.msk $0xffff, v51  }
0x602: {  	[tilespmem:s20+$0x11A10] =	vst.add.f32.msk $0xffff, v52  }
0x603: {  	[tilespmem:s20+$0x11A20] =	vst.add.f32.msk $0xffff, v53  }
0x604: {  	[tilespmem:s20+$0x11A30] =	vst.add.f32.msk $0xffff, v54  }
0x605: {  	[tilespmem:s20+$0x11A40] =	vst.add.f32.msk $0xffff, v55  }
0x606: {  	[tilespmem:s20+$0x11A50] =	vst.add.f32.msk $0xffff, v56  }
0x607: {  	[tilespmem:s20+$0x11A60] =	vst.add.f32.msk $0xffff, v57  }
0x608: {  	[tilespmem:s20+$0x11A70] =	vst.add.f32.msk $0xffff, v58  }
0x609: {  	[tilespmem:s20+$0x11E00] =	vst.add.f32.msk $0xffff, v59  }
.Ltmp3:
0x60a: {  	[tilespmem:s20+$0x11E10] =	vst.add.f32.msk $0xffff, v60;
	(pc) =	sbr.rel @p0 .LBB2_9-.Ltmp3, $4  }
0x60b: {  	[tilespmem:s20+$0x11E20] =	vst.add.f32.msk $0xffff, v61  }
0x60c: {  	[tilespmem:s20+$0x11E30] =	vst.add.f32.msk $0xffff, v62  }
0x60d: {  	s21 =	sadd.s32 $0x80, s21;
	[tilespmem:s20+$0x11E40] =	vst.add.f32.msk $0xffff, v63  }
0x60e: {  	s8 =	sand.u32 $0x2000, s22;
	s22 =	sadd.s32 $0x400, s22;
	s9 =	sand.u32 $0x380, s21;
	[tilespmem:s20+$0x11E50] =	vst.add.f32.msk $0xffff, v4  }
0x60f: {  	s21 =	sor.u32 s9, s8;
	[tilespmem:s20+$0x11E60] =	vst.add.f32.msk $0xffff, v3  }
0x610: {  	v0 =	vld [tilespmem:s21+$0x1E70]  }
0x611: {  	v2 =	vld [tilespmem:s21+$0x200]  }
0x612: {  	v3 =	vld [tilespmem:s21+$0x210]  }
0x613: {  	v4 =	vld [tilespmem:s21+$0x220]  }
0x614: {  	v5 =	vld [tilespmem:s21+$0x230]  }
0x615: {  	v40 =	vld [tilespmem:s21+$0x270]  }
0x616: {  	v41 =	vld [tilespmem:s21+$0x600]  }
0x617: {  	v42 =	vld [tilespmem:s21+$0x640]  }
0x618: {  	v43 =	vld [tilespmem:s21+$0x650]  }
0x619: {  	v44 =	vld [tilespmem:s21+$0xA10]  }
0x61a: {  	v45 =	vld [tilespmem:s21+$0xA20]  }
0x61b: {  	v46 =	vld [tilespmem:s21+$0xA60]  }
0x61c: {  	v47 =	vld [tilespmem:s21+$0xA70]  }
0x61d: {  	v48 =	vld [tilespmem:s21+$0xE30]  }
0x61e: {  	v49 =	vld [tilespmem:s21+$0xE40]  }
0x61f: {  	v50 =	vld [tilespmem:s21+$0x1200]  }
0x620: {  	v51 =	vld [tilespmem:s21+$0x1210]  }
0x621: {  	v52 =	vld [tilespmem:s21+$0x1250]  }
0x622: {  	v53 =	vld [tilespmem:s21+$0x1260]  }
0x623: {  	v54 =	vld [tilespmem:s21+$0x1620]  }
0x624: {  	v55 =	vld [tilespmem:s21+$0x1630]  }
0x625: {  	v56 =	vld [tilespmem:s21+$0x1670]  }
0x626: {  	v57 =	vld [tilespmem:s21+$0x1A00]  }
0x627: {  	v58 =	vld [tilespmem:s21+$0x1A40]  }
0x628: {  	v59 =	vld [tilespmem:s21+$0x1A50]  }
0x629: {  	v60 =	vld [tilespmem:s21+$0x1E10]  }
0x62a: {  	v61 =	vld [tilespmem:s21+$0x1E20]  }
0x62b: {  	v62 =	vld [tilespmem:s21+$0x1E60]  }
0x62c: {  	[tilespmem:s21+$0x11E70] =	vst.add.f32.msk $0xffff, v0  }
0x62d: {  	v0 =	vld [tilespmem:s21+$0x240]  }
0x62e: {  	[tilespmem:s21+$0x10200] =	vst.add.f32.msk $0xffff, v2  }
0x62f: {  	v2 =	vld [tilespmem:s21+$0x250]  }
0x630: {  	[tilespmem:s21+$0x10210] =	vst.add.f32.msk $0xffff, v3  }
0x631: {  	v3 =	vld [tilespmem:s21+$0x260]  }
0x632: {  	[tilespmem:s21+$0x10220] =	vst.add.f32.msk $0xffff, v4  }
0x633: {  	[tilespmem:s21+$0x10230] =	vst.add.f32.msk $0xffff, v5  }
0x634: {  	[tilespmem:s21+$0x10270] =	vst.add.f32.msk $0xffff, v40  }
0x635: {  	[tilespmem:s21+$0x10600] =	vst.add.f32.msk $0xffff, v41  }
0x636: {  	[tilespmem:s21+$0x10640] =	vst.add.f32.msk $0xffff, v42  }
0x637: {  	[tilespmem:s21+$0x10650] =	vst.add.f32.msk $0xffff, v43  }
0x638: {  	[tilespmem:s21+$0x10A10] =	vst.add.f32.msk $0xffff, v44  }
0x639: {  	[tilespmem:s21+$0x10A20] =	vst.add.f32.msk $0xffff, v45  }
0x63a: {  	[tilespmem:s21+$0x10A60] =	vst.add.f32.msk $0xffff, v46  }
0x63b: {  	[tilespmem:s21+$0x10A70] =	vst.add.f32.msk $0xffff, v47  }
0x63c: {  	[tilespmem:s21+$0x10E30] =	vst.add.f32.msk $0xffff, v48  }
0x63d: {  	[tilespmem:s21+$0x10E40] =	vst.add.f32.msk $0xffff, v49  }
0x63e: {  	[tilespmem:s21+$0x11200] =	vst.add.f32.msk $0xffff, v50  }
0x63f: {  	[tilespmem:s21+$0x11210] =	vst.add.f32.msk $0xffff, v51  }
0x640: {  	[tilespmem:s21+$0x11250] =	vst.add.f32.msk $0xffff, v52  }
0x641: {  	[tilespmem:s21+$0x11260] =	vst.add.f32.msk $0xffff, v53  }
0x642: {  	[tilespmem:s21+$0x11620] =	vst.add.f32.msk $0xffff, v54  }
0x643: {  	[tilespmem:s21+$0x11630] =	vst.add.f32.msk $0xffff, v55  }
0x644: {  	[tilespmem:s21+$0x11670] =	vst.add.f32.msk $0xffff, v56  }
0x645: {  	[tilespmem:s21+$0x11A00] =	vst.add.f32.msk $0xffff, v57  }
0x646: {  	[tilespmem:s21+$0x11A40] =	vst.add.f32.msk $0xffff, v58  }
0x647: {  	[tilespmem:s21+$0x11A50] =	vst.add.f32.msk $0xffff, v59  }
0x648: {  	[tilespmem:s21+$0x11E10] =	vst.add.f32.msk $0xffff, v60  }
0x649: {  	[tilespmem:s21+$0x10240] =	vst.add.f32.msk $0xffff, v0  }
0x64a: {  	v0 =	vld [tilespmem:s21+$0x610]  }
0x64b: {  	[tilespmem:s21+$0x10250] =	vst.add.f32.msk $0xffff, v2  }
0x64c: {  	v2 =	vld [tilespmem:s21+$0x620]  }
0x64d: {  	[tilespmem:s21+$0x10260] =	vst.add.f32.msk $0xffff, v3  }
0x64e: {  	v3 =	vld [tilespmem:s21+$0x630]  }
0x64f: {  	[tilespmem:s21+$0x10610] =	vst.add.f32.msk $0xffff, v0  }
0x650: {  	v0 =	vld [tilespmem:s21+$0x660]  }
0x651: {  	[tilespmem:s21+$0x10620] =	vst.add.f32.msk $0xffff, v2  }
0x652: {  	v2 =	vld [tilespmem:s21+$0x670]  }
0x653: {  	[tilespmem:s21+$0x10630] =	vst.add.f32.msk $0xffff, v3  }
0x654: {  	v3 =	vld [tilespmem:s21+$0xA00]  }
0x655: {  	[tilespmem:s21+$0x10660] =	vst.add.f32.msk $0xffff, v0  }
0x656: {  	v0 =	vld [tilespmem:s21+$0xA30]  }
0x657: {  	[tilespmem:s21+$0x10670] =	vst.add.f32.msk $0xffff, v2  }
0x658: {  	v2 =	vld [tilespmem:s21+$0xA40]  }
0x659: {  	[tilespmem:s21+$0x10A00] =	vst.add.f32.msk $0xffff, v3  }
0x65a: {  	v3 =	vld [tilespmem:s21+$0xA50]  }
0x65b: {  	[tilespmem:s21+$0x10A30] =	vst.add.f32.msk $0xffff, v0  }
0x65c: {  	v0 =	vld [tilespmem:s21+$0xE00]  }
0x65d: {  	[tilespmem:s21+$0x10A40] =	vst.add.f32.msk $0xffff, v2  }
0x65e: {  	v2 =	vld [tilespmem:s21+$0xE10]  }
0x65f: {  	[tilespmem:s21+$0x10A50] =	vst.add.f32.msk $0xffff, v3  }
0x660: {  	v3 =	vld [tilespmem:s21+$0xE20]  }
0x661: {  	[tilespmem:s21+$0x10E00] =	vst.add.f32.msk $0xffff, v0  }
0x662: {  	v0 =	vld [tilespmem:s21+$0xE50]  }
0x663: {  	[tilespmem:s21+$0x10E10] =	vst.add.f32.msk $0xffff, v2  }
0x664: {  	v2 =	vld [tilespmem:s21+$0xE60]  }
0x665: {  	[tilespmem:s21+$0x10E20] =	vst.add.f32.msk $0xffff, v3  }
0x666: {  	v3 =	vld [tilespmem:s21+$0xE70]  }
0x667: {  	[tilespmem:s21+$0x10E50] =	vst.add.f32.msk $0xffff, v0  }
0x668: {  	v0 =	vld [tilespmem:s21+$0x1220]  }
0x669: {  	[tilespmem:s21+$0x10E60] =	vst.add.f32.msk $0xffff, v2  }
0x66a: {  	v2 =	vld [tilespmem:s21+$0x1230]  }
0x66b: {  	[tilespmem:s21+$0x10E70] =	vst.add.f32.msk $0xffff, v3  }
0x66c: {  	v3 =	vld [tilespmem:s21+$0x1240]  }
0x66d: {  	[tilespmem:s21+$0x11220] =	vst.add.f32.msk $0xffff, v0  }
0x66e: {  	v0 =	vld [tilespmem:s21+$0x1270]  }
0x66f: {  	[tilespmem:s21+$0x11230] =	vst.add.f32.msk $0xffff, v2  }
0x670: {  	v2 =	vld [tilespmem:s21+$0x1600]  }
0x671: {  	[tilespmem:s21+$0x11240] =	vst.add.f32.msk $0xffff, v3  }
0x672: {  	v3 =	vld [tilespmem:s21+$0x1610]  }
0x673: {  	[tilespmem:s21+$0x11270] =	vst.add.f32.msk $0xffff, v0  }
0x674: {  	v0 =	vld [tilespmem:s21+$0x1640]  }
0x675: {  	[tilespmem:s21+$0x11600] =	vst.add.f32.msk $0xffff, v2  }
0x676: {  	v2 =	vld [tilespmem:s21+$0x1650]  }
0x677: {  	[tilespmem:s21+$0x11610] =	vst.add.f32.msk $0xffff, v3  }
0x678: {  	v3 =	vld [tilespmem:s21+$0x1660]  }
0x679: {  	[tilespmem:s21+$0x11640] =	vst.add.f32.msk $0xffff, v0  }
0x67a: {  	v0 =	vld [tilespmem:s21+$0x1A10]  }
0x67b: {  	[tilespmem:s21+$0x11650] =	vst.add.f32.msk $0xffff, v2  }
0x67c: {  	v2 =	vld [tilespmem:s21+$0x1A20]  }
0x67d: {  	[tilespmem:s21+$0x11660] =	vst.add.f32.msk $0xffff, v3  }
0x67e: {  	v3 =	vld [tilespmem:s21+$0x1A30]  }
0x67f: {  	[tilespmem:s21+$0x11A10] =	vst.add.f32.msk $0xffff, v0  }
0x680: {  	v0 =	vld [tilespmem:s21+$0x1A60]  }
0x681: {  	[tilespmem:s21+$0x11A20] =	vst.add.f32.msk $0xffff, v2  }
0x682: {  	v2 =	vld [tilespmem:s21+$0x1A70]  }
0x683: {  	[tilespmem:s21+$0x11A30] =	vst.add.f32.msk $0xffff, v3  }
0x684: {  	v3 =	vld [tilespmem:s21+$0x1E00]  }
0x685: {  	[tilespmem:s21+$0x11A60] =	vst.add.f32.msk $0xffff, v0  }
0x686: {  	v0 =	vld [tilespmem:s21+$0x1E30]  }
0x687: {  	[tilespmem:s21+$0x11A70] =	vst.add.f32.msk $0xffff, v2  }
0x688: {  	v2 =	vld [tilespmem:s21+$0x1E40]  }
0x689: {  	[tilespmem:s21+$0x11E00] =	vst.add.f32.msk $0xffff, v3  }
0x68a: {  	v3 =	vld [tilespmem:s21+$0x1E50]  }
0x68b: {  	[tilespmem:s21+$0x11E20] =	vst.add.f32.msk $0xffff, v61  }
0x68c: {  	[tilespmem:s21+$0x11E60] =	vst.add.f32.msk $0xffff, v62  }
0x68d: {  	s0 =	sadd.s32 s11, s0;
	[tilespmem:s21+$0x11E30] =	vst.add.f32.msk $0xffff, v0  }
0x68e: {  	s31 =	sadd.s32 $0x1, s31;
	s0 =	sshll.u32 s0, $0x7;
	[tilespmem:s21+$0x11E40] =	vst.add.f32.msk $0xffff, v2  }
0x68f: {  	s0 =	sadd.s32 s2, s0;
	[tilespmem:s21+$0x11E50] =	vst.add.f32.msk $0xffff, v3;
	s21 =	smin.u32 s31, $0x7  }
0x690: {  	[hbm4b:s0+s4] =	stream.linear.scatter [tilespmem:s30], [sflag:$0x8], $0x4000, $0x38;
	[tilespmem:$0x14200] =	vst v63  }
0x691: {  	s0 =	sshll.u32 s21, $0x4  }
0x692: {  	s8 =	sor.u32 s6, s0  }
0x693: {  	s8 =	sshll.u32 s8, $0x7  }
0x694: {  	s22 =	simm.s32 $0x200;
	s8 =	sadd.s32 s5, s8  }
0x695: {  	[tilespmem:s22], [sflag:$0x9] =	stream.linear.gather [hbm4b:s8+s4], $0x4000, $0x38;
	[tilespmem:$0x14200] =	vst v63  }
0x696: {  	_ =	swait.ge [sflag:s25], $0x4000  }
0x697: {  	[sflag:s25] =	ssyncset.done $0x0  }
0x698: {  	[sflag:s25] =	ssyncadd.s32 $0xFFFFC000  }
0x699: {  	v0 =	vld [tilespmem:s0+$0x0];
	_ =	sdelay $0x2  }
0x69a: {  	v3 =	vld [tilespmem:$0x1FFE0];
	_ =	sdelay $0x1  }
0x69b: {  	v2 =	vshll.u32 v0, $0x3  }
0x69c: {  	v0 =	vand.u32 $0x7, v0;
	v2 =	vand.u32 $0xFFFFFFC0, v2  }
0x69d: {  	v0 =	vor.u32 v0, v2  }
0x69e: {  	v2 =	vperm.xlane v0, v3;
	_ =	sdelay $0x1  }
0x69f: {  	v2 =	vadd.s32 v1, v2  }
0x6a0: {  	v63 =	vld [tilespmem:$0x1FFF0];
	_ =	sdelay $0x3  }
0x6a1: {  	[tilespmem:s24], [sflag:$0x1] =	stream.indirect_vreg.gather [hbm4b:s1+s4], $0x80, v2, vm0, $0xb8;
	[tilespmem:$0x14200] =	vst v63  }
0x6a2: {  	s20 =	simm.s32 $0x4A00;
	v0 =	vperm.xlane v0, v63  }
0x6a3: {  	[tilespmem:s20], [sflag:$0x1] =	stream.indirect_vreg.gather [hbm4b:s15+s4], $0x80, v2, vm0, $0xb8;
	[tilespmem:$0x14200] =	vst v63  }
0x6a4: {  	s21 =	simm.s32 $0x5200;
	v0 =	vadd.s32 v1, v0  }
0x6a5: {  	[tilespmem:s21], [sflag:$0x1] =	stream.indirect_vreg.gather [hbm4b:s16+s4], $0x80, v2, vm0, $0xb8;
	[tilespmem:$0x14200] =	vst v63  }
0x6a6: {  	s22 =	simm.s32 $0x5A00  }
0x6a7: {  	[tilespmem:s22], [sflag:$0x1] =	stream.indirect_vreg.gather [hbm4b:s17+s4], $0x80, v2, vm0, $0xb8;
	[tilespmem:$0x14200] =	vst v63  }
0x6a8: {  	s9 =	simm.s32 $0x6200  }
0x6a9: {  	[tilespmem:s9], [sflag:$0x1] =	stream.indirect_vreg.gather [hbm4b:s1+s4], $0x80, v0, vm0, $0xb8;
	[tilespmem:$0x14200] =	vst v63  }
0x6aa: {  	s20 =	simm.s32 $0x6A00  }
0x6ab: {  	[tilespmem:s20], [sflag:$0x1] =	stream.indirect_vreg.gather [hbm4b:s15+s4], $0x80, v0, vm0, $0xb8;
	[tilespmem:$0x14200] =	vst v63  }
0x6ac: {  	s21 =	simm.s32 $0x7200  }
0x6ad: {  	[tilespmem:s21], [sflag:$0x1] =	stream.indirect_vreg.gather [hbm4b:s16+s4], $0x80, v0, vm0, $0xb8;
	[tilespmem:$0x14200] =	vst v63  }
0x6ae: {  	s22 =	simm.s32 $0x7A00  }
0x6af: {  	[tilespmem:s22], [sflag:$0x1] =	stream.indirect_vreg.gather [hbm4b:s17+s4], $0x80, v0, vm0, $0xb8;
	[tilespmem:$0x14200] =	vst v63  }
0x6b0: {  	_ =	swait.ge [sflag:s26], $0x4000  }
0x6b1: {  	[sflag:s26] =	ssyncset.done $0x0  }
0x6b2: {  	[sflag:s26] =	ssyncadd.s32 $0xFFFFC000  }
0x6b3: {  	v0 =	vld [tilespmem:s0+$0x80];
	_ =	sdelay $0x4  }
0x6b4: {  	v2 =	vshll.u32 v0, $0x3  }
0x6b5: {  	v0 =	vand.u32 $0x7, v0;
	v2 =	vand.u32 $0xFFFFFFC0, v2  }
0x6b6: {  	v0 =	vor.u32 v0, v2  }
0x6b7: {  	v2 =	vperm.xlane v0, v3;
	_ =	sdelay $0x1  }
0x6b8: {  	v2 =	vadd.s32 v1, v2;
	_ =	sdelay $0x4  }
0x6b9: {  	[tilespmem:s3], [sflag:$0x2] =	stream.indirect_vreg.gather [hbm4b:s1+s4], $0x80, v2, vm0, $0xb8;
	[tilespmem:$0x14200] =	vst v63  }
0x6ba: {  	s9 =	simm.s32 $0x8A00;
	v0 =	vperm.xlane v0, v63  }
0x6bb: {  	[tilespmem:s9], [sflag:$0x2] =	stream.indirect_vreg.gather [hbm4b:s15+s4], $0x80, v2, vm0, $0xb8;
	[tilespmem:$0x14200] =	vst v63  }
0x6bc: {  	s20 =	simm.s32 $0x9200;
	v0 =	vadd.s32 v1, v0  }
0x6bd: {  	[tilespmem:s20], [sflag:$0x2] =	stream.indirect_vreg.gather [hbm4b:s16+s4], $0x80, v2, vm0, $0xb8;
	[tilespmem:$0x14200] =	vst v63  }
0x6be: {  	s21 =	simm.s32 $0x9A00  }
0x6bf: {  	[tilespmem:s21], [sflag:$0x2] =	stream.indirect_vreg.gather [hbm4b:s17+s4], $0x80, v2, vm0, $0xb8;
	[tilespmem:$0x14200] =	vst v63  }
0x6c0: {  	s22 =	simm.s32 $0xA200  }
0x6c1: {  	[tilespmem:s22], [sflag:$0x2] =	stream.indirect_vreg.gather [hbm4b:s1+s4], $0x80, v0, vm0, $0xb8;
	[tilespmem:$0x14200] =	vst v63  }
0x6c2: {  	s9 =	simm.s32 $0xAA00  }
0x6c3: {  	[tilespmem:s9], [sflag:$0x2] =	stream.indirect_vreg.gather [hbm4b:s15+s4], $0x80, v0, vm0, $0xb8;
	[tilespmem:$0x14200] =	vst v63  }
0x6c4: {  	s20 =	simm.s32 $0xB200  }
0x6c5: {  	[tilespmem:s20], [sflag:$0x2] =	stream.indirect_vreg.gather [hbm4b:s16+s4], $0x80, v0, vm0, $0xb8;
	[tilespmem:$0x14200] =	vst v63  }
0x6c6: {  	s21 =	simm.s32 $0xBA00  }
0x6c7: {  	[tilespmem:s21], [sflag:$0x2] =	stream.indirect_vreg.gather [hbm4b:s17+s4], $0x80, v0, vm0, $0xb8;
	[tilespmem:$0x14200] =	vst v63  }
0x6c8: {  	_ =	swait.ge [sflag:s28], $0x4000  }
0x6c9: {  	[sflag:s28] =	ssyncset.done $0x0  }
0x6ca: {  	[sflag:s28] =	ssyncadd.s32 $0xFFFFC000  }
0x6cb: {  	v0 =	vld [tilespmem:s0+$0x100];
	_ =	sdelay $0x4  }
0x6cc: {  	v2 =	vshll.u32 v0, $0x3  }
0x6cd: {  	v0 =	vand.u32 $0x7, v0;
	v2 =	vand.u32 $0xFFFFFFC0, v2  }
0x6ce: {  	v0 =	vor.u32 v0, v2  }
0x6cf: {  	v2 =	vperm.xlane v0, v3;
	_ =	sdelay $0x1  }
0x6d0: {  	v2 =	vadd.s32 v1, v2;
	_ =	sdelay $0x4  }
0x6d1: {  	[tilespmem:s14], [sflag:$0x3] =	stream.indirect_vreg.gather [hbm4b:s1+s4], $0x80, v2, vm0, $0xb8;
	[tilespmem:$0x14200] =	vst v63  }
0x6d2: {  	s22 =	simm.s32 $0xCA00;
	v0 =	vperm.xlane v0, v63  }
0x6d3: {  	[tilespmem:s22], [sflag:$0x3] =	stream.indirect_vreg.gather [hbm4b:s15+s4], $0x80, v2, vm0, $0xb8;
	[tilespmem:$0x14200] =	vst v63  }
0x6d4: {  	s9 =	simm.s32 $0xD200;
	v0 =	vadd.s32 v1, v0  }
0x6d5: {  	[tilespmem:s9], [sflag:$0x3] =	stream.indirect_vreg.gather [hbm4b:s16+s4], $0x80, v2, vm0, $0xb8;
	[tilespmem:$0x14200] =	vst v63  }
0x6d6: {  	s20 =	simm.s32 $0xDA00  }
0x6d7: {  	[tilespmem:s20], [sflag:$0x3] =	stream.indirect_vreg.gather [hbm4b:s17+s4], $0x80, v2, vm0, $0xb8;
	[tilespmem:$0x14200] =	vst v63  }
0x6d8: {  	s21 =	simm.s32 $0xE200  }
0x6d9: {  	[tilespmem:s21], [sflag:$0x3] =	stream.indirect_vreg.gather [hbm4b:s1+s4], $0x80, v0, vm0, $0xb8;
	[tilespmem:$0x14200] =	vst v63  }
0x6da: {  	s22 =	simm.s32 $0xEA00  }
0x6db: {  	[tilespmem:s22], [sflag:$0x3] =	stream.indirect_vreg.gather [hbm4b:s15+s4], $0x80, v0, vm0, $0xb8;
	[tilespmem:$0x14200] =	vst v63  }
0x6dc: {  	s9 =	simm.s32 $0xF200  }
0x6dd: {  	[tilespmem:s9], [sflag:$0x3] =	stream.indirect_vreg.gather [hbm4b:s16+s4], $0x80, v0, vm0, $0xb8;
	[tilespmem:$0x14200] =	vst v63  }
0x6de: {  	s20 =	simm.s32 $0xFA00  }
0x6df: {  	[tilespmem:s20], [sflag:$0x3] =	stream.indirect_vreg.gather [hbm4b:s17+s4], $0x80, v0, vm0, $0xb8;
	[tilespmem:$0x14200] =	vst v63  }
0x6e0: {  	_ =	swait.ge [sflag:s29], $0x4000  }
0x6e1: {  	[sflag:s29] =	ssyncset.done $0x0  }
0x6e2: {  	[sflag:s29] =	ssyncadd.s32 $0xFFFFC000  }
0x6e3: {  	v0 =	vld [tilespmem:s0+$0x180];
	_ =	sdelay $0x4  }
0x6e4: {  	v2 =	vshll.u32 v0, $0x3  }
0x6e5: {  	v0 =	vand.u32 $0x7, v0;
	v2 =	vand.u32 $0xFFFFFFC0, v2  }
0x6e6: {  	v0 =	vor.u32 v0, v2  }
0x6e7: {  	v2 =	vperm.xlane v0, v3;
	_ =	sdelay $0x1  }
0x6e8: {  	v2 =	vadd.s32 v1, v2;
	_ =	sdelay $0x4  }
0x6e9: {  	[tilespmem:s30], [sflag:$0x4] =	stream.indirect_vreg.gather [hbm4b:s1+s4], $0x80, v2, vm0, $0xb8;
	[tilespmem:$0x14200] =	vst v63  }
0x6ea: {  	s21 =	simm.s32 $0x10A00;
	v0 =	vperm.xlane v0, v63  }
0x6eb: {  	[tilespmem:s21], [sflag:$0x4] =	stream.indirect_vreg.gather [hbm4b:s15+s4], $0x80, v2, vm0, $0xb8;
	[tilespmem:$0x14200] =	vst v63  }
0x6ec: {  	s22 =	simm.s32 $0x11200;
	v0 =	vadd.s32 v1, v0  }
0x6ed: {  	[tilespmem:s22], [sflag:$0x4] =	stream.indirect_vreg.gather [hbm4b:s16+s4], $0x80, v2, vm0, $0xb8;
	[tilespmem:$0x14200] =	vst v63  }
0x6ee: {  	s8 =	simm.s32 $0x11A00  }
0x6ef: {  	[tilespmem:s8], [sflag:$0x4] =	stream.indirect_vreg.gather [hbm4b:s17+s4], $0x80, v2, vm0, $0xb8;
	[tilespmem:$0x14200] =	vst v63  }
0x6f0: {  	s9 =	simm.s32 $0x12200  }
0x6f1: {  	[tilespmem:s9], [sflag:$0x4] =	stream.indirect_vreg.gather [hbm4b:s1+s4], $0x80, v0, vm0, $0xb8;
	[tilespmem:$0x14200] =	vst v63  }
0x6f2: {  	p0 =	sne.s32 s31, $0x8;
	s20 =	simm.s32 $0x12A00  }
0x6f3: {  	[tilespmem:s20], [sflag:$0x4] =	stream.indirect_vreg.gather [hbm4b:s15+s4], $0x80, v0, vm0, $0xb8;
	[tilespmem:$0x14200] =	vst v63  }
.Ltmp4:
0x6f4: {  	_ = 	snop;
	(pc) =	sbr.rel @p0 .LBB2_2-.Ltmp4, $4  }
0x6f5: {  	s21 =	simm.s32 $0x13200  }
0x6f6: {  	[tilespmem:s21], [sflag:$0x4] =	stream.indirect_vreg.gather [hbm4b:s16+s4], $0x80, v0, vm0, $0xb8;
	[tilespmem:$0x14200] =	vst v63  }
0x6f7: {  	s22 =	simm.s32 $0x13A00  }
0x6f8: {  	[tilespmem:s22], [sflag:$0x4] =	stream.indirect_vreg.gather [hbm4b:s17+s4], $0x80, v0, vm0, $0xb8;
	[tilespmem:$0x14200] =	vst v63  }
0x6f9: {  	_ =	swait.ge [sflag:s12], $0x4000  }
0x6fa: {  	[sflag:s12] =	ssyncset.done $0x0  }
0x6fb: {  	[sflag:s12] =	ssyncadd.s32 $0xFFFFC000  }
0x6fc: {  	_ =	swait.ge [sflag:s13], $0x4000  }
0x6fd: {  	[sflag:s13] =	ssyncset.done $0x0  }
0x6fe: {  	[sflag:s13] =	ssyncadd.s32 $0xFFFFC000  }
0x6ff: {  	_ =	swait.ge [sflag:s18], $0x4000  }
0x700: {  	[sflag:s18] =	ssyncset.done $0x0  }
0x701: {  	[sflag:s18] =	ssyncadd.s32 $0xFFFFC000  }
0x702: {  	_ =	swait.ge [sflag:s19], $0x4000  }
0x703: {  	[sflag:s19] =	ssyncset.done $0x0  }
0x704: {  	[sflag:s19] =	ssyncadd.s32 $0xFFFFC000  }
0x705: {  	_ =	swait.ge [sflag:s23], $0x4000  }
0x706: {  	s8 =	rddreg [dreg:$0xa]  }
0x707: {  	s0 =	rddreg [dreg:$0x9];
	s8 =	sadd.s32 $0x1, s8  }
0x708: {  	p0 =	sne.s32 s8, s0  }
.Ltmp5:
0x709: {  	_ = 	snop;
	(pc) =	sbr.rel @p0 .LBB2_1-.Ltmp5, $3  }
0x70a: {  	_ =	sdelay $0x1  }
0x70b: {  	[sflag:s23] =	ssyncset.done $0x0  }
0x70c: {  	[sflag:s23] =	ssyncadd.s32 $0xFFFFC000  }
0x70d: {  	_ =	sfence.sel $0x180000  }
0x70e: {  	[bflag:$0x0] =	sbarrier.arrive $0xFFFF  }
0x70f: {  	_ =	strace $0x90000047  }
0x710: {  	s0 =	stileid.u32;
	[bflag:$0x2] =	sbarrier.arrive $0xFFFF  }
0x711: {  	p0 =	sne.s32 s0, $0x0;
	s0 =	rddreg [dreg:$0x3]  }
0x712: {  	s0 =	sadd.s32 @!p0 $0x100000, s0  }
0x713: {  	[sflag:s0] =	ssyncadd.tile.s32 @!p0 $0x1;
	_ =	shalt  }
.Lfunc_end2:
_tile_overlayer_lowered:
.L_overlay_start_2:
0x714: {  	(tag) =	ssettag $0x2  }
0x715: {  	s0 =	rddreg [dreg:$0x0];
	s2 =	stileid.u32  }
0x716: {  	s1 =	rddreg [dreg:$0x1];
	p0 =	sne.s32 s2, $0x0  }
0x717: {  	s3 =	rddreg [dreg:$0x2];
	[bflag:$0x3] =	sbarrier.arrive $0xFFFF;
	s2 =	simm.s32 @!p0 $0x1C0A  }
0x718: {  	[timem:s3], [sflag:s2] =	dma.local @!p0 [hbm:s0], s1  }
0x719: {  	s0 =	simm.s32 @!p0 $0xA  }
0x71a: {  	_ =	swait.ge @!p0 [sflag:s0], s1  }
0x71b: {  	s1 =	ssub.s32 @!p0 $0x0, s1;
	[sflag:s0] =	ssyncset.done @!p0 $0x0  }
0x71c: {  	[sflag:s0] =	ssyncadd.s32 @!p0 s1  }
0x71d: {  	[bflag:$0x3] =	sbarrier.arrive $0xFFFF  }
0x71e: {  	_ =	shalt  }

</sc_bundles>
